<compile_context>
chip_gen: v7x
topology: tpu7x:2x2x1
jax: 0.10.2.dev20260603
libtpu: 0.0.44.dev20260713+nightly
codegen_flags: <defaults>
</compile_context>

<pallas_src>
import functools

import numpy as np
import jax
import jax.numpy as jnp
from jax.experimental import pallas as pl
from jax.experimental.pallas import tpu as pltpu
from jax.experimental.pallas import tpu_sc as plsc

_TINY = np.float32(np.finfo(np.float32).tiny)
_BLK = 16384
_SLC = 256
_SC_BLOCKS = 16
_BLK2 = 32768
_SC_CHUNK = 8192

_K0 = np.uint32(0)
_K1 = np.uint32(42)
_KS2 = np.uint32(np.uint32(0x1BD11BDA) ^ _K0 ^ _K1)
_ROT0 = (13, 15, 26, 6)
_ROT1 = (17, 29, 16, 24)


def _rotl(x, d):
    return (x << np.uint32(d)) | (x >> np.uint32(32 - d))


def _threefry_xor(x1):

    def rounds(x0, x1, rots):
        for r in rots:
            x0 = x0 + x1
            x1 = x0 ^ _rotl(x1, r)
        return x0, x1

    x0 = x1
    x1 = x0 ^ _rotl(x1, _ROT0[0])
    x0, x1 = rounds(x0, x1, _ROT0[1:])
    x0 = x0 + _K1
    x1 = x1 + np.uint32(_KS2 + np.uint32(1))
    x0, x1 = rounds(x0, x1, _ROT1)
    x0 = x0 + _KS2
    x1 = x1 + np.uint32(_K0 + np.uint32(2))
    x0, x1 = rounds(x0, x1, _ROT0)
    x0 = x0 + _K0
    x1 = x1 + np.uint32(_K1 + np.uint32(3))
    x0, x1 = rounds(x0, x1, _ROT1)
    x0 = x0 + _K1
    x1 = x1 + np.uint32(_KS2 + np.uint32(4))
    x0, x1 = rounds(x0, x1, _ROT0)
    x0 = x0 + _KS2
    x1 = x1 + np.uint32(_K0 + np.uint32(5))
    return x0 ^ x1


def _bits_to_u(bits):
    fb = (bits >> np.uint32(9)) | np.uint32(0x3F800000)
    f = jax.lax.bitcast_convert_type(fb, jnp.float32) - np.float32(1.0)
    return jnp.maximum(_TINY, f * np.float32(np.float32(1.0) - _TINY) + _TINY)



def _sc_body(u_ref, buf, *, V, col0, n_cols):
    b = jax.lax.axis_index("s") * 2 + jax.lax.axis_index("c")
    base = b * V + col0 + 42
    lane = jax.lax.iota(jnp.int32, 16)
    nch = n_cols // _SC_CHUNK

    def chunk(ci, _):
        def vec(vi, _):
            off = vi * 64
            for t in range(4):
                x1 = (lane + (base + ci * _SC_CHUNK + off + t * 16)
                      ).astype(jnp.uint32)
                buf[pl.ds(off + t * 16, 16)] = _bits_to_u(_threefry_xor(x1))
            return 0

        jax.lax.fori_loop(0, _SC_CHUNK // 64, vec, 0)
        pltpu.sync_copy(buf, u_ref.at[b, pl.ds(ci * _SC_CHUNK, _SC_CHUNK)])
        return 0

    jax.lax.fori_loop(0, nch, chunk, 0)


def _sc_u_values(B, V, col0, n_cols):
    mesh = plsc.VectorSubcoreMesh(core_axis_name="c", subcore_axis_name="s")
    body = functools.partial(_sc_body, V=V, col0=col0, n_cols=n_cols)
    try:
        fn = pl.kernel(
            body, mesh=mesh,
            out_type=jax.ShapeDtypeStruct((B, n_cols), jnp.float32),
            scratch_types=[pltpu.VMEM((_SC_CHUNK,), jnp.float32)],
        )
    except TypeError:
        fn = pl.kernel(
            body, mesh=mesh,
            out_shape=jax.ShapeDtypeStruct((B, n_cols), jnp.float32),
            scratch_shapes=[pltpu.VMEM((_SC_CHUNK,), jnp.float32)],
        )
    return fn()



def _tc1_kernel(logits_ref, vmax_ref, vidx_ref, *, V, B):
    k = pl.program_id(0)

    @pl.when(k == 0)
    def _init():
        vmax_ref[...] = jnp.full((B, _SLC), -jnp.inf, jnp.float32)
        vidx_ref[...] = jnp.zeros((B, _SLC), jnp.int32)

    nslc = _BLK // _SLC
    base_col = k * _BLK
    rv = (jax.lax.broadcasted_iota(jnp.uint32, (B, _SLC), 0) * np.uint32(V)
          + jax.lax.broadcasted_iota(jnp.uint32, (B, _SLC), 1))

    def body(s2, carry):
        vmax, vidx = carry
        vv = []
        for t in range(2):
            s = s2 * 2 + t
            col0 = s * _SLC
            x1 = rv + (base_col + col0 + 42).astype(jnp.uint32)
            u = _bits_to_u(_threefry_xor(x1))
            g2 = jnp.log(-jnp.log(u))
            vv.append((logits_ref[:, pl.ds(col0, _SLC)] - g2, s))
        for vals, s in vv:
            upd = vals > vmax
            sid = jnp.full((B, _SLC), 0, jnp.int32) + (k * nslc + s)
            vmax = jnp.where(upd, vals, vmax)
            vidx = jnp.where(upd, sid, vidx)
        return vmax, vidx

    vmax, vidx = jax.lax.fori_loop(
        0, nslc // 2, body, (vmax_ref[...], vidx_ref[...]))
    vmax_ref[...] = vmax
    vidx_ref[...] = vidx


def _tc2_kernel(logits_ref, u_ref, pv_ref, pi_ref, out_ref, vmax_ref, vidx_ref,
                *, nblk2, col_off, V, B):
    k = pl.program_id(0)

    @pl.when(k == 0)
    def _init():
        vmax_ref[...] = pv_ref[...]
        vidx_ref[...] = pi_ref[...]

    nslc = _BLK2 // _SLC
    base_col = col_off + k * _BLK2
    sid_base = col_off // _SLC + k * nslc
    coli = jax.lax.broadcasted_iota(jnp.int32, (B, _SLC), 1)

    def body(s2, carry):
        vmax, vidx = carry
        vv = []
        for t in range(2):
            s = s2 * 2 + t
            col0 = s * _SLC
            g2 = jnp.log(-jnp.log(u_ref[:, pl.ds(col0, _SLC)]))
            vals = logits_ref[:, pl.ds(col0, _SLC)] - g2
            vals = jnp.where(coli < V - (base_col + col0), vals, -jnp.inf)
            vv.append((vals, s))
        for vals, s in vv:
            upd = vals > vmax
            sid = jnp.full((B, _SLC), 0, jnp.int32) + (sid_base + s)
            vmax = jnp.where(upd, vals, vmax)
            vidx = jnp.where(upd, sid, vidx)
        return vmax, vidx

    vmax, vidx = jax.lax.fori_loop(
        0, nslc // 2, body, (vmax_ref[...], vidx_ref[...]))
    vmax_ref[...] = vmax
    vidx_ref[...] = vidx

    @pl.when(k == nblk2 - 1)
    def _done():
        vm = vmax_ref[...]
        m = jnp.max(vm, axis=1, keepdims=True)
        gidx = vidx_ref[...] * _SLC + coli
        out_ref[...] = jnp.min(
            jnp.where(vm == m, gidx, np.int32(2**30)), axis=1, keepdims=True)


def _tc_single_kernel(logits_ref, out_ref, vmax_ref, vidx_ref, *, nblk, V, B):
    k = pl.program_id(0)

    @pl.when(k == 0)
    def _init():
        vmax_ref[...] = jnp.full((B, _SLC), -jnp.inf, jnp.float32)
        vidx_ref[...] = jnp.zeros((B, _SLC), jnp.int32)

    nslc = _BLK // _SLC
    base_col = k * _BLK
    coli = jax.lax.broadcasted_iota(jnp.int32, (B, _SLC), 1)
    rv = (jax.lax.broadcasted_iota(jnp.uint32, (B, _SLC), 0) * np.uint32(V)
          + jax.lax.broadcasted_iota(jnp.uint32, (B, _SLC), 1))

    def body(s, carry):
        vmax, vidx = carry
        col0 = s * _SLC
        x1 = rv + (base_col + col0 + 42).astype(jnp.uint32)
        u = _bits_to_u(_threefry_xor(x1))
        g2 = jnp.log(-jnp.log(u))
        vals = logits_ref[:, pl.ds(col0, _SLC)] - g2
        vals = jnp.where(coli < V - (base_col + col0), vals, -jnp.inf)
        upd = vals > vmax
        sid = jnp.full((B, _SLC), 0, jnp.int32) + (k * nslc + s)
        return jnp.where(upd, vals, vmax), jnp.where(upd, sid, vidx)

    vmax, vidx = jax.lax.fori_loop(
        0, nslc, body, (vmax_ref[...], vidx_ref[...]))
    vmax_ref[...] = vmax
    vidx_ref[...] = vidx

    @pl.when(k == nblk - 1)
    def _done():
        vm = vmax_ref[...]
        m = jnp.max(vm, axis=1, keepdims=True)
        gidx = vidx_ref[...] * _SLC + coli
        out_ref[...] = jnp.min(
            jnp.where(vm == m, gidx, np.int32(2**30)), axis=1, keepdims=True)


def kernel(logits):
    B, V = logits.shape
    nblk = (V + _BLK - 1) // _BLK

    if nblk < 12:
        return pl.pallas_call(
            functools.partial(_tc_single_kernel, nblk=nblk, V=V, B=B),
            grid=(nblk,),
            in_specs=[pl.BlockSpec((B, _BLK), lambda k: (0, k))],
            out_specs=pl.BlockSpec((B, 1), lambda k: (0, 0)),
            out_shape=jax.ShapeDtypeStruct((B, 1), jnp.int32),
            scratch_shapes=[pltpu.VMEM((B, _SLC), jnp.float32),
                            pltpu.VMEM((B, _SLC), jnp.int32)],
        )(logits)

    rb = _BLK2 // _BLK
    sc_eff = min(_SC_BLOCKS, nblk - 8)
    nblk1 = min(((nblk - sc_eff + rb - 1) // rb) * rb, nblk - rb)
    nblk2 = -(-(V - nblk1 * _BLK) // _BLK2)

    u_tail = _sc_u_values(B, V, nblk1 * _BLK, nblk2 * _BLK2)

    pv, pi = pl.pallas_call(
        functools.partial(_tc1_kernel, V=V, B=B),
        grid=(nblk1,),
        in_specs=[pl.BlockSpec((B, _BLK), lambda k: (0, k))],
        out_specs=[pl.BlockSpec((B, _SLC), lambda k: (0, 0)),
                   pl.BlockSpec((B, _SLC), lambda k: (0, 0))],
        out_shape=[jax.ShapeDtypeStruct((B, _SLC), jnp.float32),
                   jax.ShapeDtypeStruct((B, _SLC), jnp.int32)],
    )(logits)

    return pl.pallas_call(
        functools.partial(_tc2_kernel, nblk2=nblk2, col_off=nblk1 * _BLK,
                          V=V, B=B),
        grid=(nblk2,),
        in_specs=[
            pl.BlockSpec((B, _BLK2), lambda k, o=nblk1 // rb: (0, k + o)),
            pl.BlockSpec((B, _BLK2), lambda k: (0, k)),
            pl.BlockSpec((B, _SLC), lambda k: (0, 0)),
            pl.BlockSpec((B, _SLC), lambda k: (0, 0)),
        ],
        out_specs=pl.BlockSpec((B, 1), lambda k: (0, 0)),
        out_shape=jax.ShapeDtypeStruct((B, 1), jnp.int32),
        scratch_shapes=[pltpu.VMEM((B, _SLC), jnp.float32),
                        pltpu.VMEM((B, _SLC), jnp.int32)],
    )(logits, u_tail, pv, pi)

# --- scband reference (transcript-rebuilt; emitter-appended) ---
"""Pipeline reference for scband-categorical-sampler-2018634629848 (READ-ONLY COPY).

The authoritative reference and input builder live on the scoring server;
editing this copy changes nothing except your own understanding.
"""

import jax, jax.numpy as jnp
import numpy as np

B = 32
VOCAB = 1000000
N_SAMPLES = 1

def setup_inputs(seed: int = 0) -> dict:
    key = jax.random.key(seed)
    logits = jax.random.normal(key, (B, VOCAB), dtype=jnp.float32)
    return {"logits": logits}

def reference(logits):
    # tf.random.categorical(logits, n_samples, dtype=tf.int32) equivalent via Gumbel-max trick
    key = jax.random.key(42)
    g = jax.random.gumbel(key, (logits.shape[0], N_SAMPLES, logits.shape[1]), dtype=logits.dtype)
    samples = jnp.argmax(logits[:, None, :] + g, axis=-1).astype(jnp.int32)
    return samples  # (batch, n_samples) int32

if __name__ == "__main__":
    import jax
    _d = setup_inputs()
    print(jax.jit(kernel)(*tuple(_d.values())))

</pallas_src>

<mosaic_0001>
#map = affine_map<(d0, d1) -> (0, 0)>
module attributes {stable_mosaic.version = 14 : i64} {
  func.func @_sc_body(%arg0: i32, %arg1: i32, %arg2: memref<32x262144xf32, #tpu.memory_space<hbm>>, %arg3: memref<8192xf32, #tpu.memory_space<vmem>>) attributes {dimension_semantics = [#tpu.dimension_semantics<core_parallel>, #tpu.dimension_semantics<subcore_parallel>], iteration_bounds = array<i64: 2, 16>, scalar_prefetch = 0 : i64, scratch_operands = 1 : i64, tpu.core_type = #tpu.core_type<sc_vector_subcore>, window_params = [{transform_indices = #map}]} {
    %mul3A = arith.constant 2 : i32
    %mul3A_0 = arith.muli %arg1, %mul3A : i32
    %add3A = arith.addi %mul3A_0, %arg0 : i32
    %mul3A_1 = arith.constant 1000000 : i32
    %mul3A_2 = arith.muli %add3A, %mul3A_1 : i32
    %add3A_3 = arith.constant 753664 : i32
    %add3A_4 = arith.addi %mul3A_2, %add3A_3 : i32
    %add3A_5 = arith.constant 42 : i32
    %add3A_6 = arith.addi %add3A_4, %add3A_5 : i32
    %iota3A = tpu.iota {dimensions = array<i32: 0>} : vector<16xi32>
    %scan3A = arith.constant 0 : i32
    %scan3A_7 = arith.constant 0 : i32
    %scan3A_8 = arith.constant 32 : i32
    %scan3A_9 = arith.addi %scan3A_7, %scan3A_8 : i32
    %scan3A_10 = arith.constant 1 : i32
    %scan3A_11 = scf.for %scan3A_13 = %scan3A_7 to %scan3A_9 step %scan3A_10 iter_args(%scan3A_14 = %scan3A) -> (i32)  : i32 {
      %scan3A_15 = arith.constant 0 : i32
      %scan3A_16 = arith.constant 0 : i32
      %scan3A_17 = arith.constant 128 : i32
      %scan3A_18 = arith.addi %scan3A_16, %scan3A_17 : i32
      %scan3A_19 = arith.constant 1 : i32
      %scan3A_20 = scf.for %scan3A_25 = %scan3A_16 to %scan3A_18 step %scan3A_19 iter_args(%scan3A_26 = %scan3A_15) -> (i32)  : i32 {
        %mul3A_27 = arith.constant 64 : i32
        %mul3A_28 = arith.muli %scan3A_25, %mul3A_27 : i32
        %mul3A_29 = arith.constant 8192 : i32
        %mul3A_30 = arith.muli %scan3A_13, %mul3A_29 : i32
        %add3A_31 = arith.addi %add3A_6, %mul3A_30 : i32
        %add3A_32 = arith.addi %add3A_31, %mul3A_28 : i32
        %add3A_33 = arith.constant 0 : i32
        %add3A_34 = arith.addi %add3A_32, %add3A_33 : i32
        %add3A_35 = vector.broadcast %add3A_34 : i32 to vector<16xi32>
        %add3A_36 = arith.addi %iota3A, %add3A_35 : vector<16xi32>
        %shift_left3A = arith.constant 13 : i32
        %shift_left3A_37 = vector.broadcast %shift_left3A : i32 to vector<16xi32>
        %shift_left3A_38 = arith.shli %add3A_36, %shift_left3A_37 : vector<16xi32>
        %shift_right_logical3A = arith.constant 19 : i32
        %shift_right_logical3A_39 = vector.broadcast %shift_right_logical3A : i32 to vector<16xi32>
        %shift_right_logical3A_40 = arith.shrui %add3A_36, %shift_right_logical3A_39 : vector<16xi32>
        %or3A = arith.ori %shift_left3A_38, %shift_right_logical3A_40 : vector<16xi32>
        %xor3A = arith.xori %add3A_36, %or3A : vector<16xi32>
        %add3A_41 = arith.addi %add3A_36, %xor3A : vector<16xi32>
        %shift_left3A_42 = arith.constant 15 : i32
        %shift_left3A_43 = vector.broadcast %shift_left3A_42 : i32 to vector<16xi32>
        %shift_left3A_44 = arith.shli %xor3A, %shift_left3A_43 : vector<16xi32>
        %shift_right_logical3A_45 = arith.constant 17 : i32
        %shift_right_logical3A_46 = vector.broadcast %shift_right_logical3A_45 : i32 to vector<16xi32>
        %shift_right_logical3A_47 = arith.shrui %xor3A, %shift_right_logical3A_46 : vector<16xi32>
        %or3A_48 = arith.ori %shift_left3A_44, %shift_right_logical3A_47 : vector<16xi32>
        %xor3A_49 = arith.xori %add3A_41, %or3A_48 : vector<16xi32>
        %add3A_50 = arith.addi %add3A_41, %xor3A_49 : vector<16xi32>
        %shift_left3A_51 = arith.constant 26 : i32
        %shift_left3A_52 = vector.broadcast %shift_left3A_51 : i32 to vector<16xi32>
        %shift_left3A_53 = arith.shli %xor3A_49, %shift_left3A_52 : vector<16xi32>
        %shift_right_logical3A_54 = arith.constant 6 : i32
        %shift_right_logical3A_55 = vector.broadcast %shift_right_logical3A_54 : i32 to vector<16xi32>
        %shift_right_logical3A_56 = arith.shrui %xor3A_49, %shift_right_logical3A_55 : vector<16xi32>
        %or3A_57 = arith.ori %shift_left3A_53, %shift_right_logical3A_56 : vector<16xi32>
        %xor3A_58 = arith.xori %add3A_50, %or3A_57 : vector<16xi32>
        %add3A_59 = arith.addi %add3A_50, %xor3A_58 : vector<16xi32>
        %shift_left3A_60 = arith.constant 6 : i32
        %shift_left3A_61 = vector.broadcast %shift_left3A_60 : i32 to vector<16xi32>
        %shift_left3A_62 = arith.shli %xor3A_58, %shift_left3A_61 : vector<16xi32>
        %shift_right_logical3A_63 = arith.constant 26 : i32
        %shift_right_logical3A_64 = vector.broadcast %shift_right_logical3A_63 : i32 to vector<16xi32>
        %shift_right_logical3A_65 = arith.shrui %xor3A_58, %shift_right_logical3A_64 : vector<16xi32>
        %or3A_66 = arith.ori %shift_left3A_62, %shift_right_logical3A_65 : vector<16xi32>
        %xor3A_67 = arith.xori %add3A_59, %or3A_66 : vector<16xi32>
        %add3A_68 = arith.constant 42 : i32
        %add3A_69 = vector.broadcast %add3A_68 : i32 to vector<16xi32>
        %add3A_70 = arith.addi %add3A_59, %add3A_69 : vector<16xi32>
        %add3A_71 = arith.constant 466689009 : i32
        %add3A_72 = vector.broadcast %add3A_71 : i32 to vector<16xi32>
        %add3A_73 = arith.addi %xor3A_67, %add3A_72 : vector<16xi32>
        %add3A_74 = arith.addi %add3A_70, %add3A_73 : vector<16xi32>
        %shift_left3A_75 = arith.constant 17 : i32
        %shift_left3A_76 = vector.broadcast %shift_left3A_75 : i32 to vector<16xi32>
        %shift_left3A_77 = arith.shli %add3A_73, %shift_left3A_76 : vector<16xi32>
        %shift_right_logical3A_78 = arith.constant 15 : i32
        %shift_right_logical3A_79 = vector.broadcast %shift_right_logical3A_78 : i32 to vector<16xi32>
        %shift_right_logical3A_80 = arith.shrui %add3A_73, %shift_right_logical3A_79 : vector<16xi32>
        %or3A_81 = arith.ori %shift_left3A_77, %shift_right_logical3A_80 : vector<16xi32>
        %xor3A_82 = arith.xori %add3A_74, %or3A_81 : vector<16xi32>
        %add3A_83 = arith.addi %add3A_74, %xor3A_82 : vector<16xi32>
        %shift_left3A_84 = arith.constant 29 : i32
        %shift_left3A_85 = vector.broadcast %shift_left3A_84 : i32 to vector<16xi32>
        %shift_left3A_86 = arith.shli %xor3A_82, %shift_left3A_85 : vector<16xi32>
        %shift_right_logical3A_87 = arith.constant 3 : i32
        %shift_right_logical3A_88 = vector.broadcast %shift_right_logical3A_87 : i32 to vector<16xi32>
        %shift_right_logical3A_89 = arith.shrui %xor3A_82, %shift_right_logical3A_88 : vector<16xi32>
        %or3A_90 = arith.ori %shift_left3A_86, %shift_right_logical3A_89 : vector<16xi32>
        %xor3A_91 = arith.xori %add3A_83, %or3A_90 : vector<16xi32>
        %add3A_92 = arith.addi %add3A_83, %xor3A_91 : vector<16xi32>
        %shift_left3A_93 = arith.constant 16 : i32
        %shift_left3A_94 = vector.broadcast %shift_left3A_93 : i32 to vector<16xi32>
        %shift_left3A_95 = arith.shli %xor3A_91, %shift_left3A_94 : vector<16xi32>
        %shift_right_logical3A_96 = arith.constant 16 : i32
        %shift_right_logical3A_97 = vector.broadcast %shift_right_logical3A_96 : i32 to vector<16xi32>
        %shift_right_logical3A_98 = arith.shrui %xor3A_91, %shift_right_logical3A_97 : vector<16xi32>
        %or3A_99 = arith.ori %shift_left3A_95, %shift_right_logical3A_98 : vector<16xi32>
        %xor3A_100 = arith.xori %add3A_92, %or3A_99 : vector<16xi32>
        %add3A_101 = arith.addi %add3A_92, %xor3A_100 : vector<16xi32>
        %shift_left3A_102 = arith.constant 24 : i32
        %shift_left3A_103 = vector.broadcast %shift_left3A_102 : i32 to vector<16xi32>
        %shift_left3A_104 = arith.shli %xor3A_100, %shift_left3A_103 : vector<16xi32>
        %shift_right_logical3A_105 = arith.constant 8 : i32
        %shift_right_logical3A_106 = vector.broadcast %shift_right_logical3A_105 : i32 to vector<16xi32>
        %shift_right_logical3A_107 = arith.shrui %xor3A_100, %shift_right_logical3A_106 : vector<16xi32>
        %or3A_108 = arith.ori %shift_left3A_104, %shift_right_logical3A_107 : vector<16xi32>
        %xor3A_109 = arith.xori %add3A_101, %or3A_108 : vector<16xi32>
        %add3A_110 = arith.constant 466689008 : i32
        %add3A_111 = vector.broadcast %add3A_110 : i32 to vector<16xi32>
        %add3A_112 = arith.addi %add3A_101, %add3A_111 : vector<16xi32>
        %add3A_113 = arith.constant 2 : i32
        %add3A_114 = vector.broadcast %add3A_113 : i32 to vector<16xi32>
        %add3A_115 = arith.addi %xor3A_109, %add3A_114 : vector<16xi32>
        %add3A_116 = arith.addi %add3A_112, %add3A_115 : vector<16xi32>
        %shift_left3A_117 = arith.constant 13 : i32
        %shift_left3A_118 = vector.broadcast %shift_left3A_117 : i32 to vector<16xi32>
        %shift_left3A_119 = arith.shli %add3A_115, %shift_left3A_118 : vector<16xi32>
        %shift_right_logical3A_120 = arith.constant 19 : i32
        %shift_right_logical3A_121 = vector.broadcast %shift_right_logical3A_120 : i32 to vector<16xi32>
        %shift_right_logical3A_122 = arith.shrui %add3A_115, %shift_right_logical3A_121 : vector<16xi32>
        %or3A_123 = arith.ori %shift_left3A_119, %shift_right_logical3A_122 : vector<16xi32>
        %xor3A_124 = arith.xori %add3A_116, %or3A_123 : vector<16xi32>
        %add3A_125 = arith.addi %add3A_116, %xor3A_124 : vector<16xi32>
        %shift_left3A_126 = arith.constant 15 : i32
        %shift_left3A_127 = vector.broadcast %shift_left3A_126 : i32 to vector<16xi32>
        %shift_left3A_128 = arith.shli %xor3A_124, %shift_left3A_127 : vector<16xi32>
        %shift_right_logical3A_129 = arith.constant 17 : i32
        %shift_right_logical3A_130 = vector.broadcast %shift_right_logical3A_129 : i32 to vector<16xi32>
        %shift_right_logical3A_131 = arith.shrui %xor3A_124, %shift_right_logical3A_130 : vector<16xi32>
        %or3A_132 = arith.ori %shift_left3A_128, %shift_right_logical3A_131 : vector<16xi32>
        %xor3A_133 = arith.xori %add3A_125, %or3A_132 : vector<16xi32>
        %add3A_134 = arith.addi %add3A_125, %xor3A_133 : vector<16xi32>
        %shift_left3A_135 = arith.constant 26 : i32
        %shift_left3A_136 = vector.broadcast %shift_left3A_135 : i32 to vector<16xi32>
        %shift_left3A_137 = arith.shli %xor3A_133, %shift_left3A_136 : vector<16xi32>
        %shift_right_logical3A_138 = arith.constant 6 : i32
        %shift_right_logical3A_139 = vector.broadcast %shift_right_logical3A_138 : i32 to vector<16xi32>
        %shift_right_logical3A_140 = arith.shrui %xor3A_133, %shift_right_logical3A_139 : vector<16xi32>
        %or3A_141 = arith.ori %shift_left3A_137, %shift_right_logical3A_140 : vector<16xi32>
        %xor3A_142 = arith.xori %add3A_134, %or3A_141 : vector<16xi32>
        %add3A_143 = arith.addi %add3A_134, %xor3A_142 : vector<16xi32>
        %shift_left3A_144 = arith.constant 6 : i32
        %shift_left3A_145 = vector.broadcast %shift_left3A_144 : i32 to vector<16xi32>
        %shift_left3A_146 = arith.shli %xor3A_142, %shift_left3A_145 : vector<16xi32>
        %shift_right_logical3A_147 = arith.constant 26 : i32
        %shift_right_logical3A_148 = vector.broadcast %shift_right_logical3A_147 : i32 to vector<16xi32>
        %shift_right_logical3A_149 = arith.shrui %xor3A_142, %shift_right_logical3A_148 : vector<16xi32>
        %or3A_150 = arith.ori %shift_left3A_146, %shift_right_logical3A_149 : vector<16xi32>
        %xor3A_151 = arith.xori %add3A_143, %or3A_150 : vector<16xi32>
        %add3A_152 = arith.constant 0 : i32
        %add3A_153 = vector.broadcast %add3A_152 : i32 to vector<16xi32>
        %add3A_154 = arith.addi %add3A_143, %add3A_153 : vector<16xi32>
        %add3A_155 = arith.constant 45 : i32
        %add3A_156 = vector.broadcast %add3A_155 : i32 to vector<16xi32>
        %add3A_157 = arith.addi %xor3A_151, %add3A_156 : vector<16xi32>
        %add3A_158 = arith.addi %add3A_154, %add3A_157 : vector<16xi32>
        %shift_left3A_159 = arith.constant 17 : i32
        %shift_left3A_160 = vector.broadcast %shift_left3A_159 : i32 to vector<16xi32>
        %shift_left3A_161 = arith.shli %add3A_157, %shift_left3A_160 : vector<16xi32>
        %shift_right_logical3A_162 = arith.constant 15 : i32
        %shift_right_logical3A_163 = vector.broadcast %shift_right_logical3A_162 : i32 to vector<16xi32>
        %shift_right_logical3A_164 = arith.shrui %add3A_157, %shift_right_logical3A_163 : vector<16xi32>
        %or3A_165 = arith.ori %shift_left3A_161, %shift_right_logical3A_164 : vector<16xi32>
        %xor3A_166 = arith.xori %add3A_158, %or3A_165 : vector<16xi32>
        %add3A_167 = arith.addi %add3A_158, %xor3A_166 : vector<16xi32>
        %shift_left3A_168 = arith.constant 29 : i32
        %shift_left3A_169 = vector.broadcast %shift_left3A_168 : i32 to vector<16xi32>
        %shift_left3A_170 = arith.shli %xor3A_166, %shift_left3A_169 : vector<16xi32>
        %shift_right_logical3A_171 = arith.constant 3 : i32
        %shift_right_logical3A_172 = vector.broadcast %shift_right_logical3A_171 : i32 to vector<16xi32>
        %shift_right_logical3A_173 = arith.shrui %xor3A_166, %shift_right_logical3A_172 : vector<16xi32>
        %or3A_174 = arith.ori %shift_left3A_170, %shift_right_logical3A_173 : vector<16xi32>
        %xor3A_175 = arith.xori %add3A_167, %or3A_174 : vector<16xi32>
        %add3A_176 = arith.addi %add3A_167, %xor3A_175 : vector<16xi32>
        %shift_left3A_177 = arith.constant 16 : i32
        %shift_left3A_178 = vector.broadcast %shift_left3A_177 : i32 to vector<16xi32>
        %shift_left3A_179 = arith.shli %xor3A_175, %shift_left3A_178 : vector<16xi32>
        %shift_right_logical3A_180 = arith.constant 16 : i32
        %shift_right_logical3A_181 = vector.broadcast %shift_right_logical3A_180 : i32 to vector<16xi32>
        %shift_right_logical3A_182 = arith.shrui %xor3A_175, %shift_right_logical3A_181 : vector<16xi32>
        %or3A_183 = arith.ori %shift_left3A_179, %shift_right_logical3A_182 : vector<16xi32>
        %xor3A_184 = arith.xori %add3A_176, %or3A_183 : vector<16xi32>
        %add3A_185 = arith.addi %add3A_176, %xor3A_184 : vector<16xi32>
        %shift_left3A_186 = arith.constant 24 : i32
        %shift_left3A_187 = vector.broadcast %shift_left3A_186 : i32 to vector<16xi32>
        %shift_left3A_188 = arith.shli %xor3A_184, %shift_left3A_187 : vector<16xi32>
        %shift_right_logical3A_189 = arith.constant 8 : i32
        %shift_right_logical3A_190 = vector.broadcast %shift_right_logical3A_189 : i32 to vector<16xi32>
        %shift_right_logical3A_191 = arith.shrui %xor3A_184, %shift_right_logical3A_190 : vector<16xi32>
        %or3A_192 = arith.ori %shift_left3A_188, %shift_right_logical3A_191 : vector<16xi32>
        %xor3A_193 = arith.xori %add3A_185, %or3A_192 : vector<16xi32>
        %add3A_194 = arith.constant 42 : i32
        %add3A_195 = vector.broadcast %add3A_194 : i32 to vector<16xi32>
        %add3A_196 = arith.addi %add3A_185, %add3A_195 : vector<16xi32>
        %add3A_197 = arith.constant 466689012 : i32
        %add3A_198 = vector.broadcast %add3A_197 : i32 to vector<16xi32>
        %add3A_199 = arith.addi %xor3A_193, %add3A_198 : vector<16xi32>
        %add3A_200 = arith.addi %add3A_196, %add3A_199 : vector<16xi32>
        %shift_left3A_201 = arith.constant 13 : i32
        %shift_left3A_202 = vector.broadcast %shift_left3A_201 : i32 to vector<16xi32>
        %shift_left3A_203 = arith.shli %add3A_199, %shift_left3A_202 : vector<16xi32>
        %shift_right_logical3A_204 = arith.constant 19 : i32
        %shift_right_logical3A_205 = vector.broadcast %shift_right_logical3A_204 : i32 to vector<16xi32>
        %shift_right_logical3A_206 = arith.shrui %add3A_199, %shift_right_logical3A_205 : vector<16xi32>
        %or3A_207 = arith.ori %shift_left3A_203, %shift_right_logical3A_206 : vector<16xi32>
        %xor3A_208 = arith.xori %add3A_200, %or3A_207 : vector<16xi32>
        %add3A_209 = arith.addi %add3A_200, %xor3A_208 : vector<16xi32>
        %shift_left3A_210 = arith.constant 15 : i32
        %shift_left3A_211 = vector.broadcast %shift_left3A_210 : i32 to vector<16xi32>
        %shift_left3A_212 = arith.shli %xor3A_208, %shift_left3A_211 : vector<16xi32>
        %shift_right_logical3A_213 = arith.constant 17 : i32
        %shift_right_logical3A_214 = vector.broadcast %shift_right_logical3A_213 : i32 to vector<16xi32>
        %shift_right_logical3A_215 = arith.shrui %xor3A_208, %shift_right_logical3A_214 : vector<16xi32>
        %or3A_216 = arith.ori %shift_left3A_212, %shift_right_logical3A_215 : vector<16xi32>
        %xor3A_217 = arith.xori %add3A_209, %or3A_216 : vector<16xi32>
        %add3A_218 = arith.addi %add3A_209, %xor3A_217 : vector<16xi32>
        %shift_left3A_219 = arith.constant 26 : i32
        %shift_left3A_220 = vector.broadcast %shift_left3A_219 : i32 to vector<16xi32>
        %shift_left3A_221 = arith.shli %xor3A_217, %shift_left3A_220 : vector<16xi32>
        %shift_right_logical3A_222 = arith.constant 6 : i32
        %shift_right_logical3A_223 = vector.broadcast %shift_right_logical3A_222 : i32 to vector<16xi32>
        %shift_right_logical3A_224 = arith.shrui %xor3A_217, %shift_right_logical3A_223 : vector<16xi32>
        %or3A_225 = arith.ori %shift_left3A_221, %shift_right_logical3A_224 : vector<16xi32>
        %xor3A_226 = arith.xori %add3A_218, %or3A_225 : vector<16xi32>
        %add3A_227 = arith.addi %add3A_218, %xor3A_226 : vector<16xi32>
        %shift_left3A_228 = arith.constant 6 : i32
        %shift_left3A_229 = vector.broadcast %shift_left3A_228 : i32 to vector<16xi32>
        %shift_left3A_230 = arith.shli %xor3A_226, %shift_left3A_229 : vector<16xi32>
        %shift_right_logical3A_231 = arith.constant 26 : i32
        %shift_right_logical3A_232 = vector.broadcast %shift_right_logical3A_231 : i32 to vector<16xi32>
        %shift_right_logical3A_233 = arith.shrui %xor3A_226, %shift_right_logical3A_232 : vector<16xi32>
        %or3A_234 = arith.ori %shift_left3A_230, %shift_right_logical3A_233 : vector<16xi32>
        %xor3A_235 = arith.xori %add3A_227, %or3A_234 : vector<16xi32>
        %add3A_236 = arith.constant 466689008 : i32
        %add3A_237 = vector.broadcast %add3A_236 : i32 to vector<16xi32>
        %add3A_238 = arith.addi %add3A_227, %add3A_237 : vector<16xi32>
        %add3A_239 = arith.constant 5 : i32
        %add3A_240 = vector.broadcast %add3A_239 : i32 to vector<16xi32>
        %add3A_241 = arith.addi %xor3A_235, %add3A_240 : vector<16xi32>
        %xor3A_242 = arith.xori %add3A_238, %add3A_241 : vector<16xi32>
        %shift_right_logical3A_243 = arith.constant 9 : i32
        %shift_right_logical3A_244 = vector.broadcast %shift_right_logical3A_243 : i32 to vector<16xi32>
        %shift_right_logical3A_245 = arith.shrui %xor3A_242, %shift_right_logical3A_244 : vector<16xi32>
        %or3A_246 = arith.constant 1065353216 : i32
        %or3A_247 = vector.broadcast %or3A_246 : i32 to vector<16xi32>
        %or3A_248 = arith.ori %shift_right_logical3A_245, %or3A_247 : vector<16xi32>
        %bitcast_convert_type3A = tpu.bitcast %or3A_248 : vector<16xi32> -> vector<16xf32>
        %sub3A = arith.constant 1.000000e+00 : f32
        %sub3A_249 = vector.broadcast %sub3A : f32 to vector<16xf32>
        %sub3A_250 = arith.subf %bitcast_convert_type3A, %sub3A_249 : vector<16xf32>
        %mul3A_251 = arith.constant 1.000000e+00 : f32
        %mul3A_252 = vector.broadcast %mul3A_251 : f32 to vector<16xf32>
        %mul3A_253 = arith.mulf %sub3A_250, %mul3A_252 : vector<16xf32>
        %add3A_254 = arith.constant 1.17549435E-38 : f32
        %add3A_255 = vector.broadcast %add3A_254 : f32 to vector<16xf32>
        %add3A_256 = arith.addf %mul3A_253, %add3A_255 : vector<16xf32>
        %max3A = arith.constant 1.17549435E-38 : f32
        %max3A_257 = vector.broadcast %max3A : f32 to vector<16xf32>
        %max3A_258 = arith.maximumf %max3A_257, %add3A_256 : vector<16xf32>
        %add3A_259 = arith.constant 0 : i32
        %add3A_260 = arith.addi %mul3A_28, %add3A_259 : i32
        %swap3A = arith.index_cast %add3A_260 : i32 to index
        %swap3A_261 = tpu.vector_load %arg3[%swap3A] {strides = array<i32>} : memref<8192xf32, #tpu.memory_space<vmem>>, vector<16xf32>,
        %swap3A_262 = vector.shape_cast %swap3A_261 : vector<16xf32> to vector<16xf32>
        %swap3A_263 = vector.shape_cast %max3A_258 : vector<16xf32> to vector<16xf32>
        tpu.vector_store %arg3[%swap3A], %swap3A_263 {strides = array<i32>} : memref<8192xf32, #tpu.memory_space<vmem>>, vector<16xf32>,
        %mul3A_264 = arith.constant 8192 : i32
        %mul3A_265 = arith.muli %scan3A_13, %mul3A_264 : i32
        %add3A_266 = arith.addi %add3A_6, %mul3A_265 : i32
        %add3A_267 = arith.addi %add3A_266, %mul3A_28 : i32
        %add3A_268 = arith.constant 16 : i32
        %add3A_269 = arith.addi %add3A_267, %add3A_268 : i32
        %add3A_270 = vector.broadcast %add3A_269 : i32 to vector<16xi32>
        %add3A_271 = arith.addi %iota3A, %add3A_270 : vector<16xi32>
        %shift_left3A_272 = arith.constant 13 : i32
        %shift_left3A_273 = vector.broadcast %shift_left3A_272 : i32 to vector<16xi32>
        %shift_left3A_274 = arith.shli %add3A_271, %shift_left3A_273 : vector<16xi32>
        %shift_right_logical3A_275 = arith.constant 19 : i32
        %shift_right_logical3A_276 = vector.broadcast %shift_right_logical3A_275 : i32 to vector<16xi32>
        %shift_right_logical3A_277 = arith.shrui %add3A_271, %shift_right_logical3A_276 : vector<16xi32>
        %or3A_278 = arith.ori %shift_left3A_274, %shift_right_logical3A_277 : vector<16xi32>
        %xor3A_279 = arith.xori %add3A_271, %or3A_278 : vector<16xi32>
        %add3A_280 = arith.addi %add3A_271, %xor3A_279 : vector<16xi32>
        %shift_left3A_281 = arith.constant 15 : i32
        %shift_left3A_282 = vector.broadcast %shift_left3A_281 : i32 to vector<16xi32>
        %shift_left3A_283 = arith.shli %xor3A_279, %shift_left3A_282 : vector<16xi32>
        %shift_right_logical3A_284 = arith.constant 17 : i32
        %shift_right_logical3A_285 = vector.broadcast %shift_right_logical3A_284 : i32 to vector<16xi32>
        %shift_right_logical3A_286 = arith.shrui %xor3A_279, %shift_right_logical3A_285 : vector<16xi32>
        %or3A_287 = arith.ori %shift_left3A_283, %shift_right_logical3A_286 : vector<16xi32>
        %xor3A_288 = arith.xori %add3A_280, %or3A_287 : vector<16xi32>
        %add3A_289 = arith.addi %add3A_280, %xor3A_288 : vector<16xi32>
        %shift_left3A_290 = arith.constant 26 : i32
        %shift_left3A_291 = vector.broadcast %shift_left3A_290 : i32 to vector<16xi32>
        %shift_left3A_292 = arith.shli %xor3A_288, %shift_left3A_291 : vector<16xi32>
        %shift_right_logical3A_293 = arith.constant 6 : i32
        %shift_right_logical3A_294 = vector.broadcast %shift_right_logical3A_293 : i32 to vector<16xi32>
        %shift_right_logical3A_295 = arith.shrui %xor3A_288, %shift_right_logical3A_294 : vector<16xi32>
        %or3A_296 = arith.ori %shift_left3A_292, %shift_right_logical3A_295 : vector<16xi32>
        %xor3A_297 = arith.xori %add3A_289, %or3A_296 : vector<16xi32>
        %add3A_298 = arith.addi %add3A_289, %xor3A_297 : vector<16xi32>
        %shift_left3A_299 = arith.constant 6 : i32
        %shift_left3A_300 = vector.broadcast %shift_left3A_299 : i32 to vector<16xi32>
        %shift_left3A_301 = arith.shli %xor3A_297, %shift_left3A_300 : vector<16xi32>
        %shift_right_logical3A_302 = arith.constant 26 : i32
        %shift_right_logical3A_303 = vector.broadcast %shift_right_logical3A_302 : i32 to vector<16xi32>
        %shift_right_logical3A_304 = arith.shrui %xor3A_297, %shift_right_logical3A_303 : vector<16xi32>
        %or3A_305 = arith.ori %shift_left3A_301, %shift_right_logical3A_304 : vector<16xi32>
        %xor3A_306 = arith.xori %add3A_298, %or3A_305 : vector<16xi32>
        %add3A_307 = arith.constant 42 : i32
        %add3A_308 = vector.broadcast %add3A_307 : i32 to vector<16xi32>
        %add3A_309 = arith.addi %add3A_298, %add3A_308 : vector<16xi32>
        %add3A_310 = arith.constant 466689009 : i32
        %add3A_311 = vector.broadcast %add3A_310 : i32 to vector<16xi32>
        %add3A_312 = arith.addi %xor3A_306, %add3A_311 : vector<16xi32>
        %add3A_313 = arith.addi %add3A_309, %add3A_312 : vector<16xi32>
        %shift_left3A_314 = arith.constant 17 : i32
        %shift_left3A_315 = vector.broadcast %shift_left3A_314 : i32 to vector<16xi32>
        %shift_left3A_316 = arith.shli %add3A_312, %shift_left3A_315 : vector<16xi32>
        %shift_right_logical3A_317 = arith.constant 15 : i32
        %shift_right_logical3A_318 = vector.broadcast %shift_right_logical3A_317 : i32 to vector<16xi32>
        %shift_right_logical3A_319 = arith.shrui %add3A_312, %shift_right_logical3A_318 : vector<16xi32>
        %or3A_320 = arith.ori %shift_left3A_316, %shift_right_logical3A_319 : vector<16xi32>
        %xor3A_321 = arith.xori %add3A_313, %or3A_320 : vector<16xi32>
        %add3A_322 = arith.addi %add3A_313, %xor3A_321 : vector<16xi32>
        %shift_left3A_323 = arith.constant 29 : i32
        %shift_left3A_324 = vector.broadcast %shift_left3A_323 : i32 to vector<16xi32>
        %shift_left3A_325 = arith.shli %xor3A_321, %shift_left3A_324 : vector<16xi32>
        %shift_right_logical3A_326 = arith.constant 3 : i32
        %shift_right_logical3A_327 = vector.broadcast %shift_right_logical3A_326 : i32 to vector<16xi32>
        %shift_right_logical3A_328 = arith.shrui %xor3A_321, %shift_right_logical3A_327 : vector<16xi32>
        %or3A_329 = arith.ori %shift_left3A_325, %shift_right_logical3A_328 : vector<16xi32>
        %xor3A_330 = arith.xori %add3A_322, %or3A_329 : vector<16xi32>
        %add3A_331 = arith.addi %add3A_322, %xor3A_330 : vector<16xi32>
        %shift_left3A_332 = arith.constant 16 : i32
        %shift_left3A_333 = vector.broadcast %shift_left3A_332 : i32 to vector<16xi32>
        %shift_left3A_334 = arith.shli %xor3A_330, %shift_left3A_333 : vector<16xi32>
        %shift_right_logical3A_335 = arith.constant 16 : i32
        %shift_right_logical3A_336 = vector.broadcast %shift_right_logical3A_335 : i32 to vector<16xi32>
        %shift_right_logical3A_337 = arith.shrui %xor3A_330, %shift_right_logical3A_336 : vector<16xi32>
        %or3A_338 = arith.ori %shift_left3A_334, %shift_right_logical3A_337 : vector<16xi32>
        %xor3A_339 = arith.xori %add3A_331, %or3A_338 : vector<16xi32>
        %add3A_340 = arith.addi %add3A_331, %xor3A_339 : vector<16xi32>
        %shift_left3A_341 = arith.constant 24 : i32
        %shift_left3A_342 = vector.broadcast %shift_left3A_341 : i32 to vector<16xi32>
        %shift_left3A_343 = arith.shli %xor3A_339, %shift_left3A_342 : vector<16xi32>
        %shift_right_logical3A_344 = arith.constant 8 : i32
        %shift_right_logical3A_345 = vector.broadcast %shift_right_logical3A_344 : i32 to vector<16xi32>
        %shift_right_logical3A_346 = arith.shrui %xor3A_339, %shift_right_logical3A_345 : vector<16xi32>
        %or3A_347 = arith.ori %shift_left3A_343, %shift_right_logical3A_346 : vector<16xi32>
        %xor3A_348 = arith.xori %add3A_340, %or3A_347 : vector<16xi32>
        %add3A_349 = arith.constant 466689008 : i32
        %add3A_350 = vector.broadcast %add3A_349 : i32 to vector<16xi32>
        %add3A_351 = arith.addi %add3A_340, %add3A_350 : vector<16xi32>
        %add3A_352 = arith.constant 2 : i32
        %add3A_353 = vector.broadcast %add3A_352 : i32 to vector<16xi32>
        %add3A_354 = arith.addi %xor3A_348, %add3A_353 : vector<16xi32>
        %add3A_355 = arith.addi %add3A_351, %add3A_354 : vector<16xi32>
        %shift_left3A_356 = arith.constant 13 : i32
        %shift_left3A_357 = vector.broadcast %shift_left3A_356 : i32 to vector<16xi32>
        %shift_left3A_358 = arith.shli %add3A_354, %shift_left3A_357 : vector<16xi32>
        %shift_right_logical3A_359 = arith.constant 19 : i32
        %shift_right_logical3A_360 = vector.broadcast %shift_right_logical3A_359 : i32 to vector<16xi32>
        %shift_right_logical3A_361 = arith.shrui %add3A_354, %shift_right_logical3A_360 : vector<16xi32>
        %or3A_362 = arith.ori %shift_left3A_358, %shift_right_logical3A_361 : vector<16xi32>
        %xor3A_363 = arith.xori %add3A_355, %or3A_362 : vector<16xi32>
        %add3A_364 = arith.addi %add3A_355, %xor3A_363 : vector<16xi32>
        %shift_left3A_365 = arith.constant 15 : i32
        %shift_left3A_366 = vector.broadcast %shift_left3A_365 : i32 to vector<16xi32>
        %shift_left3A_367 = arith.shli %xor3A_363, %shift_left3A_366 : vector<16xi32>
        %shift_right_logical3A_368 = arith.constant 17 : i32
        %shift_right_logical3A_369 = vector.broadcast %shift_right_logical3A_368 : i32 to vector<16xi32>
        %shift_right_logical3A_370 = arith.shrui %xor3A_363, %shift_right_logical3A_369 : vector<16xi32>
        %or3A_371 = arith.ori %shift_left3A_367, %shift_right_logical3A_370 : vector<16xi32>
        %xor3A_372 = arith.xori %add3A_364, %or3A_371 : vector<16xi32>
        %add3A_373 = arith.addi %add3A_364, %xor3A_372 : vector<16xi32>
        %shift_left3A_374 = arith.constant 26 : i32
        %shift_left3A_375 = vector.broadcast %shift_left3A_374 : i32 to vector<16xi32>
        %shift_left3A_376 = arith.shli %xor3A_372, %shift_left3A_375 : vector<16xi32>
        %shift_right_logical3A_377 = arith.constant 6 : i32
        %shift_right_logical3A_378 = vector.broadcast %shift_right_logical3A_377 : i32 to vector<16xi32>
        %shift_right_logical3A_379 = arith.shrui %xor3A_372, %shift_right_logical3A_378 : vector<16xi32>
        %or3A_380 = arith.ori %shift_left3A_376, %shift_right_logical3A_379 : vector<16xi32>
        %xor3A_381 = arith.xori %add3A_373, %or3A_380 : vector<16xi32>
        %add3A_382 = arith.addi %add3A_373, %xor3A_381 : vector<16xi32>
        %shift_left3A_383 = arith.constant 6 : i32
        %shift_left3A_384 = vector.broadcast %shift_left3A_383 : i32 to vector<16xi32>
        %shift_left3A_385 = arith.shli %xor3A_381, %shift_left3A_384 : vector<16xi32>
        %shift_right_logical3A_386 = arith.constant 26 : i32
        %shift_right_logical3A_387 = vector.broadcast %shift_right_logical3A_386 : i32 to vector<16xi32>
        %shift_right_logical3A_388 = arith.shrui %xor3A_381, %shift_right_logical3A_387 : vector<16xi32>
        %or3A_389 = arith.ori %shift_left3A_385, %shift_right_logical3A_388 : vector<16xi32>
        %xor3A_390 = arith.xori %add3A_382, %or3A_389 : vector<16xi32>
        %add3A_391 = arith.constant 0 : i32
        %add3A_392 = vector.broadcast %add3A_391 : i32 to vector<16xi32>
        %add3A_393 = arith.addi %add3A_382, %add3A_392 : vector<16xi32>
        %add3A_394 = arith.constant 45 : i32
        %add3A_395 = vector.broadcast %add3A_394 : i32 to vector<16xi32>
        %add3A_396 = arith.addi %xor3A_390, %add3A_395 : vector<16xi32>
        %add3A_397 = arith.addi %add3A_393, %add3A_396 : vector<16xi32>
        %shift_left3A_398 = arith.constant 17 : i32
        %shift_left3A_399 = vector.broadcast %shift_left3A_398 : i32 to vector<16xi32>
        %shift_left3A_400 = arith.shli %add3A_396, %shift_left3A_399 : vector<16xi32>
        %shift_right_logical3A_401 = arith.constant 15 : i32
        %shift_right_logical3A_402 = vector.broadcast %shift_right_logical3A_401 : i32 to vector<16xi32>
        %shift_right_logical3A_403 = arith.shrui %add3A_396, %shift_right_logical3A_402 : vector<16xi32>
        %or3A_404 = arith.ori %shift_left3A_400, %shift_right_logical3A_403 : vector<16xi32>
        %xor3A_405 = arith.xori %add3A_397, %or3A_404 : vector<16xi32>
        %add3A_406 = arith.addi %add3A_397, %xor3A_405 : vector<16xi32>
        %shift_left3A_407 = arith.constant 29 : i32
        %shift_left3A_408 = vector.broadcast %shift_left3A_407 : i32 to vector<16xi32>
        %shift_left3A_409 = arith.shli %xor3A_405, %shift_left3A_408 : vector<16xi32>
        %shift_right_logical3A_410 = arith.constant 3 : i32
        %shift_right_logical3A_411 = vector.broadcast %shift_right_logical3A_410 : i32 to vector<16xi32>
        %shift_right_logical3A_412 = arith.shrui %xor3A_405, %shift_right_logical3A_411 : vector<16xi32>
        %or3A_413 = arith.ori %shift_left3A_409, %shift_right_logical3A_412 : vector<16xi32>
        %xor3A_414 = arith.xori %add3A_406, %or3A_413 : vector<16xi32>
        %add3A_415 = arith.addi %add3A_406, %xor3A_414 : vector<16xi32>
        %shift_left3A_416 = arith.constant 16 : i32
        %shift_left3A_417 = vector.broadcast %shift_left3A_416 : i32 to vector<16xi32>
        %shift_left3A_418 = arith.shli %xor3A_414, %shift_left3A_417 : vector<16xi32>
        %shift_right_logical3A_419 = arith.constant 16 : i32
        %shift_right_logical3A_420 = vector.broadcast %shift_right_logical3A_419 : i32 to vector<16xi32>
        %shift_right_logical3A_421 = arith.shrui %xor3A_414, %shift_right_logical3A_420 : vector<16xi32>
        %or3A_422 = arith.ori %shift_left3A_418, %shift_right_logical3A_421 : vector<16xi32>
        %xor3A_423 = arith.xori %add3A_415, %or3A_422 : vector<16xi32>
        %add3A_424 = arith.addi %add3A_415, %xor3A_423 : vector<16xi32>
        %shift_left3A_425 = arith.constant 24 : i32
        %shift_left3A_426 = vector.broadcast %shift_left3A_425 : i32 to vector<16xi32>
        %shift_left3A_427 = arith.shli %xor3A_423, %shift_left3A_426 : vector<16xi32>
        %shift_right_logical3A_428 = arith.constant 8 : i32
        %shift_right_logical3A_429 = vector.broadcast %shift_right_logical3A_428 : i32 to vector<16xi32>
        %shift_right_logical3A_430 = arith.shrui %xor3A_423, %shift_right_logical3A_429 : vector<16xi32>
        %or3A_431 = arith.ori %shift_left3A_427, %shift_right_logical3A_430 : vector<16xi32>
        %xor3A_432 = arith.xori %add3A_424, %or3A_431 : vector<16xi32>
        %add3A_433 = arith.constant 42 : i32
        %add3A_434 = vector.broadcast %add3A_433 : i32 to vector<16xi32>
        %add3A_435 = arith.addi %add3A_424, %add3A_434 : vector<16xi32>
        %add3A_436 = arith.constant 466689012 : i32
        %add3A_437 = vector.broadcast %add3A_436 : i32 to vector<16xi32>
        %add3A_438 = arith.addi %xor3A_432, %add3A_437 : vector<16xi32>
        %add3A_439 = arith.addi %add3A_435, %add3A_438 : vector<16xi32>
        %shift_left3A_440 = arith.constant 13 : i32
        %shift_left3A_441 = vector.broadcast %shift_left3A_440 : i32 to vector<16xi32>
        %shift_left3A_442 = arith.shli %add3A_438, %shift_left3A_441 : vector<16xi32>
        %shift_right_logical3A_443 = arith.constant 19 : i32
        %shift_right_logical3A_444 = vector.broadcast %shift_right_logical3A_443 : i32 to vector<16xi32>
        %shift_right_logical3A_445 = arith.shrui %add3A_438, %shift_right_logical3A_444 : vector<16xi32>
        %or3A_446 = arith.ori %shift_left3A_442, %shift_right_logical3A_445 : vector<16xi32>
        %xor3A_447 = arith.xori %add3A_439, %or3A_446 : vector<16xi32>
        %add3A_448 = arith.addi %add3A_439, %xor3A_447 : vector<16xi32>
        %shift_left3A_449 = arith.constant 15 : i32
        %shift_left3A_450 = vector.broadcast %shift_left3A_449 : i32 to vector<16xi32>
        %shift_left3A_451 = arith.shli %xor3A_447, %shift_left3A_450 : vector<16xi32>
        %shift_right_logical3A_452 = arith.constant 17 : i32
        %shift_right_logical3A_453 = vector.broadcast %shift_right_logical3A_452 : i32 to vector<16xi32>
        %shift_right_logical3A_454 = arith.shrui %xor3A_447, %shift_right_logical3A_453 : vector<16xi32>
        %or3A_455 = arith.ori %shift_left3A_451, %shift_right_logical3A_454 : vector<16xi32>
        %xor3A_456 = arith.xori %add3A_448, %or3A_455 : vector<16xi32>
        %add3A_457 = arith.addi %add3A_448, %xor3A_456 : vector<16xi32>
        %shift_left3A_458 = arith.constant 26 : i32
        %shift_left3A_459 = vector.broadcast %shift_left3A_458 : i32 to vector<16xi32>
        %shift_left3A_460 = arith.shli %xor3A_456, %shift_left3A_459 : vector<16xi32>
        %shift_right_logical3A_461 = arith.constant 6 : i32
        %shift_right_logical3A_462 = vector.broadcast %shift_right_logical3A_461 : i32 to vector<16xi32>
        %shift_right_logical3A_463 = arith.shrui %xor3A_456, %shift_right_logical3A_462 : vector<16xi32>
        %or3A_464 = arith.ori %shift_left3A_460, %shift_right_logical3A_463 : vector<16xi32>
        %xor3A_465 = arith.xori %add3A_457, %or3A_464 : vector<16xi32>
        %add3A_466 = arith.addi %add3A_457, %xor3A_465 : vector<16xi32>
        %shift_left3A_467 = arith.constant 6 : i32
        %shift_left3A_468 = vector.broadcast %shift_left3A_467 : i32 to vector<16xi32>
        %shift_left3A_469 = arith.shli %xor3A_465, %shift_left3A_468 : vector<16xi32>
        %shift_right_logical3A_470 = arith.constant 26 : i32
        %shift_right_logical3A_471 = vector.broadcast %shift_right_logical3A_470 : i32 to vector<16xi32>
        %shift_right_logical3A_472 = arith.shrui %xor3A_465, %shift_right_logical3A_471 : vector<16xi32>
        %or3A_473 = arith.ori %shift_left3A_469, %shift_right_logical3A_472 : vector<16xi32>
        %xor3A_474 = arith.xori %add3A_466, %or3A_473 : vector<16xi32>
        %add3A_475 = arith.constant 466689008 : i32
        %add3A_476 = vector.broadcast %add3A_475 : i32 to vector<16xi32>
        %add3A_477 = arith.addi %add3A_466, %add3A_476 : vector<16xi32>
        %add3A_478 = arith.constant 5 : i32
        %add3A_479 = vector.broadcast %add3A_478 : i32 to vector<16xi32>
        %add3A_480 = arith.addi %xor3A_474, %add3A_479 : vector<16xi32>
        %xor3A_481 = arith.xori %add3A_477, %add3A_480 : vector<16xi32>
        %shift_right_logical3A_482 = arith.constant 9 : i32
        %shift_right_logical3A_483 = vector.broadcast %shift_right_logical3A_482 : i32 to vector<16xi32>
        %shift_right_logical3A_484 = arith.shrui %xor3A_481, %shift_right_logical3A_483 : vector<16xi32>
        %or3A_485 = arith.constant 1065353216 : i32
        %or3A_486 = vector.broadcast %or3A_485 : i32 to vector<16xi32>
        %or3A_487 = arith.ori %shift_right_logical3A_484, %or3A_486 : vector<16xi32>
        %bitcast_convert_type3A_488 = tpu.bitcast %or3A_487 : vector<16xi32> -> vector<16xf32>
        %sub3A_489 = arith.constant 1.000000e+00 : f32
        %sub3A_490 = vector.broadcast %sub3A_489 : f32 to vector<16xf32>
        %sub3A_491 = arith.subf %bitcast_convert_type3A_488, %sub3A_490 : vector<16xf32>
        %mul3A_492 = arith.constant 1.000000e+00 : f32
        %mul3A_493 = vector.broadcast %mul3A_492 : f32 to vector<16xf32>
        %mul3A_494 = arith.mulf %sub3A_491, %mul3A_493 : vector<16xf32>
        %add3A_495 = arith.constant 1.17549435E-38 : f32
        %add3A_496 = vector.broadcast %add3A_495 : f32 to vector<16xf32>
        %add3A_497 = arith.addf %mul3A_494, %add3A_496 : vector<16xf32>
        %max3A_498 = arith.constant 1.17549435E-38 : f32
        %max3A_499 = vector.broadcast %max3A_498 : f32 to vector<16xf32>
        %max3A_500 = arith.maximumf %max3A_499, %add3A_497 : vector<16xf32>
        %add3A_501 = arith.constant 16 : i32
        %add3A_502 = arith.addi %mul3A_28, %add3A_501 : i32
        %swap3A_503 = arith.index_cast %add3A_502 : i32 to index
        %swap3A_504 = tpu.vector_load %arg3[%swap3A_503] {strides = array<i32>} : memref<8192xf32, #tpu.memory_space<vmem>>, vector<16xf32>,
        %swap3A_505 = vector.shape_cast %swap3A_504 : vector<16xf32> to vector<16xf32>
        %swap3A_506 = vector.shape_cast %max3A_500 : vector<16xf32> to vector<16xf32>
        tpu.vector_store %arg3[%swap3A_503], %swap3A_506 {strides = array<i32>} : memref<8192xf32, #tpu.memory_space<vmem>>, vector<16xf32>,
        %mul3A_507 = arith.constant 8192 : i32
        %mul3A_508 = arith.muli %scan3A_13, %mul3A_507 : i32
        %add3A_509 = arith.addi %add3A_6, %mul3A_508 : i32
        %add3A_510 = arith.addi %add3A_509, %mul3A_28 : i32
        %add3A_511 = arith.constant 32 : i32
        %add3A_512 = arith.addi %add3A_510, %add3A_511 : i32
        %add3A_513 = vector.broadcast %add3A_512 : i32 to vector<16xi32>
        %add3A_514 = arith.addi %iota3A, %add3A_513 : vector<16xi32>
        %shift_left3A_515 = arith.constant 13 : i32
        %shift_left3A_516 = vector.broadcast %shift_left3A_515 : i32 to vector<16xi32>
        %shift_left3A_517 = arith.shli %add3A_514, %shift_left3A_516 : vector<16xi32>
        %shift_right_logical3A_518 = arith.constant 19 : i32
        %shift_right_logical3A_519 = vector.broadcast %shift_right_logical3A_518 : i32 to vector<16xi32>
        %shift_right_logical3A_520 = arith.shrui %add3A_514, %shift_right_logical3A_519 : vector<16xi32>
        %or3A_521 = arith.ori %shift_left3A_517, %shift_right_logical3A_520 : vector<16xi32>
        %xor3A_522 = arith.xori %add3A_514, %or3A_521 : vector<16xi32>
        %add3A_523 = arith.addi %add3A_514, %xor3A_522 : vector<16xi32>
        %shift_left3A_524 = arith.constant 15 : i32
        %shift_left3A_525 = vector.broadcast %shift_left3A_524 : i32 to vector<16xi32>
        %shift_left3A_526 = arith.shli %xor3A_522, %shift_left3A_525 : vector<16xi32>
        %shift_right_logical3A_527 = arith.constant 17 : i32
        %shift_right_logical3A_528 = vector.broadcast %shift_right_logical3A_527 : i32 to vector<16xi32>
        %shift_right_logical3A_529 = arith.shrui %xor3A_522, %shift_right_logical3A_528 : vector<16xi32>
        %or3A_530 = arith.ori %shift_left3A_526, %shift_right_logical3A_529 : vector<16xi32>
        %xor3A_531 = arith.xori %add3A_523, %or3A_530 : vector<16xi32>
        %add3A_532 = arith.addi %add3A_523, %xor3A_531 : vector<16xi32>
        %shift_left3A_533 = arith.constant 26 : i32
        %shift_left3A_534 = vector.broadcast %shift_left3A_533 : i32 to vector<16xi32>
        %shift_left3A_535 = arith.shli %xor3A_531, %shift_left3A_534 : vector<16xi32>
        %shift_right_logical3A_536 = arith.constant 6 : i32
        %shift_right_logical3A_537 = vector.broadcast %shift_right_logical3A_536 : i32 to vector<16xi32>
        %shift_right_logical3A_538 = arith.shrui %xor3A_531, %shift_right_logical3A_537 : vector<16xi32>
        %or3A_539 = arith.ori %shift_left3A_535, %shift_right_logical3A_538 : vector<16xi32>
        %xor3A_540 = arith.xori %add3A_532, %or3A_539 : vector<16xi32>
        %add3A_541 = arith.addi %add3A_532, %xor3A_540 : vector<16xi32>
        %shift_left3A_542 = arith.constant 6 : i32
        %shift_left3A_543 = vector.broadcast %shift_left3A_542 : i32 to vector<16xi32>
        %shift_left3A_544 = arith.shli %xor3A_540, %shift_left3A_543 : vector<16xi32>
        %shift_right_logical3A_545 = arith.constant 26 : i32
        %shift_right_logical3A_546 = vector.broadcast %shift_right_logical3A_545 : i32 to vector<16xi32>
        %shift_right_logical3A_547 = arith.shrui %xor3A_540, %shift_right_logical3A_546 : vector<16xi32>
        %or3A_548 = arith.ori %shift_left3A_544, %shift_right_logical3A_547 : vector<16xi32>
        %xor3A_549 = arith.xori %add3A_541, %or3A_548 : vector<16xi32>
        %add3A_550 = arith.constant 42 : i32
        %add3A_551 = vector.broadcast %add3A_550 : i32 to vector<16xi32>
        %add3A_552 = arith.addi %add3A_541, %add3A_551 : vector<16xi32>
        %add3A_553 = arith.constant 466689009 : i32
        %add3A_554 = vector.broadcast %add3A_553 : i32 to vector<16xi32>
        %add3A_555 = arith.addi %xor3A_549, %add3A_554 : vector<16xi32>
        %add3A_556 = arith.addi %add3A_552, %add3A_555 : vector<16xi32>
        %shift_left3A_557 = arith.constant 17 : i32
        %shift_left3A_558 = vector.broadcast %shift_left3A_557 : i32 to vector<16xi32>
        %shift_left3A_559 = arith.shli %add3A_555, %shift_left3A_558 : vector<16xi32>
        %shift_right_logical3A_560 = arith.constant 15 : i32
        %shift_right_logical3A_561 = vector.broadcast %shift_right_logical3A_560 : i32 to vector<16xi32>
        %shift_right_logical3A_562 = arith.shrui %add3A_555, %shift_right_logical3A_561 : vector<16xi32>
        %or3A_563 = arith.ori %shift_left3A_559, %shift_right_logical3A_562 : vector<16xi32>
        %xor3A_564 = arith.xori %add3A_556, %or3A_563 : vector<16xi32>
        %add3A_565 = arith.addi %add3A_556, %xor3A_564 : vector<16xi32>
        %shift_left3A_566 = arith.constant 29 : i32
        %shift_left3A_567 = vector.broadcast %shift_left3A_566 : i32 to vector<16xi32>
        %shift_left3A_568 = arith.shli %xor3A_564, %shift_left3A_567 : vector<16xi32>
        %shift_right_logical3A_569 = arith.constant 3 : i32
        %shift_right_logical3A_570 = vector.broadcast %shift_right_logical3A_569 : i32 to vector<16xi32>
        %shift_right_logical3A_571 = arith.shrui %xor3A_564, %shift_right_logical3A_570 : vector<16xi32>
        %or3A_572 = arith.ori %shift_left3A_568, %shift_right_logical3A_571 : vector<16xi32>
        %xor3A_573 = arith.xori %add3A_565, %or3A_572 : vector<16xi32>
        %add3A_574 = arith.addi %add3A_565, %xor3A_573 : vector<16xi32>
        %shift_left3A_575 = arith.constant 16 : i32
        %shift_left3A_576 = vector.broadcast %shift_left3A_575 : i32 to vector<16xi32>
        %shift_left3A_577 = arith.shli %xor3A_573, %shift_left3A_576 : vector<16xi32>
        %shift_right_logical3A_578 = arith.constant 16 : i32
        %shift_right_logical3A_579 = vector.broadcast %shift_right_logical3A_578 : i32 to vector<16xi32>
        %shift_right_logical3A_580 = arith.shrui %xor3A_573, %shift_right_logical3A_579 : vector<16xi32>
        %or3A_581 = arith.ori %shift_left3A_577, %shift_right_logical3A_580 : vector<16xi32>
        %xor3A_582 = arith.xori %add3A_574, %or3A_581 : vector<16xi32>
        %add3A_583 = arith.addi %add3A_574, %xor3A_582 : vector<16xi32>
        %shift_left3A_584 = arith.constant 24 : i32
        %shift_left3A_585 = vector.broadcast %shift_left3A_584 : i32 to vector<16xi32>
        %shift_left3A_586 = arith.shli %xor3A_582, %shift_left3A_585 : vector<16xi32>
        %shift_right_logical3A_587 = arith.constant 8 : i32
        %shift_right_logical3A_588 = vector.broadcast %shift_right_logical3A_587 : i32 to vector<16xi32>
        %shift_right_logical3A_589 = arith.shrui %xor3A_582, %shift_right_logical3A_588 : vector<16xi32>
        %or3A_590 = arith.ori %shift_left3A_586, %shift_right_logical3A_589 : vector<16xi32>
        %xor3A_591 = arith.xori %add3A_583, %or3A_590 : vector<16xi32>
        %add3A_592 = arith.constant 466689008 : i32
        %add3A_593 = vector.broadcast %add3A_592 : i32 to vector<16xi32>
        %add3A_594 = arith.addi %add3A_583, %add3A_593 : vector<16xi32>
        %add3A_595 = arith.constant 2 : i32
        %add3A_596 = vector.broadcast %add3A_595 : i32 to vector<16xi32>
        %add3A_597 = arith.addi %xor3A_591, %add3A_596 : vector<16xi32>
        %add3A_598 = arith.addi %add3A_594, %add3A_597 : vector<16xi32>
        %shift_left3A_599 = arith.constant 13 : i32
        %shift_left3A_600 = vector.broadcast %shift_left3A_599 : i32 to vector<16xi32>
        %shift_left3A_601 = arith.shli %add3A_597, %shift_left3A_600 : vector<16xi32>
        %shift_right_logical3A_602 = arith.constant 19 : i32
        %shift_right_logical3A_603 = vector.broadcast %shift_right_logical3A_602 : i32 to vector<16xi32>
        %shift_right_logical3A_604 = arith.shrui %add3A_597, %shift_right_logical3A_603 : vector<16xi32>
        %or3A_605 = arith.ori %shift_left3A_601, %shift_right_logical3A_604 : vector<16xi32>
        %xor3A_606 = arith.xori %add3A_598, %or3A_605 : vector<16xi32>
        %add3A_607 = arith.addi %add3A_598, %xor3A_606 : vector<16xi32>
        %shift_left3A_608 = arith.constant 15 : i32
        %shift_left3A_609 = vector.broadcast %shift_left3A_608 : i32 to vector<16xi32>
        %shift_left3A_610 = arith.shli %xor3A_606, %shift_left3A_609 : vector<16xi32>
        %shift_right_logical3A_611 = arith.constant 17 : i32
        %shift_right_logical3A_612 = vector.broadcast %shift_right_logical3A_611 : i32 to vector<16xi32>
        %shift_right_logical3A_613 = arith.shrui %xor3A_606, %shift_right_logical3A_612 : vector<16xi32>
        %or3A_614 = arith.ori %shift_left3A_610, %shift_right_logical3A_613 : vector<16xi32>
        %xor3A_615 = arith.xori %add3A_607, %or3A_614 : vector<16xi32>
        %add3A_616 = arith.addi %add3A_607, %xor3A_615 : vector<16xi32>
        %shift_left3A_617 = arith.constant 26 : i32
        %shift_left3A_618 = vector.broadcast %shift_left3A_617 : i32 to vector<16xi32>
        %shift_left3A_619 = arith.shli %xor3A_615, %shift_left3A_618 : vector<16xi32>
        %shift_right_logical3A_620 = arith.constant 6 : i32
        %shift_right_logical3A_621 = vector.broadcast %shift_right_logical3A_620 : i32 to vector<16xi32>
        %shift_right_logical3A_622 = arith.shrui %xor3A_615, %shift_right_logical3A_621 : vector<16xi32>
        %or3A_623 = arith.ori %shift_left3A_619, %shift_right_logical3A_622 : vector<16xi32>
        %xor3A_624 = arith.xori %add3A_616, %or3A_623 : vector<16xi32>
        %add3A_625 = arith.addi %add3A_616, %xor3A_624 : vector<16xi32>
        %shift_left3A_626 = arith.constant 6 : i32
        %shift_left3A_627 = vector.broadcast %shift_left3A_626 : i32 to vector<16xi32>
        %shift_left3A_628 = arith.shli %xor3A_624, %shift_left3A_627 : vector<16xi32>
        %shift_right_logical3A_629 = arith.constant 26 : i32
        %shift_right_logical3A_630 = vector.broadcast %shift_right_logical3A_629 : i32 to vector<16xi32>
        %shift_right_logical3A_631 = arith.shrui %xor3A_624, %shift_right_logical3A_630 : vector<16xi32>
        %or3A_632 = arith.ori %shift_left3A_628, %shift_right_logical3A_631 : vector<16xi32>
        %xor3A_633 = arith.xori %add3A_625, %or3A_632 : vector<16xi32>
        %add3A_634 = arith.constant 0 : i32
        %add3A_635 = vector.broadcast %add3A_634 : i32 to vector<16xi32>
        %add3A_636 = arith.addi %add3A_625, %add3A_635 : vector<16xi32>
        %add3A_637 = arith.constant 45 : i32
        %add3A_638 = vector.broadcast %add3A_637 : i32 to vector<16xi32>
        %add3A_639 = arith.addi %xor3A_633, %add3A_638 : vector<16xi32>
        %add3A_640 = arith.addi %add3A_636, %add3A_639 : vector<16xi32>
        %shift_left3A_641 = arith.constant 17 : i32
        %shift_left3A_642 = vector.broadcast %shift_left3A_641 : i32 to vector<16xi32>
        %shift_left3A_643 = arith.shli %add3A_639, %shift_left3A_642 : vector<16xi32>
        %shift_right_logical3A_644 = arith.constant 15 : i32
        %shift_right_logical3A_645 = vector.broadcast %shift_right_logical3A_644 : i32 to vector<16xi32>
        %shift_right_logical3A_646 = arith.shrui %add3A_639, %shift_right_logical3A_645 : vector<16xi32>
        %or3A_647 = arith.ori %shift_left3A_643, %shift_right_logical3A_646 : vector<16xi32>
        %xor3A_648 = arith.xori %add3A_640, %or3A_647 : vector<16xi32>
        %add3A_649 = arith.addi %add3A_640, %xor3A_648 : vector<16xi32>
        %shift_left3A_650 = arith.constant 29 : i32
        %shift_left3A_651 = vector.broadcast %shift_left3A_650 : i32 to vector<16xi32>
        %shift_left3A_652 = arith.shli %xor3A_648, %shift_left3A_651 : vector<16xi32>
        %shift_right_logical3A_653 = arith.constant 3 : i32
        %shift_right_logical3A_654 = vector.broadcast %shift_right_logical3A_653 : i32 to vector<16xi32>
        %shift_right_logical3A_655 = arith.shrui %xor3A_648, %shift_right_logical3A_654 : vector<16xi32>
        %or3A_656 = arith.ori %shift_left3A_652, %shift_right_logical3A_655 : vector<16xi32>
        %xor3A_657 = arith.xori %add3A_649, %or3A_656 : vector<16xi32>
        %add3A_658 = arith.addi %add3A_649, %xor3A_657 : vector<16xi32>
        %shift_left3A_659 = arith.constant 16 : i32
        %shift_left3A_660 = vector.broadcast %shift_left3A_659 : i32 to vector<16xi32>
        %shift_left3A_661 = arith.shli %xor3A_657, %shift_left3A_660 : vector<16xi32>
        %shift_right_logical3A_662 = arith.constant 16 : i32
        %shift_right_logical3A_663 = vector.broadcast %shift_right_logical3A_662 : i32 to vector<16xi32>
        %shift_right_logical3A_664 = arith.shrui %xor3A_657, %shift_right_logical3A_663 : vector<16xi32>
        %or3A_665 = arith.ori %shift_left3A_661, %shift_right_logical3A_664 : vector<16xi32>
        %xor3A_666 = arith.xori %add3A_658, %or3A_665 : vector<16xi32>
        %add3A_667 = arith.addi %add3A_658, %xor3A_666 : vector<16xi32>
        %shift_left3A_668 = arith.constant 24 : i32
        %shift_left3A_669 = vector.broadcast %shift_left3A_668 : i32 to vector<16xi32>
        %shift_left3A_670 = arith.shli %xor3A_666, %shift_left3A_669 : vector<16xi32>
        %shift_right_logical3A_671 = arith.constant 8 : i32
        %shift_right_logical3A_672 = vector.broadcast %shift_right_logical3A_671 : i32 to vector<16xi32>
        %shift_right_logical3A_673 = arith.shrui %xor3A_666, %shift_right_logical3A_672 : vector<16xi32>
        %or3A_674 = arith.ori %shift_left3A_670, %shift_right_logical3A_673 : vector<16xi32>
        %xor3A_675 = arith.xori %add3A_667, %or3A_674 : vector<16xi32>
        %add3A_676 = arith.constant 42 : i32
        %add3A_677 = vector.broadcast %add3A_676 : i32 to vector<16xi32>
        %add3A_678 = arith.addi %add3A_667, %add3A_677 : vector<16xi32>
        %add3A_679 = arith.constant 466689012 : i32
        %add3A_680 = vector.broadcast %add3A_679 : i32 to vector<16xi32>
        %add3A_681 = arith.addi %xor3A_675, %add3A_680 : vector<16xi32>
        %add3A_682 = arith.addi %add3A_678, %add3A_681 : vector<16xi32>
        %shift_left3A_683 = arith.constant 13 : i32
        %shift_left3A_684 = vector.broadcast %shift_left3A_683 : i32 to vector<16xi32>
        %shift_left3A_685 = arith.shli %add3A_681, %shift_left3A_684 : vector<16xi32>
        %shift_right_logical3A_686 = arith.constant 19 : i32
        %shift_right_logical3A_687 = vector.broadcast %shift_right_logical3A_686 : i32 to vector<16xi32>
        %shift_right_logical3A_688 = arith.shrui %add3A_681, %shift_right_logical3A_687 : vector<16xi32>
        %or3A_689 = arith.ori %shift_left3A_685, %shift_right_logical3A_688 : vector<16xi32>
        %xor3A_690 = arith.xori %add3A_682, %or3A_689 : vector<16xi32>
        %add3A_691 = arith.addi %add3A_682, %xor3A_690 : vector<16xi32>
        %shift_left3A_692 = arith.constant 15 : i32
        %shift_left3A_693 = vector.broadcast %shift_left3A_692 : i32 to vector<16xi32>
        %shift_left3A_694 = arith.shli %xor3A_690, %shift_left3A_693 : vector<16xi32>
        %shift_right_logical3A_695 = arith.constant 17 : i32
        %shift_right_logical3A_696 = vector.broadcast %shift_right_logical3A_695 : i32 to vector<16xi32>
        %shift_right_logical3A_697 = arith.shrui %xor3A_690, %shift_right_logical3A_696 : vector<16xi32>
        %or3A_698 = arith.ori %shift_left3A_694, %shift_right_logical3A_697 : vector<16xi32>
        %xor3A_699 = arith.xori %add3A_691, %or3A_698 : vector<16xi32>
        %add3A_700 = arith.addi %add3A_691, %xor3A_699 : vector<16xi32>
        %shift_left3A_701 = arith.constant 26 : i32
        %shift_left3A_702 = vector.broadcast %shift_left3A_701 : i32 to vector<16xi32>
        %shift_left3A_703 = arith.shli %xor3A_699, %shift_left3A_702 : vector<16xi32>
        %shift_right_logical3A_704 = arith.constant 6 : i32
        %shift_right_logical3A_705 = vector.broadcast %shift_right_logical3A_704 : i32 to vector<16xi32>
        %shift_right_logical3A_706 = arith.shrui %xor3A_699, %shift_right_logical3A_705 : vector<16xi32>
        %or3A_707 = arith.ori %shift_left3A_703, %shift_right_logical3A_706 : vector<16xi32>
        %xor3A_708 = arith.xori %add3A_700, %or3A_707 : vector<16xi32>
        %add3A_709 = arith.addi %add3A_700, %xor3A_708 : vector<16xi32>
        %shift_left3A_710 = arith.constant 6 : i32
        %shift_left3A_711 = vector.broadcast %shift_left3A_710 : i32 to vector<16xi32>
        %shift_left3A_712 = arith.shli %xor3A_708, %shift_left3A_711 : vector<16xi32>
        %shift_right_logical3A_713 = arith.constant 26 : i32
        %shift_right_logical3A_714 = vector.broadcast %shift_right_logical3A_713 : i32 to vector<16xi32>
        %shift_right_logical3A_715 = arith.shrui %xor3A_708, %shift_right_logical3A_714 : vector<16xi32>
        %or3A_716 = arith.ori %shift_left3A_712, %shift_right_logical3A_715 : vector<16xi32>
        %xor3A_717 = arith.xori %add3A_709, %or3A_716 : vector<16xi32>
        %add3A_718 = arith.constant 466689008 : i32
        %add3A_719 = vector.broadcast %add3A_718 : i32 to vector<16xi32>
        %add3A_720 = arith.addi %add3A_709, %add3A_719 : vector<16xi32>
        %add3A_721 = arith.constant 5 : i32
        %add3A_722 = vector.broadcast %add3A_721 : i32 to vector<16xi32>
        %add3A_723 = arith.addi %xor3A_717, %add3A_722 : vector<16xi32>
        %xor3A_724 = arith.xori %add3A_720, %add3A_723 : vector<16xi32>
        %shift_right_logical3A_725 = arith.constant 9 : i32
        %shift_right_logical3A_726 = vector.broadcast %shift_right_logical3A_725 : i32 to vector<16xi32>
        %shift_right_logical3A_727 = arith.shrui %xor3A_724, %shift_right_logical3A_726 : vector<16xi32>
        %or3A_728 = arith.constant 1065353216 : i32
        %or3A_729 = vector.broadcast %or3A_728 : i32 to vector<16xi32>
        %or3A_730 = arith.ori %shift_right_logical3A_727, %or3A_729 : vector<16xi32>
        %bitcast_convert_type3A_731 = tpu.bitcast %or3A_730 : vector<16xi32> -> vector<16xf32>
        %sub3A_732 = arith.constant 1.000000e+00 : f32
        %sub3A_733 = vector.broadcast %sub3A_732 : f32 to vector<16xf32>
        %sub3A_734 = arith.subf %bitcast_convert_type3A_731, %sub3A_733 : vector<16xf32>
        %mul3A_735 = arith.constant 1.000000e+00 : f32
        %mul3A_736 = vector.broadcast %mul3A_735 : f32 to vector<16xf32>
        %mul3A_737 = arith.mulf %sub3A_734, %mul3A_736 : vector<16xf32>
        %add3A_738 = arith.constant 1.17549435E-38 : f32
        %add3A_739 = vector.broadcast %add3A_738 : f32 to vector<16xf32>
        %add3A_740 = arith.addf %mul3A_737, %add3A_739 : vector<16xf32>
        %max3A_741 = arith.constant 1.17549435E-38 : f32
        %max3A_742 = vector.broadcast %max3A_741 : f32 to vector<16xf32>
        %max3A_743 = arith.maximumf %max3A_742, %add3A_740 : vector<16xf32>
        %add3A_744 = arith.constant 32 : i32
        %add3A_745 = arith.addi %mul3A_28, %add3A_744 : i32
        %swap3A_746 = arith.index_cast %add3A_745 : i32 to index
        %swap3A_747 = tpu.vector_load %arg3[%swap3A_746] {strides = array<i32>} : memref<8192xf32, #tpu.memory_space<vmem>>, vector<16xf32>,
        %swap3A_748 = vector.shape_cast %swap3A_747 : vector<16xf32> to vector<16xf32>
        %swap3A_749 = vector.shape_cast %max3A_743 : vector<16xf32> to vector<16xf32>
        tpu.vector_store %arg3[%swap3A_746], %swap3A_749 {strides = array<i32>} : memref<8192xf32, #tpu.memory_space<vmem>>, vector<16xf32>,
        %mul3A_750 = arith.constant 8192 : i32
        %mul3A_751 = arith.muli %scan3A_13, %mul3A_750 : i32
        %add3A_752 = arith.addi %add3A_6, %mul3A_751 : i32
        %add3A_753 = arith.addi %add3A_752, %mul3A_28 : i32
        %add3A_754 = arith.constant 48 : i32
        %add3A_755 = arith.addi %add3A_753, %add3A_754 : i32
        %add3A_756 = vector.broadcast %add3A_755 : i32 to vector<16xi32>
        %add3A_757 = arith.addi %iota3A, %add3A_756 : vector<16xi32>
        %shift_left3A_758 = arith.constant 13 : i32
        %shift_left3A_759 = vector.broadcast %shift_left3A_758 : i32 to vector<16xi32>
        %shift_left3A_760 = arith.shli %add3A_757, %shift_left3A_759 : vector<16xi32>
        %shift_right_logical3A_761 = arith.constant 19 : i32
        %shift_right_logical3A_762 = vector.broadcast %shift_right_logical3A_761 : i32 to vector<16xi32>
        %shift_right_logical3A_763 = arith.shrui %add3A_757, %shift_right_logical3A_762 : vector<16xi32>
        %or3A_764 = arith.ori %shift_left3A_760, %shift_right_logical3A_763 : vector<16xi32>
        %xor3A_765 = arith.xori %add3A_757, %or3A_764 : vector<16xi32>
        %add3A_766 = arith.addi %add3A_757, %xor3A_765 : vector<16xi32>
        %shift_left3A_767 = arith.constant 15 : i32
        %shift_left3A_768 = vector.broadcast %shift_left3A_767 : i32 to vector<16xi32>
        %shift_left3A_769 = arith.shli %xor3A_765, %shift_left3A_768 : vector<16xi32>
        %shift_right_logical3A_770 = arith.constant 17 : i32
        %shift_right_logical3A_771 = vector.broadcast %shift_right_logical3A_770 : i32 to vector<16xi32>
        %shift_right_logical3A_772 = arith.shrui %xor3A_765, %shift_right_logical3A_771 : vector<16xi32>
        %or3A_773 = arith.ori %shift_left3A_769, %shift_right_logical3A_772 : vector<16xi32>
        %xor3A_774 = arith.xori %add3A_766, %or3A_773 : vector<16xi32>
        %add3A_775 = arith.addi %add3A_766, %xor3A_774 : vector<16xi32>
        %shift_left3A_776 = arith.constant 26 : i32
        %shift_left3A_777 = vector.broadcast %shift_left3A_776 : i32 to vector<16xi32>
        %shift_left3A_778 = arith.shli %xor3A_774, %shift_left3A_777 : vector<16xi32>
        %shift_right_logical3A_779 = arith.constant 6 : i32
        %shift_right_logical3A_780 = vector.broadcast %shift_right_logical3A_779 : i32 to vector<16xi32>
        %shift_right_logical3A_781 = arith.shrui %xor3A_774, %shift_right_logical3A_780 : vector<16xi32>
        %or3A_782 = arith.ori %shift_left3A_778, %shift_right_logical3A_781 : vector<16xi32>
        %xor3A_783 = arith.xori %add3A_775, %or3A_782 : vector<16xi32>
        %add3A_784 = arith.addi %add3A_775, %xor3A_783 : vector<16xi32>
        %shift_left3A_785 = arith.constant 6 : i32
        %shift_left3A_786 = vector.broadcast %shift_left3A_785 : i32 to vector<16xi32>
        %shift_left3A_787 = arith.shli %xor3A_783, %shift_left3A_786 : vector<16xi32>
        %shift_right_logical3A_788 = arith.constant 26 : i32
        %shift_right_logical3A_789 = vector.broadcast %shift_right_logical3A_788 : i32 to vector<16xi32>
        %shift_right_logical3A_790 = arith.shrui %xor3A_783, %shift_right_logical3A_789 : vector<16xi32>
        %or3A_791 = arith.ori %shift_left3A_787, %shift_right_logical3A_790 : vector<16xi32>
        %xor3A_792 = arith.xori %add3A_784, %or3A_791 : vector<16xi32>
        %add3A_793 = arith.constant 42 : i32
        %add3A_794 = vector.broadcast %add3A_793 : i32 to vector<16xi32>
        %add3A_795 = arith.addi %add3A_784, %add3A_794 : vector<16xi32>
        %add3A_796 = arith.constant 466689009 : i32
        %add3A_797 = vector.broadcast %add3A_796 : i32 to vector<16xi32>
        %add3A_798 = arith.addi %xor3A_792, %add3A_797 : vector<16xi32>
        %add3A_799 = arith.addi %add3A_795, %add3A_798 : vector<16xi32>
        %shift_left3A_800 = arith.constant 17 : i32
        %shift_left3A_801 = vector.broadcast %shift_left3A_800 : i32 to vector<16xi32>
        %shift_left3A_802 = arith.shli %add3A_798, %shift_left3A_801 : vector<16xi32>
        %shift_right_logical3A_803 = arith.constant 15 : i32
        %shift_right_logical3A_804 = vector.broadcast %shift_right_logical3A_803 : i32 to vector<16xi32>
        %shift_right_logical3A_805 = arith.shrui %add3A_798, %shift_right_logical3A_804 : vector<16xi32>
        %or3A_806 = arith.ori %shift_left3A_802, %shift_right_logical3A_805 : vector<16xi32>
        %xor3A_807 = arith.xori %add3A_799, %or3A_806 : vector<16xi32>
        %add3A_808 = arith.addi %add3A_799, %xor3A_807 : vector<16xi32>
        %shift_left3A_809 = arith.constant 29 : i32
        %shift_left3A_810 = vector.broadcast %shift_left3A_809 : i32 to vector<16xi32>
        %shift_left3A_811 = arith.shli %xor3A_807, %shift_left3A_810 : vector<16xi32>
        %shift_right_logical3A_812 = arith.constant 3 : i32
        %shift_right_logical3A_813 = vector.broadcast %shift_right_logical3A_812 : i32 to vector<16xi32>
        %shift_right_logical3A_814 = arith.shrui %xor3A_807, %shift_right_logical3A_813 : vector<16xi32>
        %or3A_815 = arith.ori %shift_left3A_811, %shift_right_logical3A_814 : vector<16xi32>
        %xor3A_816 = arith.xori %add3A_808, %or3A_815 : vector<16xi32>
        %add3A_817 = arith.addi %add3A_808, %xor3A_816 : vector<16xi32>
        %shift_left3A_818 = arith.constant 16 : i32
        %shift_left3A_819 = vector.broadcast %shift_left3A_818 : i32 to vector<16xi32>
        %shift_left3A_820 = arith.shli %xor3A_816, %shift_left3A_819 : vector<16xi32>
        %shift_right_logical3A_821 = arith.constant 16 : i32
        %shift_right_logical3A_822 = vector.broadcast %shift_right_logical3A_821 : i32 to vector<16xi32>
        %shift_right_logical3A_823 = arith.shrui %xor3A_816, %shift_right_logical3A_822 : vector<16xi32>
        %or3A_824 = arith.ori %shift_left3A_820, %shift_right_logical3A_823 : vector<16xi32>
        %xor3A_825 = arith.xori %add3A_817, %or3A_824 : vector<16xi32>
        %add3A_826 = arith.addi %add3A_817, %xor3A_825 : vector<16xi32>
        %shift_left3A_827 = arith.constant 24 : i32
        %shift_left3A_828 = vector.broadcast %shift_left3A_827 : i32 to vector<16xi32>
        %shift_left3A_829 = arith.shli %xor3A_825, %shift_left3A_828 : vector<16xi32>
        %shift_right_logical3A_830 = arith.constant 8 : i32
        %shift_right_logical3A_831 = vector.broadcast %shift_right_logical3A_830 : i32 to vector<16xi32>
        %shift_right_logical3A_832 = arith.shrui %xor3A_825, %shift_right_logical3A_831 : vector<16xi32>
        %or3A_833 = arith.ori %shift_left3A_829, %shift_right_logical3A_832 : vector<16xi32>
        %xor3A_834 = arith.xori %add3A_826, %or3A_833 : vector<16xi32>
        %add3A_835 = arith.constant 466689008 : i32
        %add3A_836 = vector.broadcast %add3A_835 : i32 to vector<16xi32>
        %add3A_837 = arith.addi %add3A_826, %add3A_836 : vector<16xi32>
        %add3A_838 = arith.constant 2 : i32
        %add3A_839 = vector.broadcast %add3A_838 : i32 to vector<16xi32>
        %add3A_840 = arith.addi %xor3A_834, %add3A_839 : vector<16xi32>
        %add3A_841 = arith.addi %add3A_837, %add3A_840 : vector<16xi32>
        %shift_left3A_842 = arith.constant 13 : i32
        %shift_left3A_843 = vector.broadcast %shift_left3A_842 : i32 to vector<16xi32>
        %shift_left3A_844 = arith.shli %add3A_840, %shift_left3A_843 : vector<16xi32>
        %shift_right_logical3A_845 = arith.constant 19 : i32
        %shift_right_logical3A_846 = vector.broadcast %shift_right_logical3A_845 : i32 to vector<16xi32>
        %shift_right_logical3A_847 = arith.shrui %add3A_840, %shift_right_logical3A_846 : vector<16xi32>
        %or3A_848 = arith.ori %shift_left3A_844, %shift_right_logical3A_847 : vector<16xi32>
        %xor3A_849 = arith.xori %add3A_841, %or3A_848 : vector<16xi32>
        %add3A_850 = arith.addi %add3A_841, %xor3A_849 : vector<16xi32>
        %shift_left3A_851 = arith.constant 15 : i32
        %shift_left3A_852 = vector.broadcast %shift_left3A_851 : i32 to vector<16xi32>
        %shift_left3A_853 = arith.shli %xor3A_849, %shift_left3A_852 : vector<16xi32>
        %shift_right_logical3A_854 = arith.constant 17 : i32
        %shift_right_logical3A_855 = vector.broadcast %shift_right_logical3A_854 : i32 to vector<16xi32>
        %shift_right_logical3A_856 = arith.shrui %xor3A_849, %shift_right_logical3A_855 : vector<16xi32>
        %or3A_857 = arith.ori %shift_left3A_853, %shift_right_logical3A_856 : vector<16xi32>
        %xor3A_858 = arith.xori %add3A_850, %or3A_857 : vector<16xi32>
        %add3A_859 = arith.addi %add3A_850, %xor3A_858 : vector<16xi32>
        %shift_left3A_860 = arith.constant 26 : i32
        %shift_left3A_861 = vector.broadcast %shift_left3A_860 : i32 to vector<16xi32>
        %shift_left3A_862 = arith.shli %xor3A_858, %shift_left3A_861 : vector<16xi32>
        %shift_right_logical3A_863 = arith.constant 6 : i32
        %shift_right_logical3A_864 = vector.broadcast %shift_right_logical3A_863 : i32 to vector<16xi32>
        %shift_right_logical3A_865 = arith.shrui %xor3A_858, %shift_right_logical3A_864 : vector<16xi32>
        %or3A_866 = arith.ori %shift_left3A_862, %shift_right_logical3A_865 : vector<16xi32>
        %xor3A_867 = arith.xori %add3A_859, %or3A_866 : vector<16xi32>
        %add3A_868 = arith.addi %add3A_859, %xor3A_867 : vector<16xi32>
        %shift_left3A_869 = arith.constant 6 : i32
        %shift_left3A_870 = vector.broadcast %shift_left3A_869 : i32 to vector<16xi32>
        %shift_left3A_871 = arith.shli %xor3A_867, %shift_left3A_870 : vector<16xi32>
        %shift_right_logical3A_872 = arith.constant 26 : i32
        %shift_right_logical3A_873 = vector.broadcast %shift_right_logical3A_872 : i32 to vector<16xi32>
        %shift_right_logical3A_874 = arith.shrui %xor3A_867, %shift_right_logical3A_873 : vector<16xi32>
        %or3A_875 = arith.ori %shift_left3A_871, %shift_right_logical3A_874 : vector<16xi32>
        %xor3A_876 = arith.xori %add3A_868, %or3A_875 : vector<16xi32>
        %add3A_877 = arith.constant 0 : i32
        %add3A_878 = vector.broadcast %add3A_877 : i32 to vector<16xi32>
        %add3A_879 = arith.addi %add3A_868, %add3A_878 : vector<16xi32>
        %add3A_880 = arith.constant 45 : i32
        %add3A_881 = vector.broadcast %add3A_880 : i32 to vector<16xi32>
        %add3A_882 = arith.addi %xor3A_876, %add3A_881 : vector<16xi32>
        %add3A_883 = arith.addi %add3A_879, %add3A_882 : vector<16xi32>
        %shift_left3A_884 = arith.constant 17 : i32
        %shift_left3A_885 = vector.broadcast %shift_left3A_884 : i32 to vector<16xi32>
        %shift_left3A_886 = arith.shli %add3A_882, %shift_left3A_885 : vector<16xi32>
        %shift_right_logical3A_887 = arith.constant 15 : i32
        %shift_right_logical3A_888 = vector.broadcast %shift_right_logical3A_887 : i32 to vector<16xi32>
        %shift_right_logical3A_889 = arith.shrui %add3A_882, %shift_right_logical3A_888 : vector<16xi32>
        %or3A_890 = arith.ori %shift_left3A_886, %shift_right_logical3A_889 : vector<16xi32>
        %xor3A_891 = arith.xori %add3A_883, %or3A_890 : vector<16xi32>
        %add3A_892 = arith.addi %add3A_883, %xor3A_891 : vector<16xi32>
        %shift_left3A_893 = arith.constant 29 : i32
        %shift_left3A_894 = vector.broadcast %shift_left3A_893 : i32 to vector<16xi32>
        %shift_left3A_895 = arith.shli %xor3A_891, %shift_left3A_894 : vector<16xi32>
        %shift_right_logical3A_896 = arith.constant 3 : i32
        %shift_right_logical3A_897 = vector.broadcast %shift_right_logical3A_896 : i32 to vector<16xi32>
        %shift_right_logical3A_898 = arith.shrui %xor3A_891, %shift_right_logical3A_897 : vector<16xi32>
        %or3A_899 = arith.ori %shift_left3A_895, %shift_right_logical3A_898 : vector<16xi32>
        %xor3A_900 = arith.xori %add3A_892, %or3A_899 : vector<16xi32>
        %add3A_901 = arith.addi %add3A_892, %xor3A_900 : vector<16xi32>
        %shift_left3A_902 = arith.constant 16 : i32
        %shift_left3A_903 = vector.broadcast %shift_left3A_902 : i32 to vector<16xi32>
        %shift_left3A_904 = arith.shli %xor3A_900, %shift_left3A_903 : vector<16xi32>
        %shift_right_logical3A_905 = arith.constant 16 : i32
        %shift_right_logical3A_906 = vector.broadcast %shift_right_logical3A_905 : i32 to vector<16xi32>
        %shift_right_logical3A_907 = arith.shrui %xor3A_900, %shift_right_logical3A_906 : vector<16xi32>
        %or3A_908 = arith.ori %shift_left3A_904, %shift_right_logical3A_907 : vector<16xi32>
        %xor3A_909 = arith.xori %add3A_901, %or3A_908 : vector<16xi32>
        %add3A_910 = arith.addi %add3A_901, %xor3A_909 : vector<16xi32>
        %shift_left3A_911 = arith.constant 24 : i32
        %shift_left3A_912 = vector.broadcast %shift_left3A_911 : i32 to vector<16xi32>
        %shift_left3A_913 = arith.shli %xor3A_909, %shift_left3A_912 : vector<16xi32>
        %shift_right_logical3A_914 = arith.constant 8 : i32
        %shift_right_logical3A_915 = vector.broadcast %shift_right_logical3A_914 : i32 to vector<16xi32>
        %shift_right_logical3A_916 = arith.shrui %xor3A_909, %shift_right_logical3A_915 : vector<16xi32>
        %or3A_917 = arith.ori %shift_left3A_913, %shift_right_logical3A_916 : vector<16xi32>
        %xor3A_918 = arith.xori %add3A_910, %or3A_917 : vector<16xi32>
        %add3A_919 = arith.constant 42 : i32
        %add3A_920 = vector.broadcast %add3A_919 : i32 to vector<16xi32>
        %add3A_921 = arith.addi %add3A_910, %add3A_920 : vector<16xi32>
        %add3A_922 = arith.constant 466689012 : i32
        %add3A_923 = vector.broadcast %add3A_922 : i32 to vector<16xi32>
        %add3A_924 = arith.addi %xor3A_918, %add3A_923 : vector<16xi32>
        %add3A_925 = arith.addi %add3A_921, %add3A_924 : vector<16xi32>
        %shift_left3A_926 = arith.constant 13 : i32
        %shift_left3A_927 = vector.broadcast %shift_left3A_926 : i32 to vector<16xi32>
        %shift_left3A_928 = arith.shli %add3A_924, %shift_left3A_927 : vector<16xi32>
        %shift_right_logical3A_929 = arith.constant 19 : i32
        %shift_right_logical3A_930 = vector.broadcast %shift_right_logical3A_929 : i32 to vector<16xi32>
        %shift_right_logical3A_931 = arith.shrui %add3A_924, %shift_right_logical3A_930 : vector<16xi32>
        %or3A_932 = arith.ori %shift_left3A_928, %shift_right_logical3A_931 : vector<16xi32>
        %xor3A_933 = arith.xori %add3A_925, %or3A_932 : vector<16xi32>
        %add3A_934 = arith.addi %add3A_925, %xor3A_933 : vector<16xi32>
        %shift_left3A_935 = arith.constant 15 : i32
        %shift_left3A_936 = vector.broadcast %shift_left3A_935 : i32 to vector<16xi32>
        %shift_left3A_937 = arith.shli %xor3A_933, %shift_left3A_936 : vector<16xi32>
        %shift_right_logical3A_938 = arith.constant 17 : i32
        %shift_right_logical3A_939 = vector.broadcast %shift_right_logical3A_938 : i32 to vector<16xi32>
        %shift_right_logical3A_940 = arith.shrui %xor3A_933, %shift_right_logical3A_939 : vector<16xi32>
        %or3A_941 = arith.ori %shift_left3A_937, %shift_right_logical3A_940 : vector<16xi32>
        %xor3A_942 = arith.xori %add3A_934, %or3A_941 : vector<16xi32>
        %add3A_943 = arith.addi %add3A_934, %xor3A_942 : vector<16xi32>
        %shift_left3A_944 = arith.constant 26 : i32
        %shift_left3A_945 = vector.broadcast %shift_left3A_944 : i32 to vector<16xi32>
        %shift_left3A_946 = arith.shli %xor3A_942, %shift_left3A_945 : vector<16xi32>
        %shift_right_logical3A_947 = arith.constant 6 : i32
        %shift_right_logical3A_948 = vector.broadcast %shift_right_logical3A_947 : i32 to vector<16xi32>
        %shift_right_logical3A_949 = arith.shrui %xor3A_942, %shift_right_logical3A_948 : vector<16xi32>
        %or3A_950 = arith.ori %shift_left3A_946, %shift_right_logical3A_949 : vector<16xi32>
        %xor3A_951 = arith.xori %add3A_943, %or3A_950 : vector<16xi32>
        %add3A_952 = arith.addi %add3A_943, %xor3A_951 : vector<16xi32>
        %shift_left3A_953 = arith.constant 6 : i32
        %shift_left3A_954 = vector.broadcast %shift_left3A_953 : i32 to vector<16xi32>
        %shift_left3A_955 = arith.shli %xor3A_951, %shift_left3A_954 : vector<16xi32>
        %shift_right_logical3A_956 = arith.constant 26 : i32
        %shift_right_logical3A_957 = vector.broadcast %shift_right_logical3A_956 : i32 to vector<16xi32>
        %shift_right_logical3A_958 = arith.shrui %xor3A_951, %shift_right_logical3A_957 : vector<16xi32>
        %or3A_959 = arith.ori %shift_left3A_955, %shift_right_logical3A_958 : vector<16xi32>
        %xor3A_960 = arith.xori %add3A_952, %or3A_959 : vector<16xi32>
        %add3A_961 = arith.constant 466689008 : i32
        %add3A_962 = vector.broadcast %add3A_961 : i32 to vector<16xi32>
        %add3A_963 = arith.addi %add3A_952, %add3A_962 : vector<16xi32>
        %add3A_964 = arith.constant 5 : i32
        %add3A_965 = vector.broadcast %add3A_964 : i32 to vector<16xi32>
        %add3A_966 = arith.addi %xor3A_960, %add3A_965 : vector<16xi32>
        %xor3A_967 = arith.xori %add3A_963, %add3A_966 : vector<16xi32>
        %shift_right_logical3A_968 = arith.constant 9 : i32
        %shift_right_logical3A_969 = vector.broadcast %shift_right_logical3A_968 : i32 to vector<16xi32>
        %shift_right_logical3A_970 = arith.shrui %xor3A_967, %shift_right_logical3A_969 : vector<16xi32>
        %or3A_971 = arith.constant 1065353216 : i32
        %or3A_972 = vector.broadcast %or3A_971 : i32 to vector<16xi32>
        %or3A_973 = arith.ori %shift_right_logical3A_970, %or3A_972 : vector<16xi32>
        %bitcast_convert_type3A_974 = tpu.bitcast %or3A_973 : vector<16xi32> -> vector<16xf32>
        %sub3A_975 = arith.constant 1.000000e+00 : f32
        %sub3A_976 = vector.broadcast %sub3A_975 : f32 to vector<16xf32>
        %sub3A_977 = arith.subf %bitcast_convert_type3A_974, %sub3A_976 : vector<16xf32>
        %mul3A_978 = arith.constant 1.000000e+00 : f32
        %mul3A_979 = vector.broadcast %mul3A_978 : f32 to vector<16xf32>
        %mul3A_980 = arith.mulf %sub3A_977, %mul3A_979 : vector<16xf32>
        %add3A_981 = arith.constant 1.17549435E-38 : f32
        %add3A_982 = vector.broadcast %add3A_981 : f32 to vector<16xf32>
        %add3A_983 = arith.addf %mul3A_980, %add3A_982 : vector<16xf32>
        %max3A_984 = arith.constant 1.17549435E-38 : f32
        %max3A_985 = vector.broadcast %max3A_984 : f32 to vector<16xf32>
        %max3A_986 = arith.maximumf %max3A_985, %add3A_983 : vector<16xf32>
        %add3A_987 = arith.constant 48 : i32
        %add3A_988 = arith.addi %mul3A_28, %add3A_987 : i32
        %swap3A_989 = arith.index_cast %add3A_988 : i32 to index
        %swap3A_990 = tpu.vector_load %arg3[%swap3A_989] {strides = array<i32>} : memref<8192xf32, #tpu.memory_space<vmem>>, vector<16xf32>,
        %swap3A_991 = vector.shape_cast %swap3A_990 : vector<16xf32> to vector<16xf32>
        %swap3A_992 = vector.shape_cast %max3A_986 : vector<16xf32> to vector<16xf32>
        tpu.vector_store %arg3[%swap3A_989], %swap3A_992 {strides = array<i32>} : memref<8192xf32, #tpu.memory_space<vmem>>, vector<16xf32>,
        %scan3A_993 = arith.constant 0 : i32
        scf.yield %scan3A_993 : i32
      }
      %scan3A_21 = arith.constant 128 : i32
      %mul3A_22 = arith.constant 8192 : i32
      %mul3A_23 = arith.muli %scan3A_13, %mul3A_22 : i32
      "tpu.region"() ({
        %run_scoped3A = tpu.sem_alloc : memref<!tpu.dma_semaphore, #tpu.memory_space<semaphore_mem>>
        %dma_start3A = tpu.memref_slice %arg2[%add3A, %mul3A_23] : memref<32x262144xf32, #tpu.memory_space<hbm>> -> memref<1x8192xf32, #tpu.memory_space<hbm>>
        %dma_start3A_25 = tpu.memref_squeeze %dma_start3A : memref<1x8192xf32, #tpu.memory_space<hbm>> -> memref<8192xf32, #tpu.memory_space<hbm>>
        %dma_start3A_26 = tpu.memref_slice %arg2[%add3A, %mul3A_23] : memref<32x262144xf32, #tpu.memory_space<hbm>> -> memref<1x8192xf32, #tpu.memory_space<hbm>>
        %dma_start3A_27 = tpu.memref_squeeze %dma_start3A_26 : memref<1x8192xf32, #tpu.memory_space<hbm>> -> memref<8192xf32, #tpu.memory_space<hbm>>
        tpu.enqueue_dma source(%arg3 : memref<8192xf32, #tpu.memory_space<vmem>>) target(%dma_start3A_27 : memref<8192xf32, #tpu.memory_space<hbm>>) target_semaphore(%run_scoped3A : memref<!tpu.dma_semaphore, #tpu.memory_space<semaphore_mem>>)
        %dma_wait3A = tpu.memref_slice %arg2[%add3A, %mul3A_23] : memref<32x262144xf32, #tpu.memory_space<hbm>> -> memref<1x8192xf32, #tpu.memory_space<hbm>>
        %dma_wait3A_28 = tpu.memref_squeeze %dma_wait3A : memref<1x8192xf32, #tpu.memory_space<hbm>> -> memref<8192xf32, #tpu.memory_space<hbm>>
        %dma_wait3A_29 = tpu.memref_slice %arg2[%add3A, %mul3A_23] : memref<32x262144xf32, #tpu.memory_space<hbm>> -> memref<1x8192xf32, #tpu.memory_space<hbm>>
        %dma_wait3A_30 = tpu.memref_squeeze %dma_wait3A_29 : memref<1x8192xf32, #tpu.memory_space<hbm>> -> memref<8192xf32, #tpu.memory_space<hbm>>
        tpu.wait_dma2 semaphore(%run_scoped3A : memref<!tpu.dma_semaphore, #tpu.memory_space<semaphore_mem>>) src(%arg3 : memref<8192xf32, #tpu.memory_space<vmem>>) dst(%dma_wait3A_30 : memref<8192xf32, #tpu.memory_space<hbm>>)
        tpu.yield
      }) : () -> ()
      %scan3A_24 = arith.constant 0 : i32
      scf.yield %scan3A_24 : i32
    }
    %scan3A_12 = arith.constant 32 : i32
    return
  }
}

module attributes {stable_mosaic.version = 14 : i64} {
  func.func @_tc1_kernel(%arg0: i32, %arg1: memref<32x16384xf32, #tpu.memory_space<vmem>>, %arg2: memref<32x256xf32, #tpu.memory_space<vmem>>, %arg3: memref<32x256xi32, #tpu.memory_space<vmem>>) attributes {dimension_semantics = [#tpu.dimension_semantics<arbitrary>], iteration_bounds = array<i64: 46>, scalar_prefetch = 0 : i64, scratch_operands = 0 : i64, tpu.core_type = #tpu.core_type<tc>, window_params = [{transform_indices = @transform_0, window_bounds = array<i64: 32, 16384>}, {pipeline_mode = #tpu.pipeline_mode<synchronous>, transform_indices = @transform_1, window_bounds = array<i64: 32, 256>}, {pipeline_mode = #tpu.pipeline_mode<synchronous>, transform_indices = @transform_2, window_bounds = array<i64: 32, 256>}]} {
    %eq3A = arith.constant 0 : i32
    %eq3A_0 = arith.cmpi eq, %arg0, %eq3A : i32
    %convert_element_type3A = arith.extui %eq3A_0 : i1 to i32
    %cond3A = arith.constant 0 : i32
    %cond3A_1 = arith.cmpi ne, %convert_element_type3A, %cond3A : i32
    scf.if %cond3A_1 {
      %broadcast_in_dim3A = arith.constant 0xFF800000 : f32
      %broadcast_in_dim3A_22 = vector.broadcast %broadcast_in_dim3A : f32 to vector<32x256xf32>
      %swap3A_23 = arith.constant 0 : index
      %swap3A_24 = arith.constant 0 : index
      %swap3A_25 = vector.load %arg2[%swap3A_23, %swap3A_24] : memref<32x256xf32, #tpu.memory_space<vmem>>, vector<32x256xf32>
      tpu.vector_store %arg2[%swap3A_23, %swap3A_24], %broadcast_in_dim3A_22 {strides = array<i32>} : memref<32x256xf32, #tpu.memory_space<vmem>>, vector<32x256xf32>,
      %broadcast_in_dim3A_26 = arith.constant 0 : i32
      %broadcast_in_dim3A_27 = vector.broadcast %broadcast_in_dim3A_26 : i32 to vector<32x256xi32>
      %swap3A_28 = arith.constant 0 : index
      %swap3A_29 = arith.constant 0 : index
      %swap3A_30 = vector.load %arg3[%swap3A_28, %swap3A_29] : memref<32x256xi32, #tpu.memory_space<vmem>>, vector<32x256xi32>
      tpu.vector_store %arg3[%swap3A_28, %swap3A_29], %broadcast_in_dim3A_27 {strides = array<i32>} : memref<32x256xi32, #tpu.memory_space<vmem>>, vector<32x256xi32>,
    } else {
    }
    %mul3A = arith.constant 16384 : i32
    %mul3A_2 = arith.muli %arg0, %mul3A : i32
    %iota3A = tpu.iota {dimensions = array<i32: 0>} : vector<32x256xi32>
    %mul3A_3 = arith.constant 1000000 : i32
    %mul3A_4 = vector.broadcast %mul3A_3 : i32 to vector<32x256xi32>
    %mul3A_5 = arith.muli %iota3A, %mul3A_4 : vector<32x256xi32>
    %iota3A_6 = tpu.iota {dimensions = array<i32: 1>} : vector<32x256xi32>
    %add3A = arith.addi %mul3A_5, %iota3A_6 : vector<32x256xi32>
    %get3A = arith.constant 0 : index
    %get3A_7 = arith.constant 0 : index
    %get3A_8 = vector.load %arg2[%get3A, %get3A_7] : memref<32x256xf32, #tpu.memory_space<vmem>>, vector<32x256xf32>
    %get3A_9 = arith.constant 0 : index
    %get3A_10 = arith.constant 0 : index
    %get3A_11 = vector.load %arg3[%get3A_9, %get3A_10] : memref<32x256xi32, #tpu.memory_space<vmem>>, vector<32x256xi32>
    %scan3A = arith.constant 0 : i32
    %scan3A_12 = arith.constant 32 : i32
    %scan3A_13 = arith.addi %scan3A, %scan3A_12 : i32
    %scan3A_14 = arith.constant 1 : i32
    %scan3A_15:2 = scf.for %scan3A_22 = %scan3A to %scan3A_13 step %scan3A_14 iter_args(%scan3A_23 = %get3A_8, %scan3A_24 = %get3A_11) -> (vector<32x256xf32>, vector<32x256xi32>)  : i32 {
      %mul3A_25 = arith.constant 2 : i32
      %mul3A_26 = arith.muli %scan3A_22, %mul3A_25 : i32
      %add3A_27 = arith.constant 0 : i32
      %add3A_28 = arith.addi %mul3A_26, %add3A_27 : i32
      %mul3A_29 = arith.constant 256 : i32
      %mul3A_30 = arith.muli %add3A_28, %mul3A_29 : i32
      %add3A_31 = arith.addi %mul3A_2, %mul3A_30 : i32
      %add3A_32 = arith.constant 42 : i32
      %add3A_33 = arith.addi %add3A_31, %add3A_32 : i32
      %add3A_34 = vector.broadcast %add3A_33 : i32 to vector<32x256xi32>
      %add3A_35 = arith.addi %add3A, %add3A_34 : vector<32x256xi32>
      %shift_left3A = arith.constant 13 : i32
      %shift_left3A_36 = vector.broadcast %shift_left3A : i32 to vector<32x256xi32>
      %shift_left3A_37 = arith.shli %add3A_35, %shift_left3A_36 : vector<32x256xi32>
      %shift_right_logical3A = arith.constant 19 : i32
      %shift_right_logical3A_38 = vector.broadcast %shift_right_logical3A : i32 to vector<32x256xi32>
      %shift_right_logical3A_39 = arith.shrui %add3A_35, %shift_right_logical3A_38 : vector<32x256xi32>
      %or3A = arith.ori %shift_left3A_37, %shift_right_logical3A_39 : vector<32x256xi32>
      %xor3A = arith.xori %add3A_35, %or3A : vector<32x256xi32>
      %add3A_40 = arith.addi %add3A_35, %xor3A : vector<32x256xi32>
      %shift_left3A_41 = arith.constant 15 : i32
      %shift_left3A_42 = vector.broadcast %shift_left3A_41 : i32 to vector<32x256xi32>
      %shift_left3A_43 = arith.shli %xor3A, %shift_left3A_42 : vector<32x256xi32>
      %shift_right_logical3A_44 = arith.constant 17 : i32
      %shift_right_logical3A_45 = vector.broadcast %shift_right_logical3A_44 : i32 to vector<32x256xi32>
      %shift_right_logical3A_46 = arith.shrui %xor3A, %shift_right_logical3A_45 : vector<32x256xi32>
      %or3A_47 = arith.ori %shift_left3A_43, %shift_right_logical3A_46 : vector<32x256xi32>
      %xor3A_48 = arith.xori %add3A_40, %or3A_47 : vector<32x256xi32>
      %add3A_49 = arith.addi %add3A_40, %xor3A_48 : vector<32x256xi32>
      %shift_left3A_50 = arith.constant 26 : i32
      %shift_left3A_51 = vector.broadcast %shift_left3A_50 : i32 to vector<32x256xi32>
      %shift_left3A_52 = arith.shli %xor3A_48, %shift_left3A_51 : vector<32x256xi32>
      %shift_right_logical3A_53 = arith.constant 6 : i32
      %shift_right_logical3A_54 = vector.broadcast %shift_right_logical3A_53 : i32 to vector<32x256xi32>
      %shift_right_logical3A_55 = arith.shrui %xor3A_48, %shift_right_logical3A_54 : vector<32x256xi32>
      %or3A_56 = arith.ori %shift_left3A_52, %shift_right_logical3A_55 : vector<32x256xi32>
      %xor3A_57 = arith.xori %add3A_49, %or3A_56 : vector<32x256xi32>
      %add3A_58 = arith.addi %add3A_49, %xor3A_57 : vector<32x256xi32>
      %shift_left3A_59 = arith.constant 6 : i32
      %shift_left3A_60 = vector.broadcast %shift_left3A_59 : i32 to vector<32x256xi32>
      %shift_left3A_61 = arith.shli %xor3A_57, %shift_left3A_60 : vector<32x256xi32>
      %shift_right_logical3A_62 = arith.constant 26 : i32
      %shift_right_logical3A_63 = vector.broadcast %shift_right_logical3A_62 : i32 to vector<32x256xi32>
      %shift_right_logical3A_64 = arith.shrui %xor3A_57, %shift_right_logical3A_63 : vector<32x256xi32>
      %or3A_65 = arith.ori %shift_left3A_61, %shift_right_logical3A_64 : vector<32x256xi32>
      %xor3A_66 = arith.xori %add3A_58, %or3A_65 : vector<32x256xi32>
      %add3A_67 = arith.constant 42 : i32
      %add3A_68 = vector.broadcast %add3A_67 : i32 to vector<32x256xi32>
      %add3A_69 = arith.addi %add3A_58, %add3A_68 : vector<32x256xi32>
      %add3A_70 = arith.constant 466689009 : i32
      %add3A_71 = vector.broadcast %add3A_70 : i32 to vector<32x256xi32>
      %add3A_72 = arith.addi %xor3A_66, %add3A_71 : vector<32x256xi32>
      %add3A_73 = arith.addi %add3A_69, %add3A_72 : vector<32x256xi32>
      %shift_left3A_74 = arith.constant 17 : i32
      %shift_left3A_75 = vector.broadcast %shift_left3A_74 : i32 to vector<32x256xi32>
      %shift_left3A_76 = arith.shli %add3A_72, %shift_left3A_75 : vector<32x256xi32>
      %shift_right_logical3A_77 = arith.constant 15 : i32
      %shift_right_logical3A_78 = vector.broadcast %shift_right_logical3A_77 : i32 to vector<32x256xi32>
      %shift_right_logical3A_79 = arith.shrui %add3A_72, %shift_right_logical3A_78 : vector<32x256xi32>
      %or3A_80 = arith.ori %shift_left3A_76, %shift_right_logical3A_79 : vector<32x256xi32>
      %xor3A_81 = arith.xori %add3A_73, %or3A_80 : vector<32x256xi32>
      %add3A_82 = arith.addi %add3A_73, %xor3A_81 : vector<32x256xi32>
      %shift_left3A_83 = arith.constant 29 : i32
      %shift_left3A_84 = vector.broadcast %shift_left3A_83 : i32 to vector<32x256xi32>
      %shift_left3A_85 = arith.shli %xor3A_81, %shift_left3A_84 : vector<32x256xi32>
      %shift_right_logical3A_86 = arith.constant 3 : i32
      %shift_right_logical3A_87 = vector.broadcast %shift_right_logical3A_86 : i32 to vector<32x256xi32>
      %shift_right_logical3A_88 = arith.shrui %xor3A_81, %shift_right_logical3A_87 : vector<32x256xi32>
      %or3A_89 = arith.ori %shift_left3A_85, %shift_right_logical3A_88 : vector<32x256xi32>
      %xor3A_90 = arith.xori %add3A_82, %or3A_89 : vector<32x256xi32>
      %add3A_91 = arith.addi %add3A_82, %xor3A_90 : vector<32x256xi32>
      %shift_left3A_92 = arith.constant 16 : i32
      %shift_left3A_93 = vector.broadcast %shift_left3A_92 : i32 to vector<32x256xi32>
      %shift_left3A_94 = arith.shli %xor3A_90, %shift_left3A_93 : vector<32x256xi32>
      %shift_right_logical3A_95 = arith.constant 16 : i32
      %shift_right_logical3A_96 = vector.broadcast %shift_right_logical3A_95 : i32 to vector<32x256xi32>
      %shift_right_logical3A_97 = arith.shrui %xor3A_90, %shift_right_logical3A_96 : vector<32x256xi32>
      %or3A_98 = arith.ori %shift_left3A_94, %shift_right_logical3A_97 : vector<32x256xi32>
      %xor3A_99 = arith.xori %add3A_91, %or3A_98 : vector<32x256xi32>
      %add3A_100 = arith.addi %add3A_91, %xor3A_99 : vector<32x256xi32>
      %shift_left3A_101 = arith.constant 24 : i32
      %shift_left3A_102 = vector.broadcast %shift_left3A_101 : i32 to vector<32x256xi32>
      %shift_left3A_103 = arith.shli %xor3A_99, %shift_left3A_102 : vector<32x256xi32>
      %shift_right_logical3A_104 = arith.constant 8 : i32
      %shift_right_logical3A_105 = vector.broadcast %shift_right_logical3A_104 : i32 to vector<32x256xi32>
      %shift_right_logical3A_106 = arith.shrui %xor3A_99, %shift_right_logical3A_105 : vector<32x256xi32>
      %or3A_107 = arith.ori %shift_left3A_103, %shift_right_logical3A_106 : vector<32x256xi32>
      %xor3A_108 = arith.xori %add3A_100, %or3A_107 : vector<32x256xi32>
      %add3A_109 = arith.constant 466689008 : i32
      %add3A_110 = vector.broadcast %add3A_109 : i32 to vector<32x256xi32>
      %add3A_111 = arith.addi %add3A_100, %add3A_110 : vector<32x256xi32>
      %add3A_112 = arith.constant 2 : i32
      %add3A_113 = vector.broadcast %add3A_112 : i32 to vector<32x256xi32>
      %add3A_114 = arith.addi %xor3A_108, %add3A_113 : vector<32x256xi32>
      %add3A_115 = arith.addi %add3A_111, %add3A_114 : vector<32x256xi32>
      %shift_left3A_116 = arith.constant 13 : i32
      %shift_left3A_117 = vector.broadcast %shift_left3A_116 : i32 to vector<32x256xi32>
      %shift_left3A_118 = arith.shli %add3A_114, %shift_left3A_117 : vector<32x256xi32>
      %shift_right_logical3A_119 = arith.constant 19 : i32
      %shift_right_logical3A_120 = vector.broadcast %shift_right_logical3A_119 : i32 to vector<32x256xi32>
      %shift_right_logical3A_121 = arith.shrui %add3A_114, %shift_right_logical3A_120 : vector<32x256xi32>
      %or3A_122 = arith.ori %shift_left3A_118, %shift_right_logical3A_121 : vector<32x256xi32>
      %xor3A_123 = arith.xori %add3A_115, %or3A_122 : vector<32x256xi32>
      %add3A_124 = arith.addi %add3A_115, %xor3A_123 : vector<32x256xi32>
      %shift_left3A_125 = arith.constant 15 : i32
      %shift_left3A_126 = vector.broadcast %shift_left3A_125 : i32 to vector<32x256xi32>
      %shift_left3A_127 = arith.shli %xor3A_123, %shift_left3A_126 : vector<32x256xi32>
      %shift_right_logical3A_128 = arith.constant 17 : i32
      %shift_right_logical3A_129 = vector.broadcast %shift_right_logical3A_128 : i32 to vector<32x256xi32>
      %shift_right_logical3A_130 = arith.shrui %xor3A_123, %shift_right_logical3A_129 : vector<32x256xi32>
      %or3A_131 = arith.ori %shift_left3A_127, %shift_right_logical3A_130 : vector<32x256xi32>
      %xor3A_132 = arith.xori %add3A_124, %or3A_131 : vector<32x256xi32>
      %add3A_133 = arith.addi %add3A_124, %xor3A_132 : vector<32x256xi32>
      %shift_left3A_134 = arith.constant 26 : i32
      %shift_left3A_135 = vector.broadcast %shift_left3A_134 : i32 to vector<32x256xi32>
      %shift_left3A_136 = arith.shli %xor3A_132, %shift_left3A_135 : vector<32x256xi32>
      %shift_right_logical3A_137 = arith.constant 6 : i32
      %shift_right_logical3A_138 = vector.broadcast %shift_right_logical3A_137 : i32 to vector<32x256xi32>
      %shift_right_logical3A_139 = arith.shrui %xor3A_132, %shift_right_logical3A_138 : vector<32x256xi32>
      %or3A_140 = arith.ori %shift_left3A_136, %shift_right_logical3A_139 : vector<32x256xi32>
      %xor3A_141 = arith.xori %add3A_133, %or3A_140 : vector<32x256xi32>
      %add3A_142 = arith.addi %add3A_133, %xor3A_141 : vector<32x256xi32>
      %shift_left3A_143 = arith.constant 6 : i32
      %shift_left3A_144 = vector.broadcast %shift_left3A_143 : i32 to vector<32x256xi32>
      %shift_left3A_145 = arith.shli %xor3A_141, %shift_left3A_144 : vector<32x256xi32>
      %shift_right_logical3A_146 = arith.constant 26 : i32
      %shift_right_logical3A_147 = vector.broadcast %shift_right_logical3A_146 : i32 to vector<32x256xi32>
      %shift_right_logical3A_148 = arith.shrui %xor3A_141, %shift_right_logical3A_147 : vector<32x256xi32>
      %or3A_149 = arith.ori %shift_left3A_145, %shift_right_logical3A_148 : vector<32x256xi32>
      %xor3A_150 = arith.xori %add3A_142, %or3A_149 : vector<32x256xi32>
      %add3A_151 = arith.constant 0 : i32
      %add3A_152 = vector.broadcast %add3A_151 : i32 to vector<32x256xi32>
      %add3A_153 = arith.addi %add3A_142, %add3A_152 : vector<32x256xi32>
      %add3A_154 = arith.constant 45 : i32
      %add3A_155 = vector.broadcast %add3A_154 : i32 to vector<32x256xi32>
      %add3A_156 = arith.addi %xor3A_150, %add3A_155 : vector<32x256xi32>
      %add3A_157 = arith.addi %add3A_153, %add3A_156 : vector<32x256xi32>
      %shift_left3A_158 = arith.constant 17 : i32
      %shift_left3A_159 = vector.broadcast %shift_left3A_158 : i32 to vector<32x256xi32>
      %shift_left3A_160 = arith.shli %add3A_156, %shift_left3A_159 : vector<32x256xi32>
      %shift_right_logical3A_161 = arith.constant 15 : i32
      %shift_right_logical3A_162 = vector.broadcast %shift_right_logical3A_161 : i32 to vector<32x256xi32>
      %shift_right_logical3A_163 = arith.shrui %add3A_156, %shift_right_logical3A_162 : vector<32x256xi32>
      %or3A_164 = arith.ori %shift_left3A_160, %shift_right_logical3A_163 : vector<32x256xi32>
      %xor3A_165 = arith.xori %add3A_157, %or3A_164 : vector<32x256xi32>
      %add3A_166 = arith.addi %add3A_157, %xor3A_165 : vector<32x256xi32>
      %shift_left3A_167 = arith.constant 29 : i32
      %shift_left3A_168 = vector.broadcast %shift_left3A_167 : i32 to vector<32x256xi32>
      %shift_left3A_169 = arith.shli %xor3A_165, %shift_left3A_168 : vector<32x256xi32>
      %shift_right_logical3A_170 = arith.constant 3 : i32
      %shift_right_logical3A_171 = vector.broadcast %shift_right_logical3A_170 : i32 to vector<32x256xi32>
      %shift_right_logical3A_172 = arith.shrui %xor3A_165, %shift_right_logical3A_171 : vector<32x256xi32>
      %or3A_173 = arith.ori %shift_left3A_169, %shift_right_logical3A_172 : vector<32x256xi32>
      %xor3A_174 = arith.xori %add3A_166, %or3A_173 : vector<32x256xi32>
      %add3A_175 = arith.addi %add3A_166, %xor3A_174 : vector<32x256xi32>
      %shift_left3A_176 = arith.constant 16 : i32
      %shift_left3A_177 = vector.broadcast %shift_left3A_176 : i32 to vector<32x256xi32>
      %shift_left3A_178 = arith.shli %xor3A_174, %shift_left3A_177 : vector<32x256xi32>
      %shift_right_logical3A_179 = arith.constant 16 : i32
      %shift_right_logical3A_180 = vector.broadcast %shift_right_logical3A_179 : i32 to vector<32x256xi32>
      %shift_right_logical3A_181 = arith.shrui %xor3A_174, %shift_right_logical3A_180 : vector<32x256xi32>
      %or3A_182 = arith.ori %shift_left3A_178, %shift_right_logical3A_181 : vector<32x256xi32>
      %xor3A_183 = arith.xori %add3A_175, %or3A_182 : vector<32x256xi32>
      %add3A_184 = arith.addi %add3A_175, %xor3A_183 : vector<32x256xi32>
      %shift_left3A_185 = arith.constant 24 : i32
      %shift_left3A_186 = vector.broadcast %shift_left3A_185 : i32 to vector<32x256xi32>
      %shift_left3A_187 = arith.shli %xor3A_183, %shift_left3A_186 : vector<32x256xi32>
      %shift_right_logical3A_188 = arith.constant 8 : i32
      %shift_right_logical3A_189 = vector.broadcast %shift_right_logical3A_188 : i32 to vector<32x256xi32>
      %shift_right_logical3A_190 = arith.shrui %xor3A_183, %shift_right_logical3A_189 : vector<32x256xi32>
      %or3A_191 = arith.ori %shift_left3A_187, %shift_right_logical3A_190 : vector<32x256xi32>
      %xor3A_192 = arith.xori %add3A_184, %or3A_191 : vector<32x256xi32>
      %add3A_193 = arith.constant 42 : i32
      %add3A_194 = vector.broadcast %add3A_193 : i32 to vector<32x256xi32>
      %add3A_195 = arith.addi %add3A_184, %add3A_194 : vector<32x256xi32>
      %add3A_196 = arith.constant 466689012 : i32
      %add3A_197 = vector.broadcast %add3A_196 : i32 to vector<32x256xi32>
      %add3A_198 = arith.addi %xor3A_192, %add3A_197 : vector<32x256xi32>
      %add3A_199 = arith.addi %add3A_195, %add3A_198 : vector<32x256xi32>
      %shift_left3A_200 = arith.constant 13 : i32
      %shift_left3A_201 = vector.broadcast %shift_left3A_200 : i32 to vector<32x256xi32>
      %shift_left3A_202 = arith.shli %add3A_198, %shift_left3A_201 : vector<32x256xi32>
      %shift_right_logical3A_203 = arith.constant 19 : i32
      %shift_right_logical3A_204 = vector.broadcast %shift_right_logical3A_203 : i32 to vector<32x256xi32>
      %shift_right_logical3A_205 = arith.shrui %add3A_198, %shift_right_logical3A_204 : vector<32x256xi32>
      %or3A_206 = arith.ori %shift_left3A_202, %shift_right_logical3A_205 : vector<32x256xi32>
      %xor3A_207 = arith.xori %add3A_199, %or3A_206 : vector<32x256xi32>
      %add3A_208 = arith.addi %add3A_199, %xor3A_207 : vector<32x256xi32>
      %shift_left3A_209 = arith.constant 15 : i32
      %shift_left3A_210 = vector.broadcast %shift_left3A_209 : i32 to vector<32x256xi32>
      %shift_left3A_211 = arith.shli %xor3A_207, %shift_left3A_210 : vector<32x256xi32>
      %shift_right_logical3A_212 = arith.constant 17 : i32
      %shift_right_logical3A_213 = vector.broadcast %shift_right_logical3A_212 : i32 to vector<32x256xi32>
      %shift_right_logical3A_214 = arith.shrui %xor3A_207, %shift_right_logical3A_213 : vector<32x256xi32>
      %or3A_215 = arith.ori %shift_left3A_211, %shift_right_logical3A_214 : vector<32x256xi32>
      %xor3A_216 = arith.xori %add3A_208, %or3A_215 : vector<32x256xi32>
      %add3A_217 = arith.addi %add3A_208, %xor3A_216 : vector<32x256xi32>
      %shift_left3A_218 = arith.constant 26 : i32
      %shift_left3A_219 = vector.broadcast %shift_left3A_218 : i32 to vector<32x256xi32>
      %shift_left3A_220 = arith.shli %xor3A_216, %shift_left3A_219 : vector<32x256xi32>
      %shift_right_logical3A_221 = arith.constant 6 : i32
      %shift_right_logical3A_222 = vector.broadcast %shift_right_logical3A_221 : i32 to vector<32x256xi32>
      %shift_right_logical3A_223 = arith.shrui %xor3A_216, %shift_right_logical3A_222 : vector<32x256xi32>
      %or3A_224 = arith.ori %shift_left3A_220, %shift_right_logical3A_223 : vector<32x256xi32>
      %xor3A_225 = arith.xori %add3A_217, %or3A_224 : vector<32x256xi32>
      %add3A_226 = arith.addi %add3A_217, %xor3A_225 : vector<32x256xi32>
      %shift_left3A_227 = arith.constant 6 : i32
      %shift_left3A_228 = vector.broadcast %shift_left3A_227 : i32 to vector<32x256xi32>
      %shift_left3A_229 = arith.shli %xor3A_225, %shift_left3A_228 : vector<32x256xi32>
      %shift_right_logical3A_230 = arith.constant 26 : i32
      %shift_right_logical3A_231 = vector.broadcast %shift_right_logical3A_230 : i32 to vector<32x256xi32>
      %shift_right_logical3A_232 = arith.shrui %xor3A_225, %shift_right_logical3A_231 : vector<32x256xi32>
      %or3A_233 = arith.ori %shift_left3A_229, %shift_right_logical3A_232 : vector<32x256xi32>
      %xor3A_234 = arith.xori %add3A_226, %or3A_233 : vector<32x256xi32>
      %add3A_235 = arith.constant 466689008 : i32
      %add3A_236 = vector.broadcast %add3A_235 : i32 to vector<32x256xi32>
      %add3A_237 = arith.addi %add3A_226, %add3A_236 : vector<32x256xi32>
      %add3A_238 = arith.constant 5 : i32
      %add3A_239 = vector.broadcast %add3A_238 : i32 to vector<32x256xi32>
      %add3A_240 = arith.addi %xor3A_234, %add3A_239 : vector<32x256xi32>
      %xor3A_241 = arith.xori %add3A_237, %add3A_240 : vector<32x256xi32>
      %shift_right_logical3A_242 = arith.constant 9 : i32
      %shift_right_logical3A_243 = vector.broadcast %shift_right_logical3A_242 : i32 to vector<32x256xi32>
      %shift_right_logical3A_244 = arith.shrui %xor3A_241, %shift_right_logical3A_243 : vector<32x256xi32>
      %or3A_245 = arith.constant 1065353216 : i32
      %or3A_246 = vector.broadcast %or3A_245 : i32 to vector<32x256xi32>
      %or3A_247 = arith.ori %shift_right_logical3A_244, %or3A_246 : vector<32x256xi32>
      %bitcast_convert_type3A = tpu.bitcast %or3A_247 : vector<32x256xi32> -> vector<32x256xf32>
      %sub3A = arith.constant 1.000000e+00 : f32
      %sub3A_248 = vector.broadcast %sub3A : f32 to vector<32x256xf32>
      %sub3A_249 = arith.subf %bitcast_convert_type3A, %sub3A_248 : vector<32x256xf32>
      %mul3A_250 = arith.constant 1.000000e+00 : f32
      %mul3A_251 = vector.broadcast %mul3A_250 : f32 to vector<32x256xf32>
      %mul3A_252 = arith.mulf %sub3A_249, %mul3A_251 : vector<32x256xf32>
      %add3A_253 = arith.constant 1.17549435E-38 : f32
      %add3A_254 = vector.broadcast %add3A_253 : f32 to vector<32x256xf32>
      %add3A_255 = arith.addf %mul3A_252, %add3A_254 : vector<32x256xf32>
      %max3A = arith.constant 1.17549435E-38 : f32
      %max3A_256 = vector.broadcast %max3A : f32 to vector<32x256xf32>
      %max3A_257 = arith.maximumf %max3A_256, %add3A_255 : vector<32x256xf32>
      %log3A = math.log %max3A_257 : vector<32x256xf32>
      %neg3A = arith.constant 0.000000e+00 : f32
      %neg3A_258 = vector.broadcast %neg3A : f32 to vector<32x256xf32>
      %neg3A_259 = arith.subf %neg3A_258, %log3A : vector<32x256xf32>
      %log3A_260 = math.log %neg3A_259 : vector<32x256xf32>
      %get3A_261 = arith.constant 0 : index
      %get3A_262 = arith.index_cast %mul3A_30 : i32 to index
      %get3A_263 = vector.load %arg1[%get3A_261, %get3A_262] : memref<32x16384xf32, #tpu.memory_space<vmem>>, vector<32x256xf32>
      %sub3A_264 = arith.subf %get3A_263, %log3A_260 : vector<32x256xf32>
      %mul3A_265 = arith.constant 2 : i32
      %mul3A_266 = arith.muli %scan3A_22, %mul3A_265 : i32
      %add3A_267 = arith.constant 1 : i32
      %add3A_268 = arith.addi %mul3A_266, %add3A_267 : i32
      %mul3A_269 = arith.constant 256 : i32
      %mul3A_270 = arith.muli %add3A_268, %mul3A_269 : i32
      %add3A_271 = arith.addi %mul3A_2, %mul3A_270 : i32
      %add3A_272 = arith.constant 42 : i32
      %add3A_273 = arith.addi %add3A_271, %add3A_272 : i32
      %add3A_274 = vector.broadcast %add3A_273 : i32 to vector<32x256xi32>
      %add3A_275 = arith.addi %add3A, %add3A_274 : vector<32x256xi32>
      %shift_left3A_276 = arith.constant 13 : i32
      %shift_left3A_277 = vector.broadcast %shift_left3A_276 : i32 to vector<32x256xi32>
      %shift_left3A_278 = arith.shli %add3A_275, %shift_left3A_277 : vector<32x256xi32>
      %shift_right_logical3A_279 = arith.constant 19 : i32
      %shift_right_logical3A_280 = vector.broadcast %shift_right_logical3A_279 : i32 to vector<32x256xi32>
      %shift_right_logical3A_281 = arith.shrui %add3A_275, %shift_right_logical3A_280 : vector<32x256xi32>
      %or3A_282 = arith.ori %shift_left3A_278, %shift_right_logical3A_281 : vector<32x256xi32>
      %xor3A_283 = arith.xori %add3A_275, %or3A_282 : vector<32x256xi32>
      %add3A_284 = arith.addi %add3A_275, %xor3A_283 : vector<32x256xi32>
      %shift_left3A_285 = arith.constant 15 : i32
      %shift_left3A_286 = vector.broadcast %shift_left3A_285 : i32 to vector<32x256xi32>
      %shift_left3A_287 = arith.shli %xor3A_283, %shift_left3A_286 : vector<32x256xi32>
      %shift_right_logical3A_288 = arith.constant 17 : i32
      %shift_right_logical3A_289 = vector.broadcast %shift_right_logical3A_288 : i32 to vector<32x256xi32>
      %shift_right_logical3A_290 = arith.shrui %xor3A_283, %shift_right_logical3A_289 : vector<32x256xi32>
      %or3A_291 = arith.ori %shift_left3A_287, %shift_right_logical3A_290 : vector<32x256xi32>
      %xor3A_292 = arith.xori %add3A_284, %or3A_291 : vector<32x256xi32>
      %add3A_293 = arith.addi %add3A_284, %xor3A_292 : vector<32x256xi32>
      %shift_left3A_294 = arith.constant 26 : i32
      %shift_left3A_295 = vector.broadcast %shift_left3A_294 : i32 to vector<32x256xi32>
      %shift_left3A_296 = arith.shli %xor3A_292, %shift_left3A_295 : vector<32x256xi32>
      %shift_right_logical3A_297 = arith.constant 6 : i32
      %shift_right_logical3A_298 = vector.broadcast %shift_right_logical3A_297 : i32 to vector<32x256xi32>
      %shift_right_logical3A_299 = arith.shrui %xor3A_292, %shift_right_logical3A_298 : vector<32x256xi32>
      %or3A_300 = arith.ori %shift_left3A_296, %shift_right_logical3A_299 : vector<32x256xi32>
      %xor3A_301 = arith.xori %add3A_293, %or3A_300 : vector<32x256xi32>
      %add3A_302 = arith.addi %add3A_293, %xor3A_301 : vector<32x256xi32>
      %shift_left3A_303 = arith.constant 6 : i32
      %shift_left3A_304 = vector.broadcast %shift_left3A_303 : i32 to vector<32x256xi32>
      %shift_left3A_305 = arith.shli %xor3A_301, %shift_left3A_304 : vector<32x256xi32>
      %shift_right_logical3A_306 = arith.constant 26 : i32
      %shift_right_logical3A_307 = vector.broadcast %shift_right_logical3A_306 : i32 to vector<32x256xi32>
      %shift_right_logical3A_308 = arith.shrui %xor3A_301, %shift_right_logical3A_307 : vector<32x256xi32>
      %or3A_309 = arith.ori %shift_left3A_305, %shift_right_logical3A_308 : vector<32x256xi32>
      %xor3A_310 = arith.xori %add3A_302, %or3A_309 : vector<32x256xi32>
      %add3A_311 = arith.constant 42 : i32
      %add3A_312 = vector.broadcast %add3A_311 : i32 to vector<32x256xi32>
      %add3A_313 = arith.addi %add3A_302, %add3A_312 : vector<32x256xi32>
      %add3A_314 = arith.constant 466689009 : i32
      %add3A_315 = vector.broadcast %add3A_314 : i32 to vector<32x256xi32>
      %add3A_316 = arith.addi %xor3A_310, %add3A_315 : vector<32x256xi32>
      %add3A_317 = arith.addi %add3A_313, %add3A_316 : vector<32x256xi32>
      %shift_left3A_318 = arith.constant 17 : i32
      %shift_left3A_319 = vector.broadcast %shift_left3A_318 : i32 to vector<32x256xi32>
      %shift_left3A_320 = arith.shli %add3A_316, %shift_left3A_319 : vector<32x256xi32>
      %shift_right_logical3A_321 = arith.constant 15 : i32
      %shift_right_logical3A_322 = vector.broadcast %shift_right_logical3A_321 : i32 to vector<32x256xi32>
      %shift_right_logical3A_323 = arith.shrui %add3A_316, %shift_right_logical3A_322 : vector<32x256xi32>
      %or3A_324 = arith.ori %shift_left3A_320, %shift_right_logical3A_323 : vector<32x256xi32>
      %xor3A_325 = arith.xori %add3A_317, %or3A_324 : vector<32x256xi32>
      %add3A_326 = arith.addi %add3A_317, %xor3A_325 : vector<32x256xi32>
      %shift_left3A_327 = arith.constant 29 : i32
      %shift_left3A_328 = vector.broadcast %shift_left3A_327 : i32 to vector<32x256xi32>
      %shift_left3A_329 = arith.shli %xor3A_325, %shift_left3A_328 : vector<32x256xi32>
      %shift_right_logical3A_330 = arith.constant 3 : i32
      %shift_right_logical3A_331 = vector.broadcast %shift_right_logical3A_330 : i32 to vector<32x256xi32>
      %shift_right_logical3A_332 = arith.shrui %xor3A_325, %shift_right_logical3A_331 : vector<32x256xi32>
      %or3A_333 = arith.ori %shift_left3A_329, %shift_right_logical3A_332 : vector<32x256xi32>
      %xor3A_334 = arith.xori %add3A_326, %or3A_333 : vector<32x256xi32>
      %add3A_335 = arith.addi %add3A_326, %xor3A_334 : vector<32x256xi32>
      %shift_left3A_336 = arith.constant 16 : i32
      %shift_left3A_337 = vector.broadcast %shift_left3A_336 : i32 to vector<32x256xi32>
      %shift_left3A_338 = arith.shli %xor3A_334, %shift_left3A_337 : vector<32x256xi32>
      %shift_right_logical3A_339 = arith.constant 16 : i32
      %shift_right_logical3A_340 = vector.broadcast %shift_right_logical3A_339 : i32 to vector<32x256xi32>
      %shift_right_logical3A_341 = arith.shrui %xor3A_334, %shift_right_logical3A_340 : vector<32x256xi32>
      %or3A_342 = arith.ori %shift_left3A_338, %shift_right_logical3A_341 : vector<32x256xi32>
      %xor3A_343 = arith.xori %add3A_335, %or3A_342 : vector<32x256xi32>
      %add3A_344 = arith.addi %add3A_335, %xor3A_343 : vector<32x256xi32>
      %shift_left3A_345 = arith.constant 24 : i32
      %shift_left3A_346 = vector.broadcast %shift_left3A_345 : i32 to vector<32x256xi32>
      %shift_left3A_347 = arith.shli %xor3A_343, %shift_left3A_346 : vector<32x256xi32>
      %shift_right_logical3A_348 = arith.constant 8 : i32
      %shift_right_logical3A_349 = vector.broadcast %shift_right_logical3A_348 : i32 to vector<32x256xi32>
      %shift_right_logical3A_350 = arith.shrui %xor3A_343, %shift_right_logical3A_349 : vector<32x256xi32>
      %or3A_351 = arith.ori %shift_left3A_347, %shift_right_logical3A_350 : vector<32x256xi32>
      %xor3A_352 = arith.xori %add3A_344, %or3A_351 : vector<32x256xi32>
      %add3A_353 = arith.constant 466689008 : i32
      %add3A_354 = vector.broadcast %add3A_353 : i32 to vector<32x256xi32>
      %add3A_355 = arith.addi %add3A_344, %add3A_354 : vector<32x256xi32>
      %add3A_356 = arith.constant 2 : i32
      %add3A_357 = vector.broadcast %add3A_356 : i32 to vector<32x256xi32>
      %add3A_358 = arith.addi %xor3A_352, %add3A_357 : vector<32x256xi32>
      %add3A_359 = arith.addi %add3A_355, %add3A_358 : vector<32x256xi32>
      %shift_left3A_360 = arith.constant 13 : i32
      %shift_left3A_361 = vector.broadcast %shift_left3A_360 : i32 to vector<32x256xi32>
      %shift_left3A_362 = arith.shli %add3A_358, %shift_left3A_361 : vector<32x256xi32>
      %shift_right_logical3A_363 = arith.constant 19 : i32
      %shift_right_logical3A_364 = vector.broadcast %shift_right_logical3A_363 : i32 to vector<32x256xi32>
      %shift_right_logical3A_365 = arith.shrui %add3A_358, %shift_right_logical3A_364 : vector<32x256xi32>
      %or3A_366 = arith.ori %shift_left3A_362, %shift_right_logical3A_365 : vector<32x256xi32>
      %xor3A_367 = arith.xori %add3A_359, %or3A_366 : vector<32x256xi32>
      %add3A_368 = arith.addi %add3A_359, %xor3A_367 : vector<32x256xi32>
      %shift_left3A_369 = arith.constant 15 : i32
      %shift_left3A_370 = vector.broadcast %shift_left3A_369 : i32 to vector<32x256xi32>
      %shift_left3A_371 = arith.shli %xor3A_367, %shift_left3A_370 : vector<32x256xi32>
      %shift_right_logical3A_372 = arith.constant 17 : i32
      %shift_right_logical3A_373 = vector.broadcast %shift_right_logical3A_372 : i32 to vector<32x256xi32>
      %shift_right_logical3A_374 = arith.shrui %xor3A_367, %shift_right_logical3A_373 : vector<32x256xi32>
      %or3A_375 = arith.ori %shift_left3A_371, %shift_right_logical3A_374 : vector<32x256xi32>
      %xor3A_376 = arith.xori %add3A_368, %or3A_375 : vector<32x256xi32>
      %add3A_377 = arith.addi %add3A_368, %xor3A_376 : vector<32x256xi32>
      %shift_left3A_378 = arith.constant 26 : i32
      %shift_left3A_379 = vector.broadcast %shift_left3A_378 : i32 to vector<32x256xi32>
      %shift_left3A_380 = arith.shli %xor3A_376, %shift_left3A_379 : vector<32x256xi32>
      %shift_right_logical3A_381 = arith.constant 6 : i32
      %shift_right_logical3A_382 = vector.broadcast %shift_right_logical3A_381 : i32 to vector<32x256xi32>
      %shift_right_logical3A_383 = arith.shrui %xor3A_376, %shift_right_logical3A_382 : vector<32x256xi32>
      %or3A_384 = arith.ori %shift_left3A_380, %shift_right_logical3A_383 : vector<32x256xi32>
      %xor3A_385 = arith.xori %add3A_377, %or3A_384 : vector<32x256xi32>
      %add3A_386 = arith.addi %add3A_377, %xor3A_385 : vector<32x256xi32>
      %shift_left3A_387 = arith.constant 6 : i32
      %shift_left3A_388 = vector.broadcast %shift_left3A_387 : i32 to vector<32x256xi32>
      %shift_left3A_389 = arith.shli %xor3A_385, %shift_left3A_388 : vector<32x256xi32>
      %shift_right_logical3A_390 = arith.constant 26 : i32
      %shift_right_logical3A_391 = vector.broadcast %shift_right_logical3A_390 : i32 to vector<32x256xi32>
      %shift_right_logical3A_392 = arith.shrui %xor3A_385, %shift_right_logical3A_391 : vector<32x256xi32>
      %or3A_393 = arith.ori %shift_left3A_389, %shift_right_logical3A_392 : vector<32x256xi32>
      %xor3A_394 = arith.xori %add3A_386, %or3A_393 : vector<32x256xi32>
      %add3A_395 = arith.constant 0 : i32
      %add3A_396 = vector.broadcast %add3A_395 : i32 to vector<32x256xi32>
      %add3A_397 = arith.addi %add3A_386, %add3A_396 : vector<32x256xi32>
      %add3A_398 = arith.constant 45 : i32
      %add3A_399 = vector.broadcast %add3A_398 : i32 to vector<32x256xi32>
      %add3A_400 = arith.addi %xor3A_394, %add3A_399 : vector<32x256xi32>
      %add3A_401 = arith.addi %add3A_397, %add3A_400 : vector<32x256xi32>
      %shift_left3A_402 = arith.constant 17 : i32
      %shift_left3A_403 = vector.broadcast %shift_left3A_402 : i32 to vector<32x256xi32>
      %shift_left3A_404 = arith.shli %add3A_400, %shift_left3A_403 : vector<32x256xi32>
      %shift_right_logical3A_405 = arith.constant 15 : i32
      %shift_right_logical3A_406 = vector.broadcast %shift_right_logical3A_405 : i32 to vector<32x256xi32>
      %shift_right_logical3A_407 = arith.shrui %add3A_400, %shift_right_logical3A_406 : vector<32x256xi32>
      %or3A_408 = arith.ori %shift_left3A_404, %shift_right_logical3A_407 : vector<32x256xi32>
      %xor3A_409 = arith.xori %add3A_401, %or3A_408 : vector<32x256xi32>
      %add3A_410 = arith.addi %add3A_401, %xor3A_409 : vector<32x256xi32>
      %shift_left3A_411 = arith.constant 29 : i32
      %shift_left3A_412 = vector.broadcast %shift_left3A_411 : i32 to vector<32x256xi32>
      %shift_left3A_413 = arith.shli %xor3A_409, %shift_left3A_412 : vector<32x256xi32>
      %shift_right_logical3A_414 = arith.constant 3 : i32
      %shift_right_logical3A_415 = vector.broadcast %shift_right_logical3A_414 : i32 to vector<32x256xi32>
      %shift_right_logical3A_416 = arith.shrui %xor3A_409, %shift_right_logical3A_415 : vector<32x256xi32>
      %or3A_417 = arith.ori %shift_left3A_413, %shift_right_logical3A_416 : vector<32x256xi32>
      %xor3A_418 = arith.xori %add3A_410, %or3A_417 : vector<32x256xi32>
      %add3A_419 = arith.addi %add3A_410, %xor3A_418 : vector<32x256xi32>
      %shift_left3A_420 = arith.constant 16 : i32
      %shift_left3A_421 = vector.broadcast %shift_left3A_420 : i32 to vector<32x256xi32>
      %shift_left3A_422 = arith.shli %xor3A_418, %shift_left3A_421 : vector<32x256xi32>
      %shift_right_logical3A_423 = arith.constant 16 : i32
      %shift_right_logical3A_424 = vector.broadcast %shift_right_logical3A_423 : i32 to vector<32x256xi32>
      %shift_right_logical3A_425 = arith.shrui %xor3A_418, %shift_right_logical3A_424 : vector<32x256xi32>
      %or3A_426 = arith.ori %shift_left3A_422, %shift_right_logical3A_425 : vector<32x256xi32>
      %xor3A_427 = arith.xori %add3A_419, %or3A_426 : vector<32x256xi32>
      %add3A_428 = arith.addi %add3A_419, %xor3A_427 : vector<32x256xi32>
      %shift_left3A_429 = arith.constant 24 : i32
      %shift_left3A_430 = vector.broadcast %shift_left3A_429 : i32 to vector<32x256xi32>
      %shift_left3A_431 = arith.shli %xor3A_427, %shift_left3A_430 : vector<32x256xi32>
      %shift_right_logical3A_432 = arith.constant 8 : i32
      %shift_right_logical3A_433 = vector.broadcast %shift_right_logical3A_432 : i32 to vector<32x256xi32>
      %shift_right_logical3A_434 = arith.shrui %xor3A_427, %shift_right_logical3A_433 : vector<32x256xi32>
      %or3A_435 = arith.ori %shift_left3A_431, %shift_right_logical3A_434 : vector<32x256xi32>
      %xor3A_436 = arith.xori %add3A_428, %or3A_435 : vector<32x256xi32>
      %add3A_437 = arith.constant 42 : i32
      %add3A_438 = vector.broadcast %add3A_437 : i32 to vector<32x256xi32>
      %add3A_439 = arith.addi %add3A_428, %add3A_438 : vector<32x256xi32>
      %add3A_440 = arith.constant 466689012 : i32
      %add3A_441 = vector.broadcast %add3A_440 : i32 to vector<32x256xi32>
      %add3A_442 = arith.addi %xor3A_436, %add3A_441 : vector<32x256xi32>
      %add3A_443 = arith.addi %add3A_439, %add3A_442 : vector<32x256xi32>
      %shift_left3A_444 = arith.constant 13 : i32
      %shift_left3A_445 = vector.broadcast %shift_left3A_444 : i32 to vector<32x256xi32>
      %shift_left3A_446 = arith.shli %add3A_442, %shift_left3A_445 : vector<32x256xi32>
      %shift_right_logical3A_447 = arith.constant 19 : i32
      %shift_right_logical3A_448 = vector.broadcast %shift_right_logical3A_447 : i32 to vector<32x256xi32>
      %shift_right_logical3A_449 = arith.shrui %add3A_442, %shift_right_logical3A_448 : vector<32x256xi32>
      %or3A_450 = arith.ori %shift_left3A_446, %shift_right_logical3A_449 : vector<32x256xi32>
      %xor3A_451 = arith.xori %add3A_443, %or3A_450 : vector<32x256xi32>
      %add3A_452 = arith.addi %add3A_443, %xor3A_451 : vector<32x256xi32>
      %shift_left3A_453 = arith.constant 15 : i32
      %shift_left3A_454 = vector.broadcast %shift_left3A_453 : i32 to vector<32x256xi32>
      %shift_left3A_455 = arith.shli %xor3A_451, %shift_left3A_454 : vector<32x256xi32>
      %shift_right_logical3A_456 = arith.constant 17 : i32
      %shift_right_logical3A_457 = vector.broadcast %shift_right_logical3A_456 : i32 to vector<32x256xi32>
      %shift_right_logical3A_458 = arith.shrui %xor3A_451, %shift_right_logical3A_457 : vector<32x256xi32>
      %or3A_459 = arith.ori %shift_left3A_455, %shift_right_logical3A_458 : vector<32x256xi32>
      %xor3A_460 = arith.xori %add3A_452, %or3A_459 : vector<32x256xi32>
      %add3A_461 = arith.addi %add3A_452, %xor3A_460 : vector<32x256xi32>
      %shift_left3A_462 = arith.constant 26 : i32
      %shift_left3A_463 = vector.broadcast %shift_left3A_462 : i32 to vector<32x256xi32>
      %shift_left3A_464 = arith.shli %xor3A_460, %shift_left3A_463 : vector<32x256xi32>
      %shift_right_logical3A_465 = arith.constant 6 : i32
      %shift_right_logical3A_466 = vector.broadcast %shift_right_logical3A_465 : i32 to vector<32x256xi32>
      %shift_right_logical3A_467 = arith.shrui %xor3A_460, %shift_right_logical3A_466 : vector<32x256xi32>
      %or3A_468 = arith.ori %shift_left3A_464, %shift_right_logical3A_467 : vector<32x256xi32>
      %xor3A_469 = arith.xori %add3A_461, %or3A_468 : vector<32x256xi32>
      %add3A_470 = arith.addi %add3A_461, %xor3A_469 : vector<32x256xi32>
      %shift_left3A_471 = arith.constant 6 : i32
      %shift_left3A_472 = vector.broadcast %shift_left3A_471 : i32 to vector<32x256xi32>
      %shift_left3A_473 = arith.shli %xor3A_469, %shift_left3A_472 : vector<32x256xi32>
      %shift_right_logical3A_474 = arith.constant 26 : i32
      %shift_right_logical3A_475 = vector.broadcast %shift_right_logical3A_474 : i32 to vector<32x256xi32>
      %shift_right_logical3A_476 = arith.shrui %xor3A_469, %shift_right_logical3A_475 : vector<32x256xi32>
      %or3A_477 = arith.ori %shift_left3A_473, %shift_right_logical3A_476 : vector<32x256xi32>
      %xor3A_478 = arith.xori %add3A_470, %or3A_477 : vector<32x256xi32>
      %add3A_479 = arith.constant 466689008 : i32
      %add3A_480 = vector.broadcast %add3A_479 : i32 to vector<32x256xi32>
      %add3A_481 = arith.addi %add3A_470, %add3A_480 : vector<32x256xi32>
      %add3A_482 = arith.constant 5 : i32
      %add3A_483 = vector.broadcast %add3A_482 : i32 to vector<32x256xi32>
      %add3A_484 = arith.addi %xor3A_478, %add3A_483 : vector<32x256xi32>
      %xor3A_485 = arith.xori %add3A_481, %add3A_484 : vector<32x256xi32>
      %shift_right_logical3A_486 = arith.constant 9 : i32
      %shift_right_logical3A_487 = vector.broadcast %shift_right_logical3A_486 : i32 to vector<32x256xi32>
      %shift_right_logical3A_488 = arith.shrui %xor3A_485, %shift_right_logical3A_487 : vector<32x256xi32>
      %or3A_489 = arith.constant 1065353216 : i32
      %or3A_490 = vector.broadcast %or3A_489 : i32 to vector<32x256xi32>
      %or3A_491 = arith.ori %shift_right_logical3A_488, %or3A_490 : vector<32x256xi32>
      %bitcast_convert_type3A_492 = tpu.bitcast %or3A_491 : vector<32x256xi32> -> vector<32x256xf32>
      %sub3A_493 = arith.constant 1.000000e+00 : f32
      %sub3A_494 = vector.broadcast %sub3A_493 : f32 to vector<32x256xf32>
      %sub3A_495 = arith.subf %bitcast_convert_type3A_492, %sub3A_494 : vector<32x256xf32>
      %mul3A_496 = arith.constant 1.000000e+00 : f32
      %mul3A_497 = vector.broadcast %mul3A_496 : f32 to vector<32x256xf32>
      %mul3A_498 = arith.mulf %sub3A_495, %mul3A_497 : vector<32x256xf32>
      %add3A_499 = arith.constant 1.17549435E-38 : f32
      %add3A_500 = vector.broadcast %add3A_499 : f32 to vector<32x256xf32>
      %add3A_501 = arith.addf %mul3A_498, %add3A_500 : vector<32x256xf32>
      %max3A_502 = arith.constant 1.17549435E-38 : f32
      %max3A_503 = vector.broadcast %max3A_502 : f32 to vector<32x256xf32>
      %max3A_504 = arith.maximumf %max3A_503, %add3A_501 : vector<32x256xf32>
      %log3A_505 = math.log %max3A_504 : vector<32x256xf32>
      %neg3A_506 = arith.constant 0.000000e+00 : f32
      %neg3A_507 = vector.broadcast %neg3A_506 : f32 to vector<32x256xf32>
      %neg3A_508 = arith.subf %neg3A_507, %log3A_505 : vector<32x256xf32>
      %log3A_509 = math.log %neg3A_508 : vector<32x256xf32>
      %get3A_510 = arith.constant 0 : index
      %get3A_511 = arith.index_cast %mul3A_270 : i32 to index
      %get3A_512 = vector.load %arg1[%get3A_510, %get3A_511] : memref<32x16384xf32, #tpu.memory_space<vmem>>, vector<32x256xf32>
      %sub3A_513 = arith.subf %get3A_512, %log3A_509 : vector<32x256xf32>
      %gt3A = arith.cmpf ogt, %sub3A_264, %scan3A_23 : vector<32x256xf32>
      %broadcast_in_dim3A = arith.constant 0 : i32
      %broadcast_in_dim3A_514 = vector.broadcast %broadcast_in_dim3A : i32 to vector<32x256xi32>
      %mul3A_515 = arith.constant 64 : i32
      %mul3A_516 = arith.muli %arg0, %mul3A_515 : i32
      %add3A_517 = arith.addi %mul3A_516, %add3A_28 : i32
      %add3A_518 = vector.broadcast %add3A_517 : i32 to vector<32x256xi32>
      %add3A_519 = arith.addi %broadcast_in_dim3A_514, %add3A_518 : vector<32x256xi32>
      %select_n3A = arith.select %gt3A, %sub3A_264, %scan3A_23 : vector<32x256xi1>, vector<32x256xf32>
      %select_n3A_520 = arith.select %gt3A, %add3A_519, %scan3A_24 : vector<32x256xi1>, vector<32x256xi32>
      %gt3A_521 = arith.cmpf ogt, %sub3A_513, %select_n3A : vector<32x256xf32>
      %broadcast_in_dim3A_522 = arith.constant 0 : i32
      %broadcast_in_dim3A_523 = vector.broadcast %broadcast_in_dim3A_522 : i32 to vector<32x256xi32>
      %mul3A_524 = arith.constant 64 : i32
      %mul3A_525 = arith.muli %arg0, %mul3A_524 : i32
      %add3A_526 = arith.addi %mul3A_525, %add3A_268 : i32
      %add3A_527 = vector.broadcast %add3A_526 : i32 to vector<32x256xi32>
      %add3A_528 = arith.addi %broadcast_in_dim3A_523, %add3A_527 : vector<32x256xi32>
      %select_n3A_529 = arith.select %gt3A_521, %sub3A_513, %select_n3A : vector<32x256xi1>, vector<32x256xf32>
      %select_n3A_530 = arith.select %gt3A_521, %add3A_528, %select_n3A_520 : vector<32x256xi1>, vector<32x256xi32>
      scf.yield %select_n3A_529, %select_n3A_530 : vector<32x256xf32>, vector<32x256xi32>
    }
    %scan3A_16 = arith.constant 32 : i32
    %swap3A = arith.constant 0 : index
    %swap3A_17 = arith.constant 0 : index
    %swap3A_18 = vector.load %arg2[%swap3A, %swap3A_17] : memref<32x256xf32, #tpu.memory_space<vmem>>, vector<32x256xf32>
    tpu.vector_store %arg2[%swap3A, %swap3A_17], %scan3A_15#0 {strides = array<i32>} : memref<32x256xf32, #tpu.memory_space<vmem>>, vector<32x256xf32>,
    %swap3A_19 = arith.constant 0 : index
    %swap3A_20 = arith.constant 0 : index
    %swap3A_21 = vector.load %arg3[%swap3A_19, %swap3A_20] : memref<32x256xi32, #tpu.memory_space<vmem>>, vector<32x256xi32>
    tpu.vector_store %arg3[%swap3A_19, %swap3A_20], %scan3A_15#1 {strides = array<i32>} : memref<32x256xi32, #tpu.memory_space<vmem>>, vector<32x256xi32>,
    return
  }
  func.func @transform_0(%arg0: i32) -> (i32, i32) {
    %c0_i32 = arith.constant 0 : i32
    %c0_i32_0 = arith.constant 0 : i32
    return %c0_i32, %arg0 : i32, i32
  }
  func.func @transform_1(%arg0: i32) -> (i32, i32) {
    %c0_i32 = arith.constant 0 : i32
    %c0_i32_0 = arith.constant 0 : i32
    %c0_i32_1 = arith.constant 0 : i32
    return %c0_i32, %c0_i32_0 : i32, i32
  }
  func.func @transform_2(%arg0: i32) -> (i32, i32) {
    %c0_i32 = arith.constant 0 : i32
    %c0_i32_0 = arith.constant 0 : i32
    %c0_i32_1 = arith.constant 0 : i32
    return %c0_i32, %c0_i32_0 : i32, i32
  }
}

module attributes {stable_mosaic.version = 14 : i64} {
  func.func @_tc2_kernel(%arg0: i32, %arg1: memref<32x32768xf32, #tpu.memory_space<vmem>>, %arg2: memref<32x32768xf32, #tpu.memory_space<vmem>>, %arg3: memref<32x256xf32, #tpu.memory_space<vmem>>, %arg4: memref<32x256xi32, #tpu.memory_space<vmem>>, %arg5: memref<32x1xi32, #tpu.memory_space<vmem>>, %arg6: memref<32x256xf32, #tpu.memory_space<vmem>>, %arg7: memref<32x256xi32, #tpu.memory_space<vmem>>) attributes {dimension_semantics = [#tpu.dimension_semantics<arbitrary>], iteration_bounds = array<i64: 8>, scalar_prefetch = 0 : i64, scratch_operands = 2 : i64, tpu.core_type = #tpu.core_type<tc>, window_params = [{transform_indices = @transform_0, window_bounds = array<i64: 32, 32768>}, {transform_indices = @transform_1, window_bounds = array<i64: 32, 32768>}, {pipeline_mode = #tpu.pipeline_mode<synchronous>, transform_indices = @transform_2, window_bounds = array<i64: 32, 256>}, {pipeline_mode = #tpu.pipeline_mode<synchronous>, transform_indices = @transform_3, window_bounds = array<i64: 32, 256>}, {pipeline_mode = #tpu.pipeline_mode<synchronous>, transform_indices = @transform_4, window_bounds = array<i64: 32, 1>}]} {
    %eq3A = arith.constant 0 : i32
    %eq3A_0 = arith.cmpi eq, %arg0, %eq3A : i32
    %convert_element_type3A = arith.extui %eq3A_0 : i1 to i32
    %cond3A = arith.constant 0 : i32
    %cond3A_1 = arith.cmpi ne, %convert_element_type3A, %cond3A : i32
    scf.if %cond3A_1 {
      %get3A_28 = arith.constant 0 : index
      %get3A_29 = arith.constant 0 : index
      %get3A_30 = vector.load %arg3[%get3A_28, %get3A_29] : memref<32x256xf32, #tpu.memory_space<vmem>>, vector<32x256xf32>
      %swap3A_31 = arith.constant 0 : index
      %swap3A_32 = arith.constant 0 : index
      %swap3A_33 = vector.load %arg6[%swap3A_31, %swap3A_32] : memref<32x256xf32, #tpu.memory_space<vmem>>, vector<32x256xf32>
      tpu.vector_store %arg6[%swap3A_31, %swap3A_32], %get3A_30 {strides = array<i32>} : memref<32x256xf32, #tpu.memory_space<vmem>>, vector<32x256xf32>,
      %get3A_34 = arith.constant 0 : index
      %get3A_35 = arith.constant 0 : index
      %get3A_36 = vector.load %arg4[%get3A_34, %get3A_35] : memref<32x256xi32, #tpu.memory_space<vmem>>, vector<32x256xi32>
      %swap3A_37 = arith.constant 0 : index
      %swap3A_38 = arith.constant 0 : index
      %swap3A_39 = vector.load %arg7[%swap3A_37, %swap3A_38] : memref<32x256xi32, #tpu.memory_space<vmem>>, vector<32x256xi32>
      tpu.vector_store %arg7[%swap3A_37, %swap3A_38], %get3A_36 {strides = array<i32>} : memref<32x256xi32, #tpu.memory_space<vmem>>, vector<32x256xi32>,
    } else {
    }
    %mul3A = arith.constant 32768 : i32
    %mul3A_2 = arith.muli %arg0, %mul3A : i32
    %add3A = arith.constant 753664 : i32
    %add3A_3 = arith.addi %add3A, %mul3A_2 : i32
    %mul3A_4 = arith.constant 128 : i32
    %mul3A_5 = arith.muli %arg0, %mul3A_4 : i32
    %add3A_6 = arith.constant 2944 : i32
    %add3A_7 = arith.addi %add3A_6, %mul3A_5 : i32
    %iota3A = tpu.iota {dimensions = array<i32: 1>} : vector<32x256xi32>
    %get3A = arith.constant 0 : index
    %get3A_8 = arith.constant 0 : index
    %get3A_9 = vector.load %arg6[%get3A, %get3A_8] : memref<32x256xf32, #tpu.memory_space<vmem>>, vector<32x256xf32>
    %get3A_10 = arith.constant 0 : index
    %get3A_11 = arith.constant 0 : index
    %get3A_12 = vector.load %arg7[%get3A_10, %get3A_11] : memref<32x256xi32, #tpu.memory_space<vmem>>, vector<32x256xi32>
    %scan3A = arith.constant 0 : i32
    %scan3A_13 = arith.constant 64 : i32
    %scan3A_14 = arith.addi %scan3A, %scan3A_13 : i32
    %scan3A_15 = arith.constant 1 : i32
    %scan3A_16:2 = scf.for %scan3A_28 = %scan3A to %scan3A_14 step %scan3A_15 iter_args(%scan3A_29 = %get3A_9, %scan3A_30 = %get3A_12) -> (vector<32x256xf32>, vector<32x256xi32>)  : i32 {
      %mul3A_31 = arith.constant 2 : i32
      %mul3A_32 = arith.muli %scan3A_28, %mul3A_31 : i32
      %add3A_33 = arith.constant 0 : i32
      %add3A_34 = arith.addi %mul3A_32, %add3A_33 : i32
      %mul3A_35 = arith.constant 256 : i32
      %mul3A_36 = arith.muli %add3A_34, %mul3A_35 : i32
      %get3A_37 = arith.constant 0 : index
      %get3A_38 = arith.index_cast %mul3A_36 : i32 to index
      %get3A_39 = vector.load %arg2[%get3A_37, %get3A_38] : memref<32x32768xf32, #tpu.memory_space<vmem>>, vector<32x256xf32>
      %log3A = math.log %get3A_39 : vector<32x256xf32>
      %neg3A = arith.constant 0.000000e+00 : f32
      %neg3A_40 = vector.broadcast %neg3A : f32 to vector<32x256xf32>
      %neg3A_41 = arith.subf %neg3A_40, %log3A : vector<32x256xf32>
      %log3A_42 = math.log %neg3A_41 : vector<32x256xf32>
      %get3A_43 = arith.constant 0 : index
      %get3A_44 = arith.index_cast %mul3A_36 : i32 to index
      %get3A_45 = vector.load %arg1[%get3A_43, %get3A_44] : memref<32x32768xf32, #tpu.memory_space<vmem>>, vector<32x256xf32>
      %sub3A = arith.subf %get3A_45, %log3A_42 : vector<32x256xf32>
      %add3A_46 = arith.addi %add3A_3, %mul3A_36 : i32
      %sub3A_47 = arith.constant 1000000 : i32
      %sub3A_48 = arith.subi %sub3A_47, %add3A_46 : i32
      %lt3A = vector.broadcast %sub3A_48 : i32 to vector<32x256xi32>
      %lt3A_49 = arith.cmpi slt, %iota3A, %lt3A : vector<32x256xi32>
      %jit3A = arith.constant 0xFF800000 : f32
      %broadcast_in_dim3A = vector.broadcast %jit3A : f32 to vector<32x256xf32>
      %select_n3A = arith.select %lt3A_49, %sub3A, %broadcast_in_dim3A : vector<32x256xi1>, vector<32x256xf32>
      %mul3A_50 = arith.constant 2 : i32
      %mul3A_51 = arith.muli %scan3A_28, %mul3A_50 : i32
      %add3A_52 = arith.constant 1 : i32
      %add3A_53 = arith.addi %mul3A_51, %add3A_52 : i32
      %mul3A_54 = arith.constant 256 : i32
      %mul3A_55 = arith.muli %add3A_53, %mul3A_54 : i32
      %get3A_56 = arith.constant 0 : index
      %get3A_57 = arith.index_cast %mul3A_55 : i32 to index
      %get3A_58 = vector.load %arg2[%get3A_56, %get3A_57] : memref<32x32768xf32, #tpu.memory_space<vmem>>, vector<32x256xf32>
      %log3A_59 = math.log %get3A_58 : vector<32x256xf32>
      %neg3A_60 = arith.constant 0.000000e+00 : f32
      %neg3A_61 = vector.broadcast %neg3A_60 : f32 to vector<32x256xf32>
      %neg3A_62 = arith.subf %neg3A_61, %log3A_59 : vector<32x256xf32>
      %log3A_63 = math.log %neg3A_62 : vector<32x256xf32>
      %get3A_64 = arith.constant 0 : index
      %get3A_65 = arith.index_cast %mul3A_55 : i32 to index
      %get3A_66 = vector.load %arg1[%get3A_64, %get3A_65] : memref<32x32768xf32, #tpu.memory_space<vmem>>, vector<32x256xf32>
      %sub3A_67 = arith.subf %get3A_66, %log3A_63 : vector<32x256xf32>
      %add3A_68 = arith.addi %add3A_3, %mul3A_55 : i32
      %sub3A_69 = arith.constant 1000000 : i32
      %sub3A_70 = arith.subi %sub3A_69, %add3A_68 : i32
      %lt3A_71 = vector.broadcast %sub3A_70 : i32 to vector<32x256xi32>
      %lt3A_72 = arith.cmpi slt, %iota3A, %lt3A_71 : vector<32x256xi32>
      %jit3A_73 = arith.constant 0xFF800000 : f32
      %broadcast_in_dim3A_74 = vector.broadcast %jit3A_73 : f32 to vector<32x256xf32>
      %select_n3A_75 = arith.select %lt3A_72, %sub3A_67, %broadcast_in_dim3A_74 : vector<32x256xi1>, vector<32x256xf32>
      %gt3A = arith.cmpf ogt, %select_n3A, %scan3A_29 : vector<32x256xf32>
      %broadcast_in_dim3A_76 = arith.constant 0 : i32
      %broadcast_in_dim3A_77 = vector.broadcast %broadcast_in_dim3A_76 : i32 to vector<32x256xi32>
      %add3A_78 = arith.addi %add3A_7, %add3A_34 : i32
      %add3A_79 = vector.broadcast %add3A_78 : i32 to vector<32x256xi32>
      %add3A_80 = arith.addi %broadcast_in_dim3A_77, %add3A_79 : vector<32x256xi32>
      %select_n3A_81 = arith.select %gt3A, %select_n3A, %scan3A_29 : vector<32x256xi1>, vector<32x256xf32>
      %select_n3A_82 = arith.select %gt3A, %add3A_80, %scan3A_30 : vector<32x256xi1>, vector<32x256xi32>
      %gt3A_83 = arith.cmpf ogt, %select_n3A_75, %select_n3A_81 : vector<32x256xf32>
      %broadcast_in_dim3A_84 = arith.constant 0 : i32
      %broadcast_in_dim3A_85 = vector.broadcast %broadcast_in_dim3A_84 : i32 to vector<32x256xi32>
      %add3A_86 = arith.addi %add3A_7, %add3A_53 : i32
      %add3A_87 = vector.broadcast %add3A_86 : i32 to vector<32x256xi32>
      %add3A_88 = arith.addi %broadcast_in_dim3A_85, %add3A_87 : vector<32x256xi32>
      %select_n3A_89 = arith.select %gt3A_83, %select_n3A_75, %select_n3A_81 : vector<32x256xi1>, vector<32x256xf32>
      %select_n3A_90 = arith.select %gt3A_83, %add3A_88, %select_n3A_82 : vector<32x256xi1>, vector<32x256xi32>
      scf.yield %select_n3A_89, %select_n3A_90 : vector<32x256xf32>, vector<32x256xi32>
    }
    %scan3A_17 = arith.constant 64 : i32
    %swap3A = arith.constant 0 : index
    %swap3A_18 = arith.constant 0 : index
    %swap3A_19 = vector.load %arg6[%swap3A, %swap3A_18] : memref<32x256xf32, #tpu.memory_space<vmem>>, vector<32x256xf32>
    tpu.vector_store %arg6[%swap3A, %swap3A_18], %scan3A_16#0 {strides = array<i32>} : memref<32x256xf32, #tpu.memory_space<vmem>>, vector<32x256xf32>,
    %swap3A_20 = arith.constant 0 : index
    %swap3A_21 = arith.constant 0 : index
    %swap3A_22 = vector.load %arg7[%swap3A_20, %swap3A_21] : memref<32x256xi32, #tpu.memory_space<vmem>>, vector<32x256xi32>
    tpu.vector_store %arg7[%swap3A_20, %swap3A_21], %scan3A_16#1 {strides = array<i32>} : memref<32x256xi32, #tpu.memory_space<vmem>>, vector<32x256xi32>,
    %eq3A_23 = arith.constant 7 : i32
    %eq3A_24 = arith.cmpi eq, %arg0, %eq3A_23 : i32
    %convert_element_type3A_25 = arith.extui %eq3A_24 : i1 to i32
    %cond3A_26 = arith.constant 0 : i32
    %cond3A_27 = arith.cmpi ne, %convert_element_type3A_25, %cond3A_26 : i32
    scf.if %cond3A_27 {
      %get3A_28 = arith.constant 0 : index
      %get3A_29 = arith.constant 0 : index
      %get3A_30 = vector.load %arg6[%get3A_28, %get3A_29] : memref<32x256xf32, #tpu.memory_space<vmem>>, vector<32x256xf32>
      %reduce_max3A = arith.constant dense<0xFF800000> : vector<32xf32>
      %reduce_max3A_31 = vector.multi_reduction <maximumf>, %get3A_30, %reduce_max3A [1] : vector<32x256xf32> to vector<32xf32>
      %broadcast_in_dim3A = vector.shape_cast %reduce_max3A_31 : vector<32xf32> to vector<32x1xf32>
      %get3A_32 = arith.constant 0 : index
      %get3A_33 = arith.constant 0 : index
      %get3A_34 = vector.load %arg7[%get3A_32, %get3A_33] : memref<32x256xi32, #tpu.memory_space<vmem>>, vector<32x256xi32>
      %mul3A_35 = arith.constant 256 : i32
      %mul3A_36 = vector.broadcast %mul3A_35 : i32 to vector<32x256xi32>
      %mul3A_37 = arith.muli %get3A_34, %mul3A_36 : vector<32x256xi32>
      %add3A_38 = arith.addi %mul3A_37, %iota3A : vector<32x256xi32>
      %eq3A_39 = vector.broadcast %broadcast_in_dim3A : vector<32x1xf32> to vector<32x256xf32>
      %eq3A_40 = arith.cmpf oeq, %get3A_30, %eq3A_39 : vector<32x256xf32>
      %jit3A = arith.constant 1073741824 : i32
      %broadcast_in_dim3A_41 = vector.broadcast %jit3A : i32 to vector<32x256xi32>
      %select_n3A = arith.select %eq3A_40, %add3A_38, %broadcast_in_dim3A_41 : vector<32x256xi1>, vector<32x256xi32>
      %reduce_min3A = arith.constant dense<2147483647> : vector<32xi32>
      %reduce_min3A_42 = vector.multi_reduction <minsi>, %select_n3A, %reduce_min3A [1] : vector<32x256xi32> to vector<32xi32>
      %broadcast_in_dim3A_43 = vector.shape_cast %reduce_min3A_42 : vector<32xi32> to vector<32x1xi32>
      %swap3A_44 = arith.constant 0 : index
      %swap3A_45 = arith.constant 0 : index
      %swap3A_46 = vector.load %arg5[%swap3A_44, %swap3A_45] : memref<32x1xi32, #tpu.memory_space<vmem>>, vector<32x1xi32>
      tpu.vector_store %arg5[%swap3A_44, %swap3A_45], %broadcast_in_dim3A_43 {strides = array<i32>} : memref<32x1xi32, #tpu.memory_space<vmem>>, vector<32x1xi32>,
    } else {
    }
    return
  }
  func.func @transform_0(%arg0: i32) -> (i32, i32) {
    %add3A = arith.constant 23 : i32
    %add3A_0 = arith.addi %arg0, %add3A : i32
    %c0_i32 = arith.constant 0 : i32
    %c0_i32_1 = arith.constant 0 : i32
    return %c0_i32, %add3A_0 : i32, i32
  }
  func.func @transform_1(%arg0: i32) -> (i32, i32) {
    %c0_i32 = arith.constant 0 : i32
    %c0_i32_0 = arith.constant 0 : i32
    return %c0_i32, %arg0 : i32, i32
  }
  func.func @transform_2(%arg0: i32) -> (i32, i32) {
    %c0_i32 = arith.constant 0 : i32
    %c0_i32_0 = arith.constant 0 : i32
    %c0_i32_1 = arith.constant 0 : i32
    return %c0_i32, %c0_i32_0 : i32, i32
  }
  func.func @transform_3(%arg0: i32) -> (i32, i32) {
    %c0_i32 = arith.constant 0 : i32
    %c0_i32_0 = arith.constant 0 : i32
    %c0_i32_1 = arith.constant 0 : i32
    return %c0_i32, %c0_i32_0 : i32, i32
  }
  func.func @transform_4(%arg0: i32) -> (i32, i32) {
    %c0_i32 = arith.constant 0 : i32
    %c0_i32_0 = arith.constant 0 : i32
    %c0_i32_1 = arith.constant 0 : i32
    return %c0_i32, %c0_i32_0 : i32, i32
  }
}

</mosaic_0001>

<sc_bundles>
// kernel: kernel.5.cloned.1.call-start
scs
__scs_entry_jumppad:
0x0: {  	(pc) =	sbr.rel $0x88, $3  }
0x1: {  	(tag) =	ssettag $0x0;
	lr =	simm.s32 $0x1  }
0x2: {  	[smem:$0x3FA0] =	sst lr;
	_ =	strace $0xD0000000  }
0x3: {  	_ = 	snop  }
0x4: {  	_ = 	snop  }
0x5: {  	_ = 	snop  }
0x6: {  	_ = 	snop  }
0x7: {  	_ = 	snop  }
__scs_overlays_trampoline_lowered:
0x8: {  	[smem:$0x3FAF] =	sst s0  }
0x9: {  	[smem:$0x3FB0] =	sst s1  }
0xa: {  	[smem:$0x3FB1] =	sst s2  }
0xb: {  	[smem:$0x3FB2] =	sst s3  }
0xc: {  	[smem:$0x3FB3] =	sst s4  }
0xd: {  	[smem:$0x3FB4] =	sst s5  }
0xe: {  	[smem:$0x3FB5] =	sst s6  }
0xf: {  	[smem:$0x3FB6] =	sst s7  }
0x10: {  	[smem:$0x3FB7] =	sst s8  }
0x11: {  	[smem:$0x3FB8] =	sst s9;
	s0 =	simm.s32 @!p0 $0x0  }
0x12: {  	s1 =	sld [smem:$0x3F9E];
	s0 =	simm.s32 @p0 $0x1  }
0x13: {  	[smem:$0x3FB9] =	sst s0;
	s0 =	simm.s32 @!p1 $0x0  }
0x14: {  	s2 =	sld [smem:$0x3F9D];
	s0 =	simm.s32 @p1 $0x1  }
0x15: {  	[smem:$0x3FBA] =	sst s0;
	s0 =	simm.s32 @!p2 $0x0  }
0x16: {  	s3 =	sld [smem:$0x3FDB];
	s0 =	simm.s32 @p2 $0x1  }
0x17: {  	s4 =	simm.s32 $0x1BF5;
	[smem:$0x3FBC] =	sst s0  }
0x18: {  	s0 =	sld [smem:$0x3F9F];
	_ =	swait.ge [sflag:s4], $0x0  }
0x19: {  	s7 =	sld [smem:$0x3FA0]  }
0x1a: {  	s8 =	sadd.s32 $0xFFFFE003, lr  }
0x1b: {  	s9 =	sadd.s32 $0xFFFFFEF7, lr;
	s5 =	simm.s32 $0xFFFFFFFF;
	p2 =	slt.u32 s8, $0xFFFFF086  }
0x1c: {  	p1 =	slt.u32 s9, $0xF7A;
	s5 =	simm.s32 @!p2 $0x0  }
0x1d: {  	s5 =	simm.s32 @p1 $0x1;
	p0 =	seq.s32 s7, s2  }
0x1e: {  	s7 =	smul.u32 @!p0 $0xF7A, s2;
	p2 =	seq.s32 @!p0 s5, $0x0  }
0x1f: {  	s9 =	smul.u32 $0xF7A, s1;
	s8 =	simm.s32 @!p0 $0x1BF5;
	p2 =	por !p2, p0  }
0x20: {  	[sflag:s8] =	ssyncset.s32 @!p0 $0xFFFFF086;
	s6 =	sadd.s32 @!p0 s3, s7;
	s7 =	simm.s32 @!p0 $0x108  }
0x21: {  	s3 =	sadd.s32 s3, s9;
	s6 =	sadd.s32 @!p0 $0x88, s6;
	s7 =	simm.s32 @p2 $0x1082  }
0x22: {  	[simem:s7], [sflag:s8] =	dma.local @!p0 [hbm:s6], $0xF7A  }
0x23: {  	s9 =	sor.u32 $0xD0000000, s2;
	s6 =	simm.s32 $0x108;
	_ =	swait.ge @!p0 [sflag:s8], $0x0  }
0x24: {  	s3 =	sadd.s32 $0x88, s3;
	s6 =	simm.s32 @!p1 $0x1082;
	[sflag:s4] =	ssyncset.s32 $0xFFFFF086  }
0x25: {  	[simem:s6], [sflag:s4] =	dma.local [hbm:s3], $0xF7A  }
0x26: {  	[smem:$0x3FA0] =	sst s1;
	(tag) =	ssettag s2;
	_ =	strace s9  }
0x27: {  	s1 =	sld [smem:$0x3FB0]  }
0x28: {  	s2 =	sld [smem:$0x3FB1]  }
0x29: {  	s4 =	sld [smem:$0x3FB3]  }
0x2a: {  	p0 =	seq.s32 s5, $0x0;
	s5 =	sld [smem:$0x3FB4]  }
0x2b: {  	s6 =	sld [smem:$0x3FB5]  }
0x2c: {  	s7 =	sld [smem:$0x3FB6]  }
0x2d: {  	s3 =	simm.s32 $0x108;
	s8 =	sld [smem:$0x3FB7]  }
0x2e: {  	s3 =	simm.s32 @!p0 $0x1082;
	s9 =	sld [smem:$0x3FB8]  }
0x2f: {  	lr =	sadd.s32 s0, s3;
	s0 =	sld [smem:$0x3FAF]  }
0x30: {  	s3 =	sld [smem:$0x3FB2]  }
0x31: {  	[smem:$0x3FBB] =	sst s10  }
0x32: {  	s10 =	sld [smem:$0x3FB9];
	_ =	sdelay $0x3  }
0x33: {  	p0 =	seq.s32 s10, $0x1;
	s10 =	sld [smem:$0x3FBB];
	_ =	sdelay $0x3  }
0x34: {  	[smem:$0x3FBB] =	sst s10  }
0x35: {  	s10 =	sld [smem:$0x3FBA];
	_ =	sdelay $0x3  }
0x36: {  	p1 =	seq.s32 s10, $0x1;
	s10 =	sld [smem:$0x3FBB];
	_ =	sdelay $0x3  }
0x37: {  	[smem:$0x3FBB] =	sst s10  }
0x38: {  	s10 =	sld [smem:$0x3FBC]  }
0x39: {  	_ = 	snop;
	(pc) =	sbr.ind lr, $3  }
0x3a: {  	_ = 	snop  }
0x3b: {  	_ = 	snop  }
0x3c: {  	p2 =	seq.s32 s10, $0x1;
	s10 =	sld [smem:$0x3FBB]  }
0x3d: {  	_ =	shalt  }
0x3e: {  	_ =	shalt  }
0x3f: {  	_ =	shalt  }
0x40: {  	_ =	shalt  }
0x41: {  	_ =	shalt  }
0x42: {  	_ =	shalt  }
0x43: {  	_ =	shalt  }
0x44: {  	_ =	shalt  }
0x45: {  	_ =	shalt  }
0x46: {  	_ =	shalt  }
0x47: {  	_ =	shalt  }
0x48: {  	_ =	shalt  }
0x49: {  	_ =	shalt  }
0x4a: {  	_ =	shalt  }
0x4b: {  	_ =	shalt  }
0x4c: {  	_ =	shalt  }
0x4d: {  	_ =	shalt  }
0x4e: {  	_ =	shalt  }
0x4f: {  	_ =	shalt  }
0x50: {  	_ =	shalt  }
0x51: {  	_ =	shalt  }
0x52: {  	_ =	shalt  }
0x53: {  	_ =	shalt  }
0x54: {  	_ =	shalt  }
0x55: {  	_ =	shalt  }
0x56: {  	_ =	shalt  }
0x57: {  	_ =	shalt  }
0x58: {  	_ =	shalt  }
0x59: {  	_ =	shalt  }
0x5a: {  	_ =	shalt  }
0x5b: {  	_ =	shalt  }
0x5c: {  	_ =	shalt  }
0x5d: {  	_ =	shalt  }
0x5e: {  	_ =	shalt  }
0x5f: {  	_ =	shalt  }
0x60: {  	_ =	shalt  }
0x61: {  	_ =	shalt  }
0x62: {  	_ =	shalt  }
0x63: {  	_ =	shalt  }
0x64: {  	_ =	shalt  }
0x65: {  	_ =	shalt  }
0x66: {  	_ =	shalt  }
0x67: {  	_ =	shalt  }
0x68: {  	_ =	shalt  }
0x69: {  	_ =	shalt  }
0x6a: {  	_ =	shalt  }
0x6b: {  	_ =	shalt  }
0x6c: {  	_ =	shalt  }
0x6d: {  	_ =	shalt  }
0x6e: {  	_ =	shalt  }
0x6f: {  	_ =	shalt  }
0x70: {  	_ =	shalt  }
0x71: {  	_ =	shalt  }
0x72: {  	_ =	shalt  }
0x73: {  	_ =	shalt  }
0x74: {  	_ =	shalt  }
0x75: {  	_ =	shalt  }
0x76: {  	_ =	shalt  }
0x77: {  	_ =	shalt  }
0x78: {  	_ =	shalt  }
0x79: {  	_ =	shalt  }
0x7a: {  	_ =	shalt  }
0x7b: {  	_ =	shalt  }
0x7c: {  	_ =	shalt  }
0x7d: {  	_ =	shalt  }
0x7e: {  	_ =	shalt  }
0x7f: {  	_ =	shalt  }
0x80: {  	_ =	shalt  }
0x81: {  	_ =	shalt  }
0x82: {  	_ =	shalt  }
0x83: {  	_ =	shalt  }
0x84: {  	_ =	shalt  }
0x85: {  	_ =	shalt  }
0x86: {  	_ =	shalt  }
0x87: {  	_ =	shalt  }
.Lfunc_end0:
.L_simem_size_0:
called_computation_lowered:
.L_overlay_start_0:
0x88: {  	s2 =	sld [smem:$0x3FD9]  }
0x89: {  	s3 =	sld [smem:$0x3FFE];
	_ =	sdelay $0x1  }
0x8a: {  	s1 =	srdreg.scid  }
0x8b: {  	s0 =	sand.u32 $0x1, s1  }
0x8c: {  	s16 =	sshll.u32 s0, $0xA;
	s2 =	sadd.s32 s3, s2  }
0x8d: {  	s2 =	sadd.s32 s2, s16  }
0x8e: {  	[smem:$0x3FC7] =	sst s2  }
0x8f: {  	_ = 	snop  }
0x90: {  	(tm) =	ssettm $0x1  }
0x91: {  	s17 =	sld [smem:$0x3FFB];
	_ =	sdelay $0x3  }
0x92: {  	_ =	strace s17  }
0x93: {  	s2 =	sld [smem:$0x3FFC];
	_ =	sdelay $0x3  }
0x94: {  	_ =	strace s2  }
0x95: {  	s2 =	sld [smem:$0x3FFD];
	_ =	sdelay $0x3  }
0x96: {  	_ =	strace s2  }
0x97: {  	_ =	strace $0x8FFFFFFF  }
0x98: {  	s18 =	sld [smem:$0x3FDB];
	_ =	sdelay $0x1  }
0x99: {  	s19 =	simm.s32 $_scs_section_size  }
0x9a: {  	s4 =	simm.s32 $_size__tile_overlayer_lowered;
	s5 =	simm.s32 $_tile_overlayer_lowered  }
0x9b: {  	s22 =	simm.s32 $0x1BFF;
	s21 =	sshll.u32 s5, $0x1;
	s2 =	sadd.s32 s19, s18  }
0x9c: {  	s6 =	simm.s32 $0x0;
	s20 =	sshll.u32 s4, $0x1;
	s4 =	sadd.s32 s21, s2  }
0x9d: {  	[timem:s6], [sflag:s22] =	dma.local [hbm:s4], s20  }
0x9e: {  	_ =	swait.ge [sflag:s22], s20  }
0x9f: {  	s3 =	ssub.s32 $0x0, s20;
	[sflag:s22] =	ssyncset.done $0x0  }
0xa0: {  	[sflag:s22] =	ssyncadd.s32 s3;
	_ =	sdelay $0x1  }
0xa1: {  	s23 =	simm.s32 $0x1B8B  }
0xa2: {  	_ =	swait.ge [sflag:s23], $0x1  }
0xa3: {  	[sflag:s23] =	ssyncset.done $0x0  }
0xa4: {  	s25 =	simm.s32 $0x1B8E;
	s24 =	sld [smem:$0x3FFE];
	[sflag:s23] =	ssyncadd.s32 $0xFFFFFFFF  }
0xa5: {  	s26 =	simm.s32 $execute0_lowered;
	[smem:$0x3FD2] =	sst s25  }
0xa6: {  	s4 =	sshll.u32 s26, $0x1;
	_ =	strace $0x80000046;
	[dreg:$0x1] =	wrdreg $0xFFFFFFFF  }
0xa7: {  	s28 =	simm.s32 $_size_execute0_lowered;
	s2 =	sadd.s32 s2, s4;
	[dreg:$0x0] =	wrdreg $0x0  }
0xa8: {  	s4 =	sshll.u32 s28, $0x1;
	[dreg:$0x2] =	wrdreg s2  }
0xa9: {  	[dreg:$0x3] =	wrdreg s4  }
0xaa: {  	[dreg:$0x4] =	wrdreg $0xC0  }
0xab: {  	_ =	task [dreg:s6], $0x5FFFF  }
0xac: {  	[dreg:$0x1] =	wrdreg $0xFFFFFFFF  }
0xad: {  	[dreg:$0x0] =	wrdreg $0x60  }
0xae: {  	[dreg:$0x2] =	wrdreg s24  }
0xaf: {  	[dreg:$0x3] =	wrdreg $0x9  }
0xb0: {  	_ =	task.clear_ibuf [dreg:s6], $0x4FFFF;
	_ =	strace $0x90000046  }
0xb1: {  	s29 =	simm.s32 $0x9;
	_ =	strace $0x80000048  }
0xb2: {  	_ =	swait.ge [sflag:s29], $0x1  }
0xb3: {  	[sflag:s29] =	ssyncadd.s32 $0xFFFFFFFF  }
0xb4: {  	_ =	strace $0x90000048  }
0xb5: {  	_ =	sfence  }
0xb6: {  	s30 =	sld [smem:$0x0];
	_ =	sdelay $0x2  }
0xb7: {  	s31 =	sshll.u32 s1, $0xD;
	s1 =	sshrl.u32 s1, $0x2  }
0xb8: {  	s3 =	sand.u32 $0x4000, s31;
	s1 =	sadd.s32 s1, s30  }
0xb9: {  	s0 =	sor.u32 s3, s0;
	s1 =	sshll.u32 s1, $0x11  }
0xba: {  	s0 =	sor.u32 s1, s0  }
0xbb: {  	s0 =	sadd.s32 $0x8F2B, s0  }
0xbc: {  	[sflag:s0] =	ssyncadd.remote.s32 $0x1  }
0xbd: {  	_ =	sfence.sel $0xFFFF  }
0xbe: {  	[dreg:$0x0] =	wrdreg $0xFFFFFFFF;
	(pc) =	sbr.abs _section_cstart, $3  }
0xbf: {  	[dreg:$0x1] =	wrdreg $0xFFFFFFFF  }
0xc0: {  	_ =	task.clear_ibuf [dreg:s6], $0x2FFFF;
	_ =	strace $0x9FFFFFFF  }
0xc1: {  	(tm) =	ssettm $0x7FFFFFFF  }
tec
execute0_lowered:
.L_overlay_start_1:
0x0: {  	(tag) =	ssettag $0x1  }
0x1: {  	s3 =	rddreg [dreg:$0x0]  }
0x2: {  	s0 =	rddreg [dreg:$0x1]  }
0x3: {  	s1 =	stileid.u32;
	s4 =	srdreg.scid  }
0x4: {  	s2 =	simm.s32 $0x0;
	s9 =	simm.s32 $0x0;
	s5 =	sshll.u32 s1, $0x10  }
0x5: {  	s4 =	sand.u32 $0x1, s4;
	s6 =	sshll.u32 s1, $0x5;
	[smem:$0x7FF] =	sst s2  }
0x6: {  	s29 =	smul.u32 $0x1E8480, s1;
	s5 =	sand.u32 $0xC0000, s5;
	s7 =	sshll.u32 s4, $0x4  }
0x7: {  	s28 =	ssub.s32 $0x2, s4;
	s30 =	smul.u32 $0xF4240, s4;
	_ =	strace $0x80000047  }
0x8: {  	s3 =	sadd.s32 s5, s3;
	s26 =	sor.u32 s7, s6;
	s8 =	sshrl.u32 s28, $0x1  }
0x9: {  	s6 =	simm.s32 $0x80;
	s7 =	simm.s32 $0x400;
	s5 =	sand.u32 $0x70, s26  }
0xa: {  	s31 =	ssub.s32 s28, s8;
	s8 =	simm.s32 $0x1;
	s3 =	sadd.s32 s5, s3  }
0xb: {  	v0 =	vlaneseq.u32;
	s4 =	smax.u32 s31, $0x1;
	s5 =	sadd.s32 s30, s29;
	s3 =	sadd.s32 $0x600, s3  }
.LBB2_1:
0xc: {  	s10 =	smov.u32 s5;
	s11 =	simm.s32 $0x0  }
.LBB2_2:
0xd: {  	s12 =	sadd.s32 $0x0, s10  }
0xe: {  	s13 =	sadd.s32 $0xB805A, s12  }
0xf: {  	s26 =	sadd.s32 $0xB802A, s12;
	s14 =	sadd.s32 $0xB803A, s12;
	s12 =	sadd.s32 $0xB804A, s12;
	v1 =	vadd.s32 s13, v0  }
0x10: {  	v4 =	vadd.s32 s26, v0;
	v5 =	vadd.s32 s14, v0;
	v6 =	vadd.s32 s12, v0  }
0x11: {  	v2 =	vshrl.u32 v1, $0x13;
	v3 =	vshll.u32 v1, $0xD;
	v7 =	vshll.u32 v4, $0xD  }
0x12: {  	v10 =	vshrl.u32 v5, $0x13;
	v36 =	vshrl.u32 v6, $0x13;
	v2 =	vor.u32 v2, v3  }
0x13: {  	v12 =	vshll.u32 v6, $0xD;
	v3 =	vshrl.u32 v4, $0x13;
	v2 =	vxor.u32 v1, v2  }
0x14: {  	v3 =	vor.u32 v3, v7;
	v8 =	vshrl.u32 v2, $0x11;
	v9 =	vshll.u32 v2, $0xF  }
0x15: {  	v1 =	vadd.s32 v1, v2;
	v3 =	vxor.u32 v4, v3;
	v2 =	vor.u32 v8, v9  }
0x16: {  	v8 =	vshll.u32 v5, $0xD;
	v39 =	vshrl.u32 v3, $0x11;
	v2 =	vxor.u32 v2, v1  }
0x17: {  	v40 =	vshll.u32 v3, $0xF;
	v7 =	vshrl.u32 v2, $0x6;
	v11 =	vshll.u32 v2, $0x1A  }
0x18: {  	v3 =	vadd.s32 v4, v3;
	v1 =	vadd.s32 v1, v2;
	v2 =	vor.u32 v7, v11  }
0x19: {  	v9 =	vor.u32 v39, v40;
	v7 =	vor.u32 v10, v8;
	v2 =	vxor.u32 v2, v1  }
0x1a: {  	v8 =	vor.u32 v36, v12;
	v37 =	vshrl.u32 v2, $0x1A;
	v38 =	vshll.u32 v2, $0x6  }
0x1b: {  	v7 =	vxor.u32 v5, v7;
	v1 =	vadd.s32 v1, v2;
	v2 =	vor.u32 v37, v38  }
0x1c: {  	v8 =	vxor.u32 v6, v8;
	v41 =	vshrl.u32 v7, $0x11;
	v2 =	vxor.u32 v2, v1  }
0x1d: {  	v13 =	vshll.u32 v7, $0xF;
	v43 =	vshrl.u32 v8, $0x11;
	v2 =	vadd.s32 $0x1BD11BF1, v2  }
0x1e: {  	v1 =	vadd.s32 v2, v1;
	v42 =	vshrl.u32 v2, $0xF;
	v2 =	vshll.u32 v2, $0x11  }
0x1f: {  	v14 =	vshll.u32 v8, $0xF;
	v1 =	vadd.s32 $0x2A, v1;
	v2 =	vor.u32 v42, v2  }
0x20: {  	v4 =	vadd.s32 v5, v7;
	v6 =	vadd.s32 v6, v8;
	v2 =	vxor.u32 v2, v1  }
0x21: {  	v45 =	vor.u32 v43, v14;
	v44 =	vshrl.u32 v2, $0x3;
	v15 =	vshll.u32 v2, $0x1D  }
0x22: {  	v10 =	vxor.u32 v45, v6;
	v1 =	vadd.s32 v1, v2;
	v2 =	vor.u32 v44, v15  }
0x23: {  	v11 =	vor.u32 v41, v13;
	v51 =	vshrl.u32 v10, $0x6;
	v2 =	vxor.u32 v2, v1  }
0x24: {  	v53 =	vshll.u32 v10, $0x1A;
	v5 =	vshrl.u32 v2, $0x10;
	v7 =	vshll.u32 v2, $0x10  }
0x25: {  	v1 =	vadd.s32 v1, v2;
	v2 =	vor.u32 v5, v7;
	v5 =	vxor.u32 v9, v3  }
0x26: {  	v7 =	vxor.u32 v11, v4;
	v9 =	vor.u32 v51, v53;
	v2 =	vxor.u32 v2, v1  }
0x27: {  	v8 =	vshrl.u32 v5, $0x6;
	v46 =	vshrl.u32 v2, $0x8;
	v47 =	vshll.u32 v2, $0x18  }
0x28: {  	v48 =	vshll.u32 v5, $0x1A;
	v1 =	vadd.s32 v1, v2;
	v2 =	vor.u32 v46, v47  }
0x29: {  	v49 =	vshrl.u32 v7, $0x6;
	v50 =	vshll.u32 v7, $0x1A;
	v2 =	vxor.u32 v2, v1  }
0x2a: {  	v3 =	vadd.s32 v3, v5;
	v4 =	vadd.s32 v4, v7;
	v2 =	vadd.s32 $0x2, v2  }
0x2b: {  	v1 =	vadd.s32 v2, v1;
	v52 =	vshrl.u32 v2, $0x13;
	v2 =	vshll.u32 v2, $0xD  }
0x2c: {  	v11 =	vor.u32 v49, v50;
	v1 =	vadd.s32 $0x1BD11BF0, v1;
	v2 =	vor.u32 v52, v2  }
0x2d: {  	v8 =	vor.u32 v8, v48;
	v55 =	vxor.u32 v11, v4;
	v2 =	vxor.u32 v2, v1  }
0x2e: {  	v59 =	vshrl.u32 v55, $0x1A;
	v5 =	vshrl.u32 v2, $0x11;
	v54 =	vshll.u32 v2, $0xF  }
0x2f: {  	v60 =	vshll.u32 v55, $0x6;
	v1 =	vadd.s32 v1, v2;
	v2 =	vor.u32 v5, v54  }
0x30: {  	v4 =	vadd.s32 v4, v55;
	v5 =	vadd.s32 v6, v10;
	v2 =	vxor.u32 v2, v1  }
0x31: {  	v6 =	vxor.u32 v8, v3;
	v7 =	vshrl.u32 v2, $0x6;
	v8 =	vshll.u32 v2, $0x1A  }
0x32: {  	v11 =	vor.u32 v59, v60;
	v1 =	vadd.s32 v1, v2;
	v2 =	vor.u32 v7, v8  }
0x33: {  	v56 =	vshll.u32 v6, $0x6;
	v3 =	vadd.s32 v3, v6;
	v2 =	vxor.u32 v2, v1  }
0x34: {  	v7 =	vxor.u32 v9, v5;
	v57 =	vshrl.u32 v2, $0x1A;
	v58 =	vshll.u32 v2, $0x6  }
0x35: {  	v8 =	vshrl.u32 v6, $0x1A;
	v1 =	vadd.s32 v1, v2;
	v2 =	vor.u32 v57, v58  }
0x36: {  	v61 =	vshrl.u32 v7, $0x1A;
	v8 =	vor.u32 v8, v56;
	v2 =	vxor.u32 v2, v1  }
0x37: {  	v62 =	vshll.u32 v7, $0x6;
	v5 =	vadd.s32 v5, v7;
	v2 =	vadd.s32 $0x2D, v2  }
0x38: {  	v7 =	vxor.u32 v11, v4;
	v63 =	vshrl.u32 v2, $0xF;
	v16 =	vshll.u32 v2, $0x11  }
0x39: {  	v9 =	vor.u32 v61, v62;
	v1 =	vadd.s32 v1, v2;
	v2 =	vor.u32 v63, v16  }
0x3a: {  	v6 =	vxor.u32 v8, v3;
	v7 =	vadd.s32 $0x1BD11BF1, v7;
	v2 =	vxor.u32 v2, v1  }
0x3b: {  	v6 =	vadd.s32 $0x1BD11BF1, v6;
	v8 =	vshrl.u32 v2, $0x3;
	v17 =	vshll.u32 v2, $0x1D  }
0x3c: {  	v4 =	vadd.s32 v7, v4;
	v1 =	vadd.s32 v1, v2;
	v2 =	vor.u32 v8, v17  }
0x3d: {  	v23 =	vshrl.u32 v7, $0xF;
	v7 =	vshll.u32 v7, $0x11;
	v2 =	vxor.u32 v2, v1  }
0x3e: {  	v3 =	vadd.s32 v6, v3;
	v18 =	vshrl.u32 v2, $0x10;
	v19 =	vshll.u32 v2, $0x10  }
0x3f: {  	v20 =	vshrl.u32 v6, $0xF;
	v1 =	vadd.s32 v1, v2;
	v2 =	vor.u32 v18, v19  }
0x40: {  	v6 =	vshll.u32 v6, $0x11;
	v4 =	vadd.s32 $0x2A, v4;
	v2 =	vxor.u32 v2, v1  }
0x41: {  	v7 =	vor.u32 v23, v7;
	v21 =	vshrl.u32 v2, $0x8;
	v22 =	vshll.u32 v2, $0x18  }
0x42: {  	v3 =	vadd.s32 $0x2A, v3;
	v1 =	vadd.s32 v1, v2;
	v2 =	vor.u32 v21, v22  }
0x43: {  	v6 =	vor.u32 v20, v6;
	v7 =	vxor.u32 v7, v4;
	v2 =	vxor.u32 v2, v1  }
0x44: {  	v6 =	vxor.u32 v6, v3;
	v32 =	vshrl.u32 v7, $0x3;
	v2 =	vadd.s32 $0x1BD11BF4, v2  }
0x45: {  	v1 =	vadd.s32 v2, v1;
	v25 =	vshrl.u32 v2, $0x13;
	v2 =	vshll.u32 v2, $0xD  }
0x46: {  	v35 =	vshll.u32 v7, $0x1D;
	v1 =	vadd.s32 $0x2A, v1;
	v2 =	vor.u32 v25, v2  }
0x47: {  	v30 =	vshrl.u32 v6, $0x3;
	v31 =	vshll.u32 v6, $0x1D;
	v2 =	vxor.u32 v2, v1  }
0x48: {  	v38 =	vor.u32 v32, v35;
	v26 =	vshrl.u32 v2, $0x11;
	v27 =	vshll.u32 v2, $0xF  }
0x49: {  	v8 =	vxor.u32 v9, v5;
	v1 =	vadd.s32 v1, v2;
	v2 =	vor.u32 v26, v27  }
0x4a: {  	v9 =	vor.u32 v30, v31;
	v8 =	vadd.s32 $0x1BD11BF1, v8;
	v2 =	vxor.u32 v2, v1  }
0x4b: {  	v5 =	vadd.s32 v8, v5;
	v28 =	vshrl.u32 v2, $0x6;
	v29 =	vshll.u32 v2, $0x1A  }
0x4c: {  	v24 =	vshrl.u32 v8, $0xF;
	v1 =	vadd.s32 v1, v2;
	v2 =	vor.u32 v28, v29  }
0x4d: {  	v8 =	vshll.u32 v8, $0x11;
	v5 =	vadd.s32 $0x2A, v5;
	v2 =	vxor.u32 v2, v1  }
0x4e: {  	v8 =	vor.u32 v24, v8;
	v33 =	vshrl.u32 v2, $0x1A;
	v34 =	vshll.u32 v2, $0x6  }
0x4f: {  	v8 =	vxor.u32 v8, v5;
	v1 =	vadd.s32 v1, v2;
	v2 =	vor.u32 v33, v34  }
0x50: {  	v36 =	vshrl.u32 v8, $0x3;
	v37 =	vshll.u32 v8, $0x1D;
	v2 =	vxor.u32 v2, v1  }
0x51: {  	v5 =	vadd.s32 v5, v8;
	v1 =	vadd.s32 $0x1BD11BF0, v1;
	v2 =	vadd.s32 $0x5, v2  }
0x52: {  	v39 =	vor.u32 v36, v37;
	v1 =	vxor.u32 v1, v2;
	v2 =	vadd.s32 v3, v6  }
0x53: {  	v3 =	vadd.s32 v4, v7;
	v7 =	vxor.u32 v39, v5;
	v1 =	vshrl.u32 v1, $0x9  }
0x54: {  	v4 =	vxor.u32 v9, v2;
	v6 =	vxor.u32 v38, v3;
	v41 =	vshrl.u32 v7, $0x10  }
0x55: {  	v43 =	vshll.u32 v7, $0x10;
	v5 =	vadd.s32 v5, v7;
	v1 =	vor.u32 $0x3F800000, v1  }
0x56: {  	v8 =	vshrl.u32 v4, $0x10;
	v9 =	vshll.u32 v4, $0x10;
	v10 =	vshrl.u32 v6, $0x10  }
0x57: {  	v40 =	vshll.u32 v6, $0x10;
	v2 =	vadd.s32 v2, v4;
	v4 =	vor.u32 v41, v43  }
0x58: {  	v3 =	vadd.s32 v3, v6;
	v1 =	vadd.f32 $-1.000000000e+00, v1;
	v8 =	vor.u32 v8, v9  }
0x59: {  	v42 =	vor.u32 v10, v40;
	v4 =	vxor.u32 v4, v5;
	v8 =	vxor.u32 v8, v2  }
0x5a: {  	v7 =	vxor.u32 v42, v3;
	v47 =	vshrl.u32 v4, $0x8;
	v48 =	vshll.u32 v4, $0x18  }
0x5b: {  	v4 =	vadd.s32 v5, v4;
	v1 =	vadd.f32 $1.175494350e-38, v1;
	v6 =	vshrl.u32 v8, $0x8  }
0x5c: {  	v44 =	vshll.u32 v8, $0x18;
	v45 =	vshrl.u32 v7, $0x8;
	v46 =	vshll.u32 v7, $0x18  }
0x5d: {  	v2 =	vadd.s32 v2, v8;
	v9 =	vor.u32 v47, v48;
	v6 =	vor.u32 v6, v44  }
0x5e: {  	v3 =	vadd.s32 v3, v7;
	v7 =	vxor.u32 v9, v4;
	v6 =	vxor.u32 v6, v2  }
0x5f: {  	v8 =	vor.u32 v45, v46;
	v7 =	vadd.s32 $0x2, v7;
	v5 =	vadd.s32 $0x2, v6  }
0x60: {  	v6 =	vxor.u32 v8, v3;
	v4 =	vadd.s32 v7, v4;
	v50 =	vshrl.u32 v7, $0x13  }
0x61: {  	v7 =	vshll.u32 v7, $0xD;
	v2 =	vadd.s32 v5, v2;
	v6 =	vadd.s32 $0x2, v6  }
0x62: {  	v8 =	vshrl.u32 v5, $0x13;
	v5 =	vshll.u32 v5, $0xD;
	v4 =	vadd.s32 $0x1BD11BF0, v4  }
0x63: {  	v7 =	vor.u32 v50, v7;
	v3 =	vadd.s32 v6, v3;
	v49 =	vshrl.u32 v6, $0x13  }
0x64: {  	v6 =	vshll.u32 v6, $0xD;
	v2 =	vadd.s32 $0x1BD11BF0, v2;
	v5 =	vor.u32 v8, v5  }
0x65: {  	v7 =	vxor.u32 v7, v4;
	v3 =	vadd.s32 $0x1BD11BF0, v3;
	v6 =	vor.u32 v49, v6  }
0x66: {  	v5 =	vxor.u32 v5, v2;
	v54 =	vshrl.u32 v7, $0x11;
	v55 =	vshll.u32 v7, $0xF  }
0x67: {  	v4 =	vadd.s32 v4, v7;
	v8 =	vshrl.u32 v5, $0x11;
	v6 =	vxor.u32 v6, v3  }
0x68: {  	v51 =	vshll.u32 v5, $0xF;
	v2 =	vadd.s32 v2, v5;
	v9 =	vor.u32 v54, v55  }
0x69: {  	v52 =	vshrl.u32 v6, $0x11;
	v53 =	vshll.u32 v6, $0xF;
	v8 =	vor.u32 v8, v51  }
0x6a: {  	v3 =	vadd.s32 v3, v6;
	v7 =	vxor.u32 v9, v4;
	v5 =	vor.u32 v52, v53  }
0x6b: {  	v8 =	vxor.u32 v8, v2;
	v59 =	vshrl.u32 v7, $0x6;
	v60 =	vshll.u32 v7, $0x1A  }
0x6c: {  	v4 =	vadd.s32 v4, v7;
	v6 =	vshrl.u32 v8, $0x6;
	v5 =	vxor.u32 v5, v3  }
0x6d: {  	v56 =	vshll.u32 v8, $0x1A;
	v2 =	vadd.s32 v2, v8;
	v9 =	vor.u32 v59, v60  }
0x6e: {  	s28 =	sadd.s32 $0x40, s10;
	v57 =	vshrl.u32 v5, $0x6;
	v58 =	vshll.u32 v5, $0x1A;
	v6 =	vor.u32 v6, v56  }
0x6f: {  	s12 =	sadd.s32 $0xB804A, s28;
	v3 =	vadd.s32 v3, v5;
	v8 =	vor.u32 v57, v58;
	v6 =	vxor.u32 v6, v2  }
0x70: {  	v56 =	vadd.s32 s12, v0;
	v5 =	vshrl.u32 v6, $0x1A;
	v7 =	vxor.u32 v8, v3  }
0x71: {  	v8 =	vxor.u32 v9, v4;
	v61 =	vshll.u32 v6, $0x6;
	v2 =	vadd.s32 v2, v6  }
0x72: {  	v62 =	vshrl.u32 v7, $0x1A;
	v63 =	vshll.u32 v7, $0x6;
	v5 =	vor.u32 v5, v61  }
0x73: {  	v16 =	vshrl.u32 v8, $0x1A;
	v17 =	vshll.u32 v8, $0x6;
	v3 =	vadd.s32 v3, v7  }
0x74: {  	v4 =	vadd.s32 v4, v8;
	v6 =	vor.u32 v62, v63;
	v5 =	vxor.u32 v5, v2  }
0x75: {  	v9 =	vor.u32 v16, v17;
	v62 =	vshrl.u32 v56, $0x13;
	v5 =	vadd.s32 $0x2D, v5  }
0x76: {  	v6 =	vxor.u32 v6, v3;
	v7 =	vxor.u32 v9, v4;
	v8 =	vshrl.u32 v5, $0xF  }
0x77: {  	v6 =	vadd.s32 $0x2D, v6;
	v7 =	vadd.s32 $0x2D, v7;
	v18 =	vshll.u32 v5, $0x11  }
0x78: {  	v2 =	vadd.s32 v2, v5;
	v19 =	vshrl.u32 v6, $0xF;
	v20 =	vshll.u32 v6, $0x11  }
0x79: {  	v8 =	vor.u32 v8, v18;
	v21 =	vshrl.u32 v7, $0xF;
	v22 =	vshll.u32 v7, $0x11  }
0x7a: {  	v3 =	vadd.s32 v3, v6;
	v4 =	vadd.s32 v4, v7;
	v5 =	vor.u32 v19, v20  }
0x7b: {  	v9 =	vor.u32 v21, v22;
	v8 =	vxor.u32 v8, v2;
	v19 =	vshll.u32 v56, $0xD  }
0x7c: {  	v6 =	vshrl.u32 v8, $0x3;
	v5 =	vxor.u32 v5, v3;
	v7 =	vxor.u32 v9, v4  }
0x7d: {  	v23 =	vshll.u32 v8, $0x1D;
	v2 =	vadd.s32 v2, v8;
	v20 =	vor.u32 v62, v19  }
0x7e: {  	v24 =	vshrl.u32 v5, $0x3;
	v25 =	vshll.u32 v5, $0x1D;
	v6 =	vor.u32 v6, v23  }
0x7f: {  	v26 =	vshrl.u32 v7, $0x3;
	v27 =	vshll.u32 v7, $0x1D;
	v3 =	vadd.s32 v3, v5  }
0x80: {  	v4 =	vadd.s32 v4, v7;
	v12 =	vxor.u32 v56, v20;
	v6 =	vxor.u32 v6, v2  }
0x81: {  	v8 =	vor.u32 v24, v25;
	v9 =	vor.u32 v26, v27;
	v5 =	vshrl.u32 v6, $0x10  }
0x82: {  	v7 =	vxor.u32 v8, v3;
	v8 =	vxor.u32 v9, v4;
	v28 =	vshll.u32 v6, $0x10  }
0x83: {  	v2 =	vadd.s32 v2, v6;
	v29 =	vshrl.u32 v7, $0x10;
	v30 =	vshll.u32 v7, $0x10  }
0x84: {  	v5 =	vor.u32 v5, v28;
	v31 =	vshrl.u32 v8, $0x10;
	v32 =	vshll.u32 v8, $0x10  }
0x85: {  	v3 =	vadd.s32 v3, v7;
	v4 =	vadd.s32 v4, v8;
	v5 =	vxor.u32 v5, v2  }
0x86: {  	v6 =	vor.u32 v29, v30;
	v9 =	vor.u32 v31, v32;
	v7 =	vshrl.u32 v5, $0x8  }
0x87: {  	v6 =	vxor.u32 v6, v3;
	v8 =	vxor.u32 v9, v4;
	v33 =	vshll.u32 v5, $0x18  }
0x88: {  	v2 =	vadd.s32 v2, v5;
	v34 =	vshrl.u32 v6, $0x8;
	v35 =	vshll.u32 v6, $0x18  }
0x89: {  	v7 =	vor.u32 v7, v33;
	v36 =	vshrl.u32 v8, $0x8;
	v37 =	vshll.u32 v8, $0x18  }
0x8a: {  	v3 =	vadd.s32 v3, v6;
	v4 =	vadd.s32 v4, v8;
	v7 =	vxor.u32 v7, v2  }
0x8b: {  	v5 =	vor.u32 v34, v35;
	v9 =	vor.u32 v36, v37;
	v6 =	vadd.s32 $0x1BD11BF4, v7  }
0x8c: {  	v5 =	vxor.u32 v5, v3;
	v7 =	vxor.u32 v9, v4;
	v2 =	vadd.s32 v6, v2  }
0x8d: {  	v5 =	vadd.s32 $0x1BD11BF4, v5;
	v7 =	vadd.s32 $0x1BD11BF4, v7;
	v8 =	vshrl.u32 v6, $0x13  }
0x8e: {  	v6 =	vshll.u32 v6, $0xD;
	v3 =	vadd.s32 v5, v3;
	v38 =	vshrl.u32 v5, $0x13  }
0x8f: {  	v5 =	vshll.u32 v5, $0xD;
	v4 =	vadd.s32 v7, v4;
	v2 =	vadd.s32 $0x2A, v2  }
0x90: {  	v39 =	vshrl.u32 v7, $0x13;
	v7 =	vshll.u32 v7, $0xD;
	v6 =	vor.u32 v8, v6  }
0x91: {  	v3 =	vadd.s32 $0x2A, v3;
	v5 =	vor.u32 v38, v5;
	v6 =	vxor.u32 v6, v2  }
0x92: {  	v4 =	vadd.s32 $0x2A, v4;
	v7 =	vor.u32 v39, v7;
	v8 =	vshrl.u32 v6, $0x11  }
0x93: {  	v5 =	vxor.u32 v5, v3;
	v7 =	vxor.u32 v7, v4;
	v40 =	vshll.u32 v6, $0xF  }
0x94: {  	v2 =	vadd.s32 v2, v6;
	v41 =	vshrl.u32 v5, $0x11;
	v42 =	vshll.u32 v5, $0xF  }
0x95: {  	v8 =	vor.u32 v8, v40;
	v43 =	vshrl.u32 v7, $0x11;
	v44 =	vshll.u32 v7, $0xF  }
0x96: {  	v3 =	vadd.s32 v3, v5;
	v4 =	vadd.s32 v4, v7;
	v8 =	vxor.u32 v8, v2  }
0x97: {  	v6 =	vor.u32 v41, v42;
	v9 =	vor.u32 v43, v44;
	v5 =	vshrl.u32 v8, $0x6  }
0x98: {  	v6 =	vxor.u32 v6, v3;
	v7 =	vxor.u32 v9, v4;
	v45 =	vshll.u32 v8, $0x1A  }
0x99: {  	v2 =	vadd.s32 v2, v8;
	v46 =	vshrl.u32 v6, $0x6;
	v47 =	vshll.u32 v6, $0x1A  }
0x9a: {  	v5 =	vor.u32 v5, v45;
	v48 =	vshrl.u32 v7, $0x6;
	v49 =	vshll.u32 v7, $0x1A  }
0x9b: {  	v3 =	vadd.s32 v3, v6;
	v4 =	vadd.s32 v4, v7;
	v5 =	vxor.u32 v5, v2  }
0x9c: {  	v8 =	vor.u32 v46, v47;
	v9 =	vor.u32 v48, v49;
	v6 =	vshrl.u32 v5, $0x1A  }
0x9d: {  	v7 =	vxor.u32 v8, v3;
	v8 =	vxor.u32 v9, v4;
	v50 =	vshll.u32 v5, $0x6  }
0x9e: {  	v2 =	vadd.s32 v2, v5;
	v51 =	vshrl.u32 v7, $0x1A;
	v52 =	vshll.u32 v7, $0x6  }
0x9f: {  	s30 =	sadd.s32 $0xB802A, s28;
	v6 =	vor.u32 v6, v50;
	v53 =	vshrl.u32 v8, $0x1A;
	v54 =	vshll.u32 v8, $0x6  }
0xa0: {  	v3 =	vadd.s32 v3, v7;
	v4 =	vadd.s32 v4, v8;
	v8 =	vadd.s32 s30, v0  }
0xa1: {  	v5 =	vor.u32 v51, v52;
	v9 =	vor.u32 v53, v54;
	v6 =	vxor.u32 v6, v2  }
0xa2: {  	v2 =	vadd.s32 $0x1BD11BF0, v2;
	v55 =	vshrl.u32 v8, $0x13;
	v59 =	vshll.u32 v8, $0xD  }
0xa3: {  	v6 =	vadd.s32 $0x5, v6;
	v5 =	vxor.u32 v5, v3;
	v7 =	vxor.u32 v9, v4  }
0xa4: {  	v3 =	vadd.s32 $0x1BD11BF0, v3;
	v4 =	vadd.s32 $0x1BD11BF0, v4;
	v9 =	vor.u32 v55, v59  }
0xa5: {  	s29 =	sadd.s32 $0xB805A, s28;
	v5 =	vadd.s32 $0x5, v5;
	v7 =	vadd.s32 $0x5, v7;
	v2 =	vxor.u32 v2, v6  }
0xa6: {  	v6 =	vadd.s32 s29, v0;
	v2 =	vshrl.u32 v2, $0x9;
	v3 =	vxor.u32 v3, v5  }
0xa7: {  	v4 =	vxor.u32 v4, v7;
	v2 =	vor.u32 $0x3F800000, v2;
	v3 =	vshrl.u32 v3, $0x9  }
0xa8: {  	v4 =	vshrl.u32 v4, $0x9;
	v2 =	vadd.f32 $-1.000000000e+00, v2;
	v5 =	vor.u32 $0x3F800000, v3  }
0xa9: {  	v3 =	vmax.f32 v1, $1.175494350e-38;
	v1 =	vor.u32 $0x3F800000, v4;
	v4 =	vadd.f32 $-1.000000000e+00, v5  }
0xaa: {  	v27 =	vshrl.u32 v12, $0x11;
	v9 =	vxor.u32 v8, v9;
	v7 =	vshll.u32 v6, $0xD  }
0xab: {  	v5 =	vadd.f32 $1.175494350e-38, v2;
	v2 =	vadd.f32 $1.175494350e-38, v4;
	v4 =	vshrl.u32 v6, $0x13  }
0xac: {  	v10 =	vadd.s32 v56, v12;
	v23 =	vshrl.u32 v9, $0x11;
	v4 =	vor.u32 v4, v7  }
0xad: {  	v24 =	vshll.u32 v9, $0xF;
	v8 =	vadd.s32 v8, v9;
	v4 =	vxor.u32 v6, v4  }
0xae: {  	v13 =	vor.u32 v23, v24;
	v57 =	vshrl.u32 v4, $0x11;
	v58 =	vshll.u32 v4, $0xF  }
0xaf: {  	v13 =	vxor.u32 v13, v8;
	v4 =	vadd.s32 v6, v4;
	v6 =	vor.u32 v57, v58  }
0xb0: {  	v1 =	vadd.f32 $-1.000000000e+00, v1;
	v36 =	vshrl.u32 v13, $0x6;
	v6 =	vxor.u32 v6, v4  }
0xb1: {  	s31 =	sadd.s32 $0xB803A, s28;
	v40 =	vshll.u32 v13, $0x1A;
	v63 =	vshrl.u32 v6, $0x6;
	v16 =	vshll.u32 v6, $0x1A  }
0xb2: {  	v7 =	vadd.s32 s31, v0;
	v4 =	vadd.s32 v4, v6;
	v6 =	vor.u32 v63, v16  }
0xb3: {  	v8 =	vadd.s32 v8, v13;
	v60 =	vshrl.u32 v7, $0x13;
	v6 =	vxor.u32 v6, v4  }
0xb4: {  	v61 =	vshll.u32 v7, $0xD;
	v21 =	vshrl.u32 v6, $0x1A;
	v22 =	vshll.u32 v6, $0x6  }
0xb5: {  	v11 =	vor.u32 v60, v61;
	v4 =	vadd.s32 v4, v6;
	v6 =	vor.u32 v21, v22  }
0xb6: {  	v1 =	vadd.f32 $1.175494350e-38, v1;
	v11 =	vxor.u32 v7, v11;
	v6 =	vxor.u32 v6, v4  }
0xb7: {  	v25 =	vshrl.u32 v11, $0x11;
	v7 =	vadd.s32 v7, v11;
	v6 =	vadd.s32 $0x1BD11BF1, v6  }
0xb8: {  	v26 =	vshrl.u32 v6, $0xF;
	v17 =	vshll.u32 v6, $0x11;
	v4 =	vadd.s32 v6, v4  }
0xb9: {  	v6 =	vshll.u32 v11, $0xF;
	v11 =	vor.u32 v36, v40;
	v16 =	vor.u32 v26, v17  }
0xba: {  	v18 =	vadd.s32 $0x2A, v4;
	v4 =	vshll.u32 v12, $0xF;
	v6 =	vor.u32 v25, v6  }
0xbb: {  	v51 =	vxor.u32 v11, v8;
	v28 =	vxor.u32 v16, v18;
	v29 =	vor.u32 v27, v4  }
0xbc: {  	v4 =	vmax.f32 v5, $1.175494350e-38;
	v6 =	vxor.u32 v6, v7;
	v55 =	vshrl.u32 v51, $0x1A  }
0xbd: {  	v56 =	vshll.u32 v51, $0x6;
	v8 =	vadd.s32 v8, v51;
	v16 =	vshrl.u32 v28, $0x3  }
0xbe: {  	v30 =	vshll.u32 v28, $0x1D;
	v5 =	vadd.s32 v18, v28;
	v37 =	vxor.u32 v29, v10  }
0xbf: {  	v42 =	vshrl.u32 v6, $0x6;
	v43 =	vshll.u32 v6, $0x1A;
	v6 =	vadd.s32 v7, v6  }
0xc0: {  	v12 =	vor.u32 v55, v56;
	v31 =	vor.u32 v16, v30;
	v44 =	vshrl.u32 v37, $0x6  }
0xc1: {  	v46 =	vshll.u32 v37, $0x1A;
	v14 =	vor.u32 v42, v43;
	v50 =	vadd.s32 v10, v37  }
0xc2: {  	v23 =	vxor.u32 v12, v8;
	v32 =	vxor.u32 v31, v5;
	v47 =	vor.u32 v44, v46  }
0xc3: {  	v52 =	vxor.u32 v14, v6;
	v33 =	vshrl.u32 v32, $0x10;
	v34 =	vshll.u32 v32, $0x10  }
0xc4: {  	v11 =	vadd.s32 $0x1BD11BF1, v23;
	v5 =	vadd.s32 v5, v32;
	v35 =	vor.u32 v33, v34  }
0xc5: {  	v13 =	vxor.u32 v47, v50;
	v57 =	vshrl.u32 v52, $0x1A;
	v9 =	vxor.u32 v35, v5  }
0xc6: {  	v6 =	vadd.s32 v6, v52;
	v38 =	vshrl.u32 v9, $0x8;
	v39 =	vshll.u32 v9, $0x18  }
0xc7: {  	v8 =	vadd.s32 v11, v8;
	v5 =	vadd.s32 v5, v9;
	v41 =	vor.u32 v38, v39  }
0xc8: {  	v31 =	vshrl.u32 v11, $0xF;
	v11 =	vshll.u32 v11, $0x11;
	v9 =	vxor.u32 v41, v5  }
0xc9: {  	v60 =	vshrl.u32 v13, $0x1A;
	v8 =	vadd.s32 $0x2A, v8;
	v9 =	vadd.s32 $0x2, v9  }
0xca: {  	v5 =	vadd.s32 v9, v5;
	v45 =	vshrl.u32 v9, $0x13;
	v9 =	vshll.u32 v9, $0xD  }
0xcb: {  	v11 =	vor.u32 v31, v11;
	v9 =	vor.u32 v45, v9;
	v5 =	vadd.s32 $0x1BD11BF0, v5  }
0xcc: {  	v62 =	vshll.u32 v13, $0x6;
	v11 =	vxor.u32 v11, v8;
	v9 =	vxor.u32 v9, v5  }
0xcd: {  	v63 =	vor.u32 v60, v62;
	v44 =	vshrl.u32 v11, $0x3;
	v48 =	vshrl.u32 v9, $0x11  }
0xce: {  	v49 =	vshll.u32 v9, $0xF;
	v5 =	vadd.s32 v5, v9;
	v9 =	vadd.s32 v50, v13  }
0xcf: {  	v8 =	vadd.s32 v8, v11;
	v7 =	vor.u32 v48, v49;
	v27 =	vxor.u32 v63, v9  }
0xd0: {  	v45 =	vshll.u32 v11, $0x1D;
	v7 =	vxor.u32 v7, v5;
	v12 =	vadd.s32 $0x1BD11BF1, v27  }
0xd1: {  	v53 =	vshrl.u32 v7, $0x6;
	v54 =	vshll.u32 v7, $0x1A;
	v5 =	vadd.s32 v5, v7  }
0xd2: {  	v9 =	vadd.s32 v12, v9;
	v36 =	vshrl.u32 v12, $0xF;
	v12 =	vshll.u32 v12, $0x11  }
0xd3: {  	v7 =	vor.u32 v53, v54;
	v9 =	vadd.s32 $0x2A, v9;
	v12 =	vor.u32 v36, v12  }
0xd4: {  	v13 =	vor.u32 v44, v45;
	v7 =	vxor.u32 v7, v5;
	v12 =	vxor.u32 v12, v9  }
0xd5: {  	v58 =	vshrl.u32 v7, $0x1A;
	v59 =	vshll.u32 v7, $0x6;
	v5 =	vadd.s32 v5, v7  }
0xd6: {  	v7 =	vshll.u32 v52, $0x6;
	v50 =	vshrl.u32 v12, $0x3;
	v16 =	vor.u32 v58, v59  }
0xd7: {  	v51 =	vshll.u32 v12, $0x1D;
	v7 =	vor.u32 v57, v7;
	v61 =	vxor.u32 v16, v5  }
0xd8: {  	v9 =	vadd.s32 v9, v12;
	v7 =	vxor.u32 v7, v6;
	v14 =	vadd.s32 $0x2D, v61  }
0xd9: {  	v7 =	vadd.s32 $0x1BD11BF1, v7;
	v20 =	vshrl.u32 v14, $0xF;
	v21 =	vshll.u32 v14, $0x11  }
0xda: {  	v5 =	vadd.s32 v5, v14;
	v6 =	vadd.s32 v7, v6;
	v35 =	vshrl.u32 v7, $0xF  }
0xdb: {  	v7 =	vshll.u32 v7, $0x11;
	v14 =	vor.u32 v50, v51;
	v22 =	vor.u32 v20, v21  }
0xdc: {  	v6 =	vadd.s32 $0x2A, v6;
	v7 =	vor.u32 v35, v7;
	v52 =	vxor.u32 v14, v9  }
0xdd: {  	v10 =	vxor.u32 v22, v5;
	v7 =	vxor.u32 v7, v6;
	v56 =	vshrl.u32 v52, $0x10  }
0xde: {  	v57 =	vshll.u32 v52, $0x10;
	v9 =	vadd.s32 v9, v52;
	v24 =	vshrl.u32 v10, $0x3  }
0xdf: {  	v25 =	vshll.u32 v10, $0x1D;
	v5 =	vadd.s32 v5, v10;
	v46 =	vshrl.u32 v7, $0x3  }
0xe0: {  	v49 =	vshll.u32 v7, $0x1D;
	v6 =	vadd.s32 v6, v7;
	v7 =	vxor.u32 v13, v8  }
0xe1: {  	v26 =	vor.u32 v24, v25;
	v53 =	vshrl.u32 v7, $0x10;
	v13 =	vshll.u32 v7, $0x10  }
0xe2: {  	v7 =	vadd.s32 v8, v7;
	v8 =	vor.u32 v56, v57;
	v10 =	vxor.u32 v26, v5  }
0xe3: {  	v12 =	vor.u32 v53, v13;
	v8 =	vxor.u32 v8, v9;
	v28 =	vshrl.u32 v10, $0x10  }
0xe4: {  	v29 =	vshll.u32 v10, $0x10;
	v5 =	vadd.s32 v5, v10;
	v12 =	vxor.u32 v12, v7  }
0xe5: {  	v62 =	vshrl.u32 v8, $0x8;
	v63 =	vshll.u32 v8, $0x18;
	v8 =	vadd.s32 v9, v8  }
0xe6: {  	v30 =	vor.u32 v28, v29;
	v58 =	vshrl.u32 v12, $0x8;
	v13 =	vor.u32 v62, v63  }
0xe7: {  	v60 =	vshll.u32 v12, $0x18;
	v10 =	vxor.u32 v30, v5;
	v23 =	vxor.u32 v13, v8  }
0xe8: {  	v32 =	vshrl.u32 v10, $0x8;
	v33 =	vshll.u32 v10, $0x18;
	v11 =	vadd.s32 $0x2, v23  }
0xe9: {  	v5 =	vadd.s32 v5, v10;
	v34 =	vor.u32 v32, v33;
	v8 =	vadd.s32 v11, v8  }
0xea: {  	v26 =	vshrl.u32 v11, $0x13;
	v11 =	vshll.u32 v11, $0xD;
	v10 =	vxor.u32 v34, v5  }
0xeb: {  	v8 =	vadd.s32 $0x1BD11BF0, v8;
	v11 =	vor.u32 v26, v11;
	v10 =	vadd.s32 $0x1BD11BF4, v10  }
0xec: {  	v5 =	vadd.s32 v10, v5;
	v37 =	vshrl.u32 v10, $0x13;
	v10 =	vshll.u32 v10, $0xD  }
0xed: {  	v11 =	vxor.u32 v11, v8;
	v5 =	vadd.s32 $0x2A, v5;
	v10 =	vor.u32 v37, v10  }
0xee: {  	v31 =	vshrl.u32 v11, $0x11;
	v32 =	vshll.u32 v11, $0xF;
	v10 =	vxor.u32 v10, v5  }
0xef: {  	v8 =	vadd.s32 v8, v11;
	v38 =	vshrl.u32 v10, $0x11;
	v39 =	vshll.u32 v10, $0xF  }
0xf0: {  	v13 =	vor.u32 v31, v32;
	v5 =	vadd.s32 v5, v10;
	v40 =	vor.u32 v38, v39  }
0xf1: {  	v7 =	vadd.s32 v7, v12;
	v11 =	vxor.u32 v13, v8;
	v10 =	vxor.u32 v40, v5  }
0xf2: {  	v38 =	vshrl.u32 v11, $0x6;
	v41 =	vshrl.u32 v10, $0x6;
	v42 =	vshll.u32 v10, $0x1A  }
0xf3: {  	v39 =	vshll.u32 v11, $0x1A;
	v5 =	vadd.s32 v5, v10;
	v43 =	vor.u32 v41, v42  }
0xf4: {  	v8 =	vadd.s32 v8, v11;
	v13 =	vor.u32 v38, v39;
	v10 =	vxor.u32 v43, v5  }
0xf5: {  	v43 =	vxor.u32 v13, v8;
	v47 =	vshrl.u32 v10, $0x1A;
	v48 =	vshll.u32 v10, $0x6  }
0xf6: {  	v5 =	vadd.s32 v5, v10;
	v10 =	vor.u32 v46, v49;
	v8 =	vadd.s32 v8, v43  }
0xf7: {  	v16 =	vor.u32 v47, v48;
	v10 =	vxor.u32 v10, v6;
	v47 =	vshrl.u32 v43, $0x1A  }
0xf8: {  	v48 =	vshll.u32 v43, $0x6;
	v16 =	vxor.u32 v16, v5;
	v5 =	vadd.s32 $0x1BD11BF0, v5  }
0xf9: {  	v54 =	vshrl.u32 v10, $0x10;
	v55 =	vshll.u32 v10, $0x10;
	v6 =	vadd.s32 v6, v10  }
0xfa: {  	v10 =	vor.u32 v58, v60;
	v13 =	vor.u32 v47, v48;
	v16 =	vadd.s32 $0x5, v16  }
0xfb: {  	v14 =	vor.u32 v54, v55;
	v10 =	vxor.u32 v10, v7;
	v50 =	vxor.u32 v13, v8  }
0xfc: {  	v5 =	vxor.u32 v5, v16;
	v59 =	vxor.u32 v14, v6;
	v21 =	vadd.s32 $0x2, v10  }
0xfd: {  	v11 =	vadd.s32 $0x2D, v50;
	v5 =	vshrl.u32 v5, $0x9;
	v14 =	vshrl.u32 v59, $0x8  }
0xfe: {  	v61 =	vshll.u32 v59, $0x18;
	v6 =	vadd.s32 v6, v59;
	v7 =	vadd.s32 v21, v7  }
0xff: {  	v24 =	vshrl.u32 v21, $0x13;
	v9 =	vshll.u32 v21, $0xD;
	v55 =	vshrl.u32 v11, $0xF  }
0x100: {  	v56 =	vshll.u32 v11, $0x11;
	v8 =	vadd.s32 v8, v11;
	v5 =	vor.u32 $0x3F800000, v5  }
0x101: {  	v20 =	vor.u32 v14, v61;
	v7 =	vadd.s32 $0x1BD11BF0, v7;
	v9 =	vor.u32 v24, v9  }
0x102: {  	v13 =	vor.u32 v55, v56;
	v5 =	vadd.f32 $-1.000000000e+00, v5;
	v22 =	vxor.u32 v20, v6  }
0x103: {  	v9 =	vxor.u32 v9, v7;
	v11 =	vxor.u32 v13, v8;
	v10 =	vadd.s32 $0x2, v22  }
0x104: {  	v27 =	vshrl.u32 v9, $0x11;
	v28 =	vshll.u32 v9, $0xF;
	v7 =	vadd.s32 v7, v9  }
0x105: {  	v62 =	vshrl.u32 v11, $0x3;
	v63 =	vshll.u32 v11, $0x1D;
	v8 =	vadd.s32 v8, v11  }
0x106: {  	v5 =	vadd.f32 $1.175494350e-38, v5;
	v6 =	vadd.s32 v10, v6;
	v25 =	vshrl.u32 v10, $0x13  }
0x107: {  	v10 =	vshll.u32 v10, $0xD;
	v12 =	vor.u32 v27, v28;
	v13 =	vor.u32 v62, v63  }
0x108: {  	v6 =	vadd.s32 $0x1BD11BF0, v6;
	v10 =	vor.u32 v25, v10;
	v12 =	vxor.u32 v12, v7  }
0x109: {  	v21 =	vxor.u32 v13, v8;
	v10 =	vxor.u32 v10, v6;
	v34 =	vshrl.u32 v12, $0x6  }
0x10a: {  	v35 =	vshll.u32 v12, $0x1A;
	v7 =	vadd.s32 v7, v12;
	v29 =	vshrl.u32 v10, $0x11  }
0x10b: {  	v30 =	vshll.u32 v10, $0xF;
	v6 =	vadd.s32 v6, v10;
	v10 =	vor.u32 v34, v35  }
0x10c: {  	v5 =	vmax.f32 v5, $1.175494350e-38;
	v33 =	vor.u32 v29, v30;
	v10 =	vxor.u32 v10, v7  }
0x10d: {  	v25 =	vshrl.u32 v21, $0x10;
	v9 =	vxor.u32 v33, v6;
	v41 =	vshrl.u32 v10, $0x1A  }
0x10e: {  	v44 =	vshll.u32 v10, $0x6;
	v7 =	vadd.s32 v7, v10;
	v36 =	vshrl.u32 v9, $0x6  }
0x10f: {  	v37 =	vshll.u32 v9, $0x1A;
	v6 =	vadd.s32 v6, v9;
	v9 =	vor.u32 v41, v44  }
0x110: {  	v26 =	vshll.u32 v21, $0x10;
	v40 =	vor.u32 v36, v37;
	v9 =	vxor.u32 v9, v7  }
0x111: {  	v8 =	vadd.s32 v8, v21;
	v42 =	vxor.u32 v40, v6;
	v9 =	vadd.s32 $0x2D, v9  }
0x112: {  	v45 =	vshrl.u32 v42, $0x1A;
	v46 =	vshll.u32 v42, $0x6;
	v6 =	vadd.s32 v6, v42  }
0x113: {  	v51 =	vshrl.u32 v9, $0xF;
	v52 =	vshll.u32 v9, $0x11;
	v49 =	vor.u32 v45, v46  }
0x114: {  	v7 =	vadd.s32 v7, v9;
	v12 =	vor.u32 v51, v52;
	v10 =	vxor.u32 v49, v6  }
0x115: {  	v13 =	vor.u32 v25, v26;
	v12 =	vxor.u32 v12, v7;
	v10 =	vadd.s32 $0x2D, v10  }
0x116: {  	v58 =	vshrl.u32 v12, $0x3;
	v59 =	vshll.u32 v12, $0x1D;
	v7 =	vadd.s32 v7, v12  }
0x117: {  	v12 =	vxor.u32 v13, v8;
	v53 =	vshrl.u32 v10, $0xF;
	v54 =	vshll.u32 v10, $0x11  }
0x118: {  	v6 =	vadd.s32 v6, v10;
	v10 =	vor.u32 v58, v59;
	v32 =	vshrl.u32 v12, $0x8  }
0x119: {  	v33 =	vshll.u32 v12, $0x18;
	v57 =	vor.u32 v53, v54;
	v10 =	vxor.u32 v10, v7  }
0x11a: {  	v8 =	vadd.s32 v8, v12;
	v9 =	vxor.u32 v57, v6;
	v19 =	vshrl.u32 v10, $0x10  }
0x11b: {  	v22 =	vshll.u32 v10, $0x10;
	v7 =	vadd.s32 v7, v10;
	v60 =	vshrl.u32 v9, $0x3  }
0x11c: {  	v61 =	vshll.u32 v9, $0x1D;
	v6 =	vadd.s32 v6, v9;
	v9 =	vor.u32 v19, v22  }
0x11d: {  	v13 =	vor.u32 v32, v33;
	v18 =	vor.u32 v60, v61;
	v9 =	vxor.u32 v9, v7  }
0x11e: {  	v20 =	vxor.u32 v18, v6;
	v28 =	vshrl.u32 v9, $0x8;
	v29 =	vshll.u32 v9, $0x18  }
0x11f: {  	v7 =	vadd.s32 v7, v9;
	v23 =	vshrl.u32 v20, $0x10;
	v24 =	vshll.u32 v20, $0x10  }
0x120: {  	v6 =	vadd.s32 v6, v20;
	v11 =	vor.u32 v28, v29;
	v27 =	vor.u32 v23, v24  }
0x121: {  	v36 =	vxor.u32 v13, v8;
	v11 =	vxor.u32 v11, v7;
	v10 =	vxor.u32 v27, v6  }
0x122: {  	v35 =	vadd.s32 $0x1BD11BF4, v11;
	v11 =	vadd.s32 $0x1BD11BF4, v36;
	v30 =	vshrl.u32 v10, $0x8  }
0x123: {  	v31 =	vshll.u32 v10, $0x18;
	v6 =	vadd.s32 v6, v10;
	v7 =	vadd.s32 v35, v7  }
0x124: {  	v37 =	vshrl.u32 v35, $0x13;
	v10 =	vshll.u32 v35, $0xD;
	v8 =	vadd.s32 v11, v8  }
0x125: {  	v39 =	vshrl.u32 v11, $0x13;
	v11 =	vshll.u32 v11, $0xD;
	v34 =	vor.u32 v30, v31  }
0x126: {  	v7 =	vadd.s32 $0x2A, v7;
	v10 =	vor.u32 v37, v10;
	v8 =	vadd.s32 $0x2A, v8  }
0x127: {  	v11 =	vor.u32 v39, v11;
	v9 =	vxor.u32 v34, v6;
	v10 =	vxor.u32 v10, v7  }
0x128: {  	v11 =	vxor.u32 v11, v8;
	v9 =	vadd.s32 $0x1BD11BF4, v9;
	v40 =	vshrl.u32 v10, $0x11  }
0x129: {  	v41 =	vshll.u32 v10, $0xF;
	v44 =	vshrl.u32 v11, $0x11;
	v45 =	vshll.u32 v11, $0xF  }
0x12a: {  	v7 =	vadd.s32 v7, v10;
	v8 =	vadd.s32 v8, v11;
	v6 =	vadd.s32 v9, v6  }
0x12b: {  	v38 =	vshrl.u32 v9, $0x13;
	v9 =	vshll.u32 v9, $0xD;
	v12 =	vor.u32 v40, v41  }
0x12c: {  	v13 =	vor.u32 v44, v45;
	v6 =	vadd.s32 $0x2A, v6;
	v9 =	vor.u32 v38, v9  }
0x12d: {  	v12 =	vxor.u32 v12, v7;
	v11 =	vxor.u32 v13, v8;
	v9 =	vxor.u32 v9, v6  }
0x12e: {  	v47 =	vshrl.u32 v12, $0x6;
	v48 =	vshll.u32 v12, $0x1A;
	v51 =	vshrl.u32 v11, $0x6  }
0x12f: {  	v52 =	vshll.u32 v11, $0x1A;
	v7 =	vadd.s32 v7, v12;
	v8 =	vadd.s32 v8, v11  }
0x130: {  	v42 =	vshrl.u32 v9, $0x11;
	v43 =	vshll.u32 v9, $0xF;
	v6 =	vadd.s32 v6, v9  }
0x131: {  	v9 =	vor.u32 v47, v48;
	v13 =	vor.u32 v51, v52;
	v46 =	vor.u32 v42, v43  }
0x132: {  	v9 =	vxor.u32 v9, v7;
	v56 =	vxor.u32 v13, v8;
	v10 =	vxor.u32 v46, v6  }
0x133: {  	v54 =	vshrl.u32 v9, $0x1A;
	v57 =	vshll.u32 v9, $0x6;
	v60 =	vshrl.u32 v56, $0x1A  }
0x134: {  	v61 =	vshll.u32 v56, $0x6;
	v7 =	vadd.s32 v7, v9;
	v8 =	vadd.s32 v8, v56  }
0x135: {  	v49 =	vshrl.u32 v10, $0x6;
	v50 =	vshll.u32 v10, $0x1A;
	v6 =	vadd.s32 v6, v10  }
0x136: {  	v10 =	vor.u32 v54, v57;
	v13 =	vor.u32 v60, v61;
	v53 =	vor.u32 v49, v50  }
0x137: {  	v10 =	vxor.u32 v10, v7;
	v63 =	vxor.u32 v13, v8;
	v55 =	vxor.u32 v53, v6  }
0x138: {  	v7 =	vadd.s32 $0x1BD11BF0, v7;
	v58 =	vshrl.u32 v55, $0x1A;
	v59 =	vshll.u32 v55, $0x6  }
0x139: {  	v8 =	vadd.s32 $0x1BD11BF0, v8;
	v6 =	vadd.s32 v6, v55;
	v62 =	vor.u32 v58, v59  }
0x13a: {  	v10 =	vadd.s32 $0x5, v10;
	v11 =	vadd.s32 $0x5, v63;
	v9 =	vxor.u32 v62, v6  }
0x13b: {  	s14 =	simm.s32 $0x20;
	v7 =	vxor.u32 v7, v10;
	v6 =	vadd.s32 $0x1BD11BF0, v6;
	v9 =	vadd.s32 $0x5, v9  }
0x13c: {  	[tilespmem:s14+$0x10] =	vst v3;
	v3 =	vxor.u32 v8, v11;
	v7 =	vshrl.u32 v7, $0x9;
	v6 =	vxor.u32 v6, v9  }
0x13d: {  	v3 =	vshrl.u32 v3, $0x9;
	v7 =	vor.u32 $0x3F800000, v7;
	v6 =	vshrl.u32 v6, $0x9  }
0x13e: {  	s12 =	simm.s32 $0x60;
	[tilespmem:s14+$0xFFFFFFE0] =	vst v4;
	v3 =	vor.u32 $0x3F800000, v3;
	v4 =	vadd.f32 $-1.000000000e+00, v7;
	v6 =	vor.u32 $0x3F800000, v6  }
0x13f: {  	v2 =	vmax.f32 v2, $1.175494350e-38;
	[tilespmem:s12+$0x10] =	vst v5;
	v5 =	vadd.f32 $-1.000000000e+00, v3;
	v6 =	vadd.f32 $-1.000000000e+00, v6  }
0x140: {  	s16 =	sadd.s32 $0x80, s10;
	s15 =	simm.s32 $0xC0;
	s13 =	sshll.u32 s11, $0xD;
	[tilespmem:s14+$0xFFFFFFF0] =	vst v2;
	v3 =	vmax.f32 v1, $1.175494350e-38;
	v4 =	vadd.f32 $1.175494350e-38, v4  }
.LBB2_3:
0x141: {  	p0 =	sne.s32 s15, $0x1FC0;
	s17 =	sadd.s32 $0xB802A, s16;
	s18 =	sadd.s32 $0xB805A, s16;
	v2 =	vadd.f32 $1.175494350e-38, v6;
	v1 =	vadd.f32 $1.175494350e-38, v5;
	[tilespmem:s14+$0x0] =	vst v3  }
0x142: {  	s14 =	smov.u32 s12;
	v3 =	vadd.s32 s17, v0;
	s17 =	sadd.s32 $0xB803A, s16;
	s16 =	sadd.s32 $0xB804A, s16;
	v5 =	vadd.s32 s18, v0;
	v4 =	vmax.f32 v4, $1.175494350e-38  }
0x143: {  	v6 =	vadd.s32 s17, v0;
	v7 =	vshrl.u32 v5, $0x13;
	v8 =	vshll.u32 v5, $0xD;
	[tilespmem:s12+$0xFFFFFFE0] =	vst v4  }
0x144: {  	v4 =	vshrl.u32 v3, $0x13;
	v9 =	vadd.s32 s16, v0;
	v7 =	vor.u32 v7, v8  }
0x145: {  	v8 =	vshll.u32 v3, $0xD;
	v10 =	vshrl.u32 v6, $0x13;
	v7 =	vxor.u32 v5, v7  }
0x146: {  	v11 =	vshll.u32 v6, $0xD;
	v12 =	vshrl.u32 v7, $0x11;
	v13 =	vshll.u32 v7, $0xF  }
0x147: {  	v14 =	vshrl.u32 v9, $0x13;
	v5 =	vadd.s32 v5, v7;
	v7 =	vor.u32 v12, v13  }
0x148: {  	v4 =	vor.u32 v4, v8;
	v8 =	vshll.u32 v9, $0xD;
	v7 =	vxor.u32 v7, v5  }
0x149: {  	v10 =	vor.u32 v10, v11;
	v11 =	vshrl.u32 v7, $0x6;
	v12 =	vshll.u32 v7, $0x1A  }
0x14a: {  	v8 =	vor.u32 v14, v8;
	v5 =	vadd.s32 v5, v7;
	v7 =	vor.u32 v11, v12  }
0x14b: {  	v4 =	vxor.u32 v3, v4;
	v10 =	vxor.u32 v6, v10;
	v7 =	vxor.u32 v7, v5  }
0x14c: {  	v8 =	vxor.u32 v9, v8;
	v11 =	vshrl.u32 v7, $0x1A;
	v12 =	vshll.u32 v7, $0x6  }
0x14d: {  	v13 =	vshrl.u32 v4, $0x11;
	v5 =	vadd.s32 v5, v7;
	v7 =	vor.u32 v11, v12  }
0x14e: {  	v11 =	vshll.u32 v4, $0xF;
	v12 =	vshrl.u32 v10, $0x11;
	v7 =	vxor.u32 v7, v5  }
0x14f: {  	v14 =	vshll.u32 v10, $0xF;
	v15 =	vshrl.u32 v8, $0x11;
	v7 =	vadd.s32 $0x1BD11BF1, v7  }
0x150: {  	v5 =	vadd.s32 v7, v5;
	v16 =	vshrl.u32 v7, $0xF;
	v7 =	vshll.u32 v7, $0x11  }
0x151: {  	v17 =	vshll.u32 v8, $0xF;
	v5 =	vadd.s32 $0x2A, v5;
	v7 =	vor.u32 v16, v7  }
0x152: {  	v11 =	vor.u32 v13, v11;
	v12 =	vor.u32 v12, v14;
	v7 =	vxor.u32 v7, v5  }
0x153: {  	v13 =	vor.u32 v15, v17;
	v14 =	vshrl.u32 v7, $0x3;
	v15 =	vshll.u32 v7, $0x1D  }
0x154: {  	v3 =	vadd.s32 v3, v4;
	v4 =	vadd.s32 v5, v7;
	v5 =	vor.u32 v14, v15  }
0x155: {  	v6 =	vadd.s32 v6, v10;
	v7 =	vadd.s32 v9, v8;
	v5 =	vxor.u32 v5, v4  }
0x156: {  	v8 =	vxor.u32 v11, v3;
	v9 =	vshrl.u32 v5, $0x10;
	v10 =	vshll.u32 v5, $0x10  }
0x157: {  	v11 =	vxor.u32 v12, v6;
	v4 =	vadd.s32 v4, v5;
	v5 =	vor.u32 v9, v10  }
0x158: {  	v9 =	vshrl.u32 v8, $0x6;
	v10 =	vxor.u32 v13, v7;
	v5 =	vxor.u32 v5, v4  }
0x159: {  	v12 =	vshll.u32 v8, $0x1A;
	v13 =	vshrl.u32 v5, $0x8;
	v14 =	vshll.u32 v5, $0x18  }
0x15a: {  	v15 =	vshrl.u32 v11, $0x6;
	v4 =	vadd.s32 v4, v5;
	v5 =	vor.u32 v13, v14  }
0x15b: {  	v13 =	vshll.u32 v11, $0x1A;
	v14 =	vshrl.u32 v10, $0x6;
	v5 =	vxor.u32 v5, v4  }
0x15c: {  	v9 =	vor.u32 v9, v12;
	v12 =	vshll.u32 v10, $0x1A;
	v5 =	vadd.s32 $0x2, v5  }
0x15d: {  	v4 =	vadd.s32 v5, v4;
	v16 =	vshrl.u32 v5, $0x13;
	v5 =	vshll.u32 v5, $0xD  }
0x15e: {  	v13 =	vor.u32 v15, v13;
	v4 =	vadd.s32 $0x1BD11BF0, v4;
	v5 =	vor.u32 v16, v5  }
0x15f: {  	v3 =	vadd.s32 v3, v8;
	v8 =	vor.u32 v14, v12;
	v5 =	vxor.u32 v5, v4  }
0x160: {  	v6 =	vadd.s32 v6, v11;
	v11 =	vshrl.u32 v5, $0x11;
	v12 =	vshll.u32 v5, $0xF  }
0x161: {  	v7 =	vadd.s32 v7, v10;
	v4 =	vadd.s32 v4, v5;
	v5 =	vor.u32 v11, v12  }
0x162: {  	v9 =	vxor.u32 v9, v3;
	v10 =	vxor.u32 v13, v6;
	v5 =	vxor.u32 v5, v4  }
0x163: {  	v8 =	vxor.u32 v8, v7;
	v11 =	vshrl.u32 v5, $0x6;
	v12 =	vshll.u32 v5, $0x1A  }
0x164: {  	v13 =	vshrl.u32 v9, $0x1A;
	v4 =	vadd.s32 v4, v5;
	v5 =	vor.u32 v11, v12  }
0x165: {  	v11 =	vshll.u32 v9, $0x6;
	v12 =	vshrl.u32 v10, $0x1A;
	v5 =	vxor.u32 v5, v4  }
0x166: {  	v14 =	vshll.u32 v10, $0x6;
	v15 =	vshrl.u32 v5, $0x1A;
	v16 =	vshll.u32 v5, $0x6  }
0x167: {  	v17 =	vshrl.u32 v8, $0x1A;
	v4 =	vadd.s32 v4, v5;
	v5 =	vor.u32 v15, v16  }
0x168: {  	v11 =	vor.u32 v13, v11;
	v13 =	vshll.u32 v8, $0x6;
	v5 =	vxor.u32 v5, v4  }
0x169: {  	v12 =	vor.u32 v12, v14;
	v13 =	vor.u32 v17, v13;
	v5 =	vadd.s32 $0x2D, v5  }
0x16a: {  	v3 =	vadd.s32 v3, v9;
	v9 =	vshrl.u32 v5, $0xF;
	v14 =	vshll.u32 v5, $0x11  }
0x16b: {  	v6 =	vadd.s32 v6, v10;
	v4 =	vadd.s32 v4, v5;
	v5 =	vor.u32 v9, v14  }
0x16c: {  	v7 =	vadd.s32 v7, v8;
	v9 =	vxor.u32 v11, v3;
	v5 =	vxor.u32 v5, v4  }
0x16d: {  	v8 =	vxor.u32 v12, v6;
	v10 =	vshrl.u32 v5, $0x3;
	v11 =	vshll.u32 v5, $0x1D  }
0x16e: {  	v12 =	vxor.u32 v13, v7;
	v4 =	vadd.s32 v4, v5;
	v5 =	vor.u32 v10, v11  }
0x16f: {  	v8 =	vadd.s32 $0x1BD11BF1, v8;
	v9 =	vadd.s32 $0x1BD11BF1, v9;
	v5 =	vxor.u32 v5, v4  }
0x170: {  	v10 =	vadd.s32 $0x1BD11BF1, v12;
	v11 =	vshrl.u32 v5, $0x10;
	v12 =	vshll.u32 v5, $0x10  }
0x171: {  	v3 =	vadd.s32 v9, v3;
	v4 =	vadd.s32 v4, v5;
	v5 =	vor.u32 v11, v12  }
0x172: {  	v11 =	vshrl.u32 v9, $0xF;
	v9 =	vshll.u32 v9, $0x11;
	v5 =	vxor.u32 v5, v4  }
0x173: {  	v6 =	vadd.s32 v8, v6;
	v12 =	vshrl.u32 v5, $0x8;
	v13 =	vshll.u32 v5, $0x18  }
0x174: {  	v14 =	vshrl.u32 v8, $0xF;
	v4 =	vadd.s32 v4, v5;
	v5 =	vor.u32 v12, v13  }
0x175: {  	v8 =	vshll.u32 v8, $0x11;
	v7 =	vadd.s32 v10, v7;
	v5 =	vxor.u32 v5, v4  }
0x176: {  	v12 =	vshrl.u32 v10, $0xF;
	v10 =	vshll.u32 v10, $0x11;
	v5 =	vadd.s32 $0x1BD11BF4, v5  }
0x177: {  	v4 =	vadd.s32 v5, v4;
	v13 =	vshrl.u32 v5, $0x13;
	v5 =	vshll.u32 v5, $0xD  }
0x178: {  	v3 =	vadd.s32 $0x2A, v3;
	v4 =	vadd.s32 $0x2A, v4;
	v5 =	vor.u32 v13, v5  }
0x179: {  	v6 =	vadd.s32 $0x2A, v6;
	v9 =	vor.u32 v11, v9;
	v5 =	vxor.u32 v5, v4  }
0x17a: {  	v8 =	vor.u32 v14, v8;
	v11 =	vshrl.u32 v5, $0x11;
	v13 =	vshll.u32 v5, $0xF  }
0x17b: {  	v7 =	vadd.s32 $0x2A, v7;
	v4 =	vadd.s32 v4, v5;
	v5 =	vor.u32 v11, v13  }
0x17c: {  	v9 =	vxor.u32 v9, v3;
	v10 =	vor.u32 v12, v10;
	v5 =	vxor.u32 v5, v4  }
0x17d: {  	v8 =	vxor.u32 v8, v6;
	v11 =	vshrl.u32 v5, $0x6;
	v12 =	vshll.u32 v5, $0x1A  }
0x17e: {  	v10 =	vxor.u32 v10, v7;
	v4 =	vadd.s32 v4, v5;
	v5 =	vor.u32 v11, v12  }
0x17f: {  	v11 =	vshrl.u32 v9, $0x3;
	v12 =	vshll.u32 v9, $0x1D;
	v5 =	vxor.u32 v5, v4  }
0x180: {  	v13 =	vshrl.u32 v8, $0x3;
	v14 =	vshrl.u32 v5, $0x1A;
	v15 =	vshll.u32 v5, $0x6  }
0x181: {  	v16 =	vshll.u32 v8, $0x1D;
	v4 =	vadd.s32 v4, v5;
	v5 =	vor.u32 v14, v15  }
0x182: {  	v14 =	vshrl.u32 v10, $0x3;
	v15 =	vshll.u32 v10, $0x1D;
	v5 =	vxor.u32 v5, v4  }
0x183: {  	v11 =	vor.u32 v11, v12;
	v4 =	vadd.s32 $0x1BD11BF0, v4;
	v5 =	vadd.s32 $0x5, v5  }
0x184: {  	v12 =	vor.u32 v13, v16;
	v13 =	vor.u32 v14, v15;
	v4 =	vxor.u32 v4, v5  }
0x185: {  	v3 =	vadd.s32 v3, v9;
	v5 =	vadd.s32 v6, v8;
	v4 =	vshrl.u32 v4, $0x9  }
0x186: {  	v7 =	vadd.s32 v7, v10;
	v6 =	vxor.u32 v11, v3;
	v4 =	vor.u32 $0x3F800000, v4  }
0x187: {  	v9 =	vxor.u32 v13, v7;
	v8 =	vxor.u32 v12, v5;
	v4 =	vadd.f32 $-1.000000000e+00, v4  }
0x188: {  	v10 =	vshrl.u32 v6, $0x10;
	v11 =	vshll.u32 v6, $0x10;
	v12 =	vshrl.u32 v8, $0x10  }
0x189: {  	v14 =	vshrl.u32 v9, $0x10;
	v13 =	vshll.u32 v8, $0x10;
	v4 =	vadd.f32 $1.175494350e-38, v4  }
0x18a: {  	v10 =	vor.u32 v10, v11;
	v11 =	vor.u32 v12, v13;
	v12 =	vshll.u32 v9, $0x10  }
0x18b: {  	s12 =	sadd.s32 $0x40, s12;
	v3 =	vadd.s32 v3, v6;
	v6 =	vor.u32 v14, v12;
	v4 =	vmax.f32 v4, $1.175494350e-38  }
0x18c: {  	v7 =	vadd.s32 v7, v9;
	v5 =	vadd.s32 v5, v8;
	v10 =	vxor.u32 v10, v3;
	[tilespmem:s12+$0x10] =	vst v4  }
0x18d: {  	v8 =	vxor.u32 v11, v5;
	v6 =	vxor.u32 v6, v7;
	v4 =	vshrl.u32 v10, $0x8  }
0x18e: {  	v9 =	vshll.u32 v10, $0x18;
	v11 =	vshrl.u32 v8, $0x8;
	v12 =	vshll.u32 v8, $0x18  }
0x18f: {  	v13 =	vshll.u32 v6, $0x18;
	v4 =	vor.u32 v4, v9;
	v9 =	vshrl.u32 v6, $0x8  }
0x190: {  	v3 =	vadd.s32 v3, v10;
	v10 =	vor.u32 v11, v12;
	v9 =	vor.u32 v9, v13  }
0x191: {  	v5 =	vadd.s32 v5, v8;
	v6 =	vadd.s32 v7, v6;
	v4 =	vxor.u32 v4, v3  }
0x192: {  	v7 =	vxor.u32 v10, v5;
	v4 =	vadd.s32 $0x2, v4;
	v8 =	vxor.u32 v9, v6  }
0x193: {  	v7 =	vadd.s32 $0x2, v7;
	v3 =	vadd.s32 v4, v3;
	v8 =	vadd.s32 $0x2, v8  }
0x194: {  	v5 =	vadd.s32 v7, v5;
	v9 =	vshrl.u32 v4, $0x13;
	v4 =	vshll.u32 v4, $0xD  }
0x195: {  	v10 =	vshrl.u32 v7, $0x13;
	v7 =	vshll.u32 v7, $0xD;
	v6 =	vadd.s32 v8, v6  }
0x196: {  	v3 =	vadd.s32 $0x1BD11BF0, v3;
	v11 =	vshrl.u32 v8, $0x13;
	v8 =	vshll.u32 v8, $0xD  }
0x197: {  	v5 =	vadd.s32 $0x1BD11BF0, v5;
	v7 =	vor.u32 v10, v7;
	v4 =	vor.u32 v9, v4  }
0x198: {  	v4 =	vxor.u32 v4, v3;
	v6 =	vadd.s32 $0x1BD11BF0, v6;
	v8 =	vor.u32 v11, v8  }
0x199: {  	v7 =	vxor.u32 v7, v5;
	v9 =	vshrl.u32 v4, $0x11;
	v8 =	vxor.u32 v8, v6  }
0x19a: {  	v11 =	vshrl.u32 v7, $0x11;
	v12 =	vshll.u32 v7, $0xF;
	v10 =	vshll.u32 v4, $0xF  }
0x19b: {  	v9 =	vor.u32 v9, v10;
	v10 =	vshrl.u32 v8, $0x11;
	v13 =	vshll.u32 v8, $0xF  }
0x19c: {  	v3 =	vadd.s32 v3, v4;
	v4 =	vor.u32 v11, v12;
	v10 =	vor.u32 v10, v13  }
0x19d: {  	v5 =	vadd.s32 v5, v7;
	v6 =	vadd.s32 v6, v8;
	v9 =	vxor.u32 v9, v3  }
0x19e: {  	v4 =	vxor.u32 v4, v5;
	v7 =	vshrl.u32 v9, $0x6;
	v8 =	vxor.u32 v10, v6  }
0x19f: {  	v11 =	vshrl.u32 v4, $0x6;
	v12 =	vshll.u32 v4, $0x1A;
	v10 =	vshll.u32 v9, $0x1A  }
0x1a0: {  	v7 =	vor.u32 v7, v10;
	v10 =	vshrl.u32 v8, $0x6;
	v13 =	vshll.u32 v8, $0x1A  }
0x1a1: {  	v3 =	vadd.s32 v3, v9;
	v9 =	vor.u32 v11, v12;
	v10 =	vor.u32 v10, v13  }
0x1a2: {  	v4 =	vadd.s32 v5, v4;
	v5 =	vadd.s32 v6, v8;
	v7 =	vxor.u32 v7, v3  }
0x1a3: {  	v8 =	vxor.u32 v9, v4;
	v6 =	vshrl.u32 v7, $0x1A;
	v9 =	vxor.u32 v10, v5  }
0x1a4: {  	v11 =	vshrl.u32 v8, $0x1A;
	v12 =	vshll.u32 v8, $0x6;
	v10 =	vshll.u32 v7, $0x6  }
0x1a5: {  	v6 =	vor.u32 v6, v10;
	v10 =	vshrl.u32 v9, $0x1A;
	v13 =	vshll.u32 v9, $0x6  }
0x1a6: {  	v3 =	vadd.s32 v3, v7;
	v7 =	vor.u32 v11, v12;
	v10 =	vor.u32 v10, v13  }
0x1a7: {  	v4 =	vadd.s32 v4, v8;
	v5 =	vadd.s32 v5, v9;
	v6 =	vxor.u32 v6, v3  }
0x1a8: {  	v7 =	vxor.u32 v7, v4;
	v6 =	vadd.s32 $0x2D, v6;
	v8 =	vxor.u32 v10, v5  }
0x1a9: {  	v7 =	vadd.s32 $0x2D, v7;
	v9 =	vshrl.u32 v6, $0xF;
	v8 =	vadd.s32 $0x2D, v8  }
0x1aa: {  	v11 =	vshrl.u32 v7, $0xF;
	v12 =	vshll.u32 v7, $0x11;
	v10 =	vshll.u32 v6, $0x11  }
0x1ab: {  	v9 =	vor.u32 v9, v10;
	v10 =	vshrl.u32 v8, $0xF;
	v13 =	vshll.u32 v8, $0x11  }
0x1ac: {  	v3 =	vadd.s32 v3, v6;
	v6 =	vor.u32 v11, v12;
	v10 =	vor.u32 v10, v13  }
0x1ad: {  	v4 =	vadd.s32 v4, v7;
	v5 =	vadd.s32 v5, v8;
	v9 =	vxor.u32 v9, v3  }
0x1ae: {  	v6 =	vxor.u32 v6, v4;
	v7 =	vshrl.u32 v9, $0x3;
	v8 =	vxor.u32 v10, v5  }
0x1af: {  	v11 =	vshrl.u32 v6, $0x3;
	v12 =	vshll.u32 v6, $0x1D;
	v10 =	vshll.u32 v9, $0x1D  }
0x1b0: {  	v7 =	vor.u32 v7, v10;
	v10 =	vshrl.u32 v8, $0x3;
	v13 =	vshll.u32 v8, $0x1D  }
0x1b1: {  	v3 =	vadd.s32 v3, v9;
	v9 =	vor.u32 v11, v12;
	v10 =	vor.u32 v10, v13  }
0x1b2: {  	v4 =	vadd.s32 v4, v6;
	v5 =	vadd.s32 v5, v8;
	v7 =	vxor.u32 v7, v3  }
0x1b3: {  	v8 =	vxor.u32 v9, v4;
	v6 =	vshrl.u32 v7, $0x10;
	v9 =	vxor.u32 v10, v5  }
0x1b4: {  	v11 =	vshrl.u32 v8, $0x10;
	v12 =	vshll.u32 v8, $0x10;
	v10 =	vshll.u32 v7, $0x10  }
0x1b5: {  	v6 =	vor.u32 v6, v10;
	v10 =	vshrl.u32 v9, $0x10;
	v13 =	vshll.u32 v9, $0x10  }
0x1b6: {  	v3 =	vadd.s32 v3, v7;
	v7 =	vor.u32 v11, v12;
	v10 =	vor.u32 v10, v13  }
0x1b7: {  	v4 =	vadd.s32 v4, v8;
	v5 =	vadd.s32 v5, v9;
	v6 =	vxor.u32 v6, v3  }
0x1b8: {  	v7 =	vxor.u32 v7, v4;
	v8 =	vshrl.u32 v6, $0x8;
	v9 =	vxor.u32 v10, v5  }
0x1b9: {  	v11 =	vshrl.u32 v7, $0x8;
	v12 =	vshll.u32 v7, $0x18;
	v10 =	vshll.u32 v6, $0x18  }
0x1ba: {  	v8 =	vor.u32 v8, v10;
	v10 =	vshrl.u32 v9, $0x8;
	v13 =	vshll.u32 v9, $0x18  }
0x1bb: {  	v3 =	vadd.s32 v3, v6;
	v6 =	vor.u32 v11, v12;
	v10 =	vor.u32 v10, v13  }
0x1bc: {  	v4 =	vadd.s32 v4, v7;
	v5 =	vadd.s32 v5, v9;
	v8 =	vxor.u32 v8, v3  }
0x1bd: {  	v6 =	vxor.u32 v6, v4;
	v7 =	vadd.s32 $0x1BD11BF4, v8;
	v8 =	vxor.u32 v10, v5  }
0x1be: {  	v6 =	vadd.s32 $0x1BD11BF4, v6;
	v3 =	vadd.s32 v7, v3;
	v8 =	vadd.s32 $0x1BD11BF4, v8  }
0x1bf: {  	v4 =	vadd.s32 v6, v4;
	v9 =	vshrl.u32 v7, $0x13;
	v7 =	vshll.u32 v7, $0xD  }
0x1c0: {  	v10 =	vshrl.u32 v6, $0x13;
	v6 =	vshll.u32 v6, $0xD;
	v5 =	vadd.s32 v8, v5  }
0x1c1: {  	v3 =	vadd.s32 $0x2A, v3;
	v11 =	vshrl.u32 v8, $0x13;
	v8 =	vshll.u32 v8, $0xD  }
0x1c2: {  	v4 =	vadd.s32 $0x2A, v4;
	v6 =	vor.u32 v10, v6;
	v7 =	vor.u32 v9, v7  }
0x1c3: {  	v7 =	vxor.u32 v7, v3;
	v5 =	vadd.s32 $0x2A, v5;
	v8 =	vor.u32 v11, v8  }
0x1c4: {  	v6 =	vxor.u32 v6, v4;
	v9 =	vshrl.u32 v7, $0x11;
	v8 =	vxor.u32 v8, v5  }
0x1c5: {  	v11 =	vshrl.u32 v6, $0x11;
	v12 =	vshll.u32 v6, $0xF;
	v10 =	vshll.u32 v7, $0xF  }
0x1c6: {  	v9 =	vor.u32 v9, v10;
	v10 =	vshrl.u32 v8, $0x11;
	v13 =	vshll.u32 v8, $0xF  }
0x1c7: {  	v3 =	vadd.s32 v3, v7;
	v7 =	vor.u32 v11, v12;
	v10 =	vor.u32 v10, v13  }
0x1c8: {  	v4 =	vadd.s32 v4, v6;
	v5 =	vadd.s32 v5, v8;
	v9 =	vxor.u32 v9, v3  }
0x1c9: {  	v7 =	vxor.u32 v7, v4;
	v6 =	vshrl.u32 v9, $0x6;
	v8 =	vxor.u32 v10, v5  }
0x1ca: {  	v11 =	vshrl.u32 v7, $0x6;
	v12 =	vshll.u32 v7, $0x1A;
	v10 =	vshll.u32 v9, $0x1A  }
0x1cb: {  	v6 =	vor.u32 v6, v10;
	v10 =	vshrl.u32 v8, $0x6;
	v13 =	vshll.u32 v8, $0x1A  }
0x1cc: {  	v3 =	vadd.s32 v3, v9;
	v9 =	vor.u32 v11, v12;
	v10 =	vor.u32 v10, v13  }
0x1cd: {  	v4 =	vadd.s32 v4, v7;
	v5 =	vadd.s32 v5, v8;
	v6 =	vxor.u32 v6, v3  }
0x1ce: {  	v8 =	vxor.u32 v9, v4;
	v7 =	vshrl.u32 v6, $0x1A;
	v9 =	vxor.u32 v10, v5  }
0x1cf: {  	v11 =	vshrl.u32 v8, $0x1A;
	v12 =	vshll.u32 v8, $0x6;
	v10 =	vshll.u32 v6, $0x6  }
0x1d0: {  	v7 =	vor.u32 v7, v10;
	v10 =	vshrl.u32 v9, $0x1A;
	v13 =	vshll.u32 v9, $0x6  }
0x1d1: {  	v3 =	vadd.s32 v3, v6;
	v6 =	vor.u32 v11, v12;
	v10 =	vor.u32 v10, v13  }
0x1d2: {  	v4 =	vadd.s32 v4, v8;
	v5 =	vadd.s32 v5, v9;
	v7 =	vxor.u32 v7, v3  }
0x1d3: {  	v6 =	vxor.u32 v6, v4;
	v7 =	vadd.s32 $0x5, v7;
	v8 =	vxor.u32 v10, v5  }
0x1d4: {  	v3 =	vadd.s32 $0x1BD11BF0, v3;
	v6 =	vadd.s32 $0x5, v6;
	v8 =	vadd.s32 $0x5, v8  }
0x1d5: {  	v4 =	vadd.s32 $0x1BD11BF0, v4;
	v5 =	vadd.s32 $0x1BD11BF0, v5;
	v3 =	vxor.u32 v3, v7  }
.Ltmp0:
0x1d6: {  	v4 =	vxor.u32 v4, v6;
	v3 =	vshrl.u32 v3, $0x9;
	v5 =	vxor.u32 v5, v8;
	(pc) =	sbr.rel @p0 .LBB2_3-.Ltmp0, $4  }
0x1d7: {  	v4 =	vshrl.u32 v4, $0x9;
	v3 =	vor.u32 $0x3F800000, v3;
	v5 =	vshrl.u32 v5, $0x9  }
0x1d8: {  	v4 =	vor.u32 $0x3F800000, v4;
	v3 =	vadd.f32 $-1.000000000e+00, v3;
	v5 =	vor.u32 $0x3F800000, v5  }
0x1d9: {  	v2 =	vmax.f32 v2, $1.175494350e-38;
	v6 =	vadd.f32 $-1.000000000e+00, v4;
	v5 =	vadd.f32 $-1.000000000e+00, v5  }
0x1da: {  	s16 =	sadd.s32 s15, s10;
	s15 =	sadd.s32 $0x40, s15;
	v4 =	vadd.f32 $1.175494350e-38, v3;
	v3 =	vmax.f32 v1, $1.175494350e-38;
	[tilespmem:s14+$0xFFFFFFF0] =	vst v2  }
0x1db: {  	s15 =	sadd.s32 $0xB805A, s16;
	s26 =	sadd.s32 $0xB802A, s16  }
0x1dc: {  	v1 =	vadd.f32 $1.175494350e-38, v6;
	s28 =	sadd.s32 $0xB803A, s16;
	s29 =	sadd.s32 $0xB804A, s16;
	v2 =	vadd.s32 s15, v0;
	v48 =	vadd.s32 s26, v0  }
0x1dd: {  	v49 =	vadd.s32 s28, v0;
	v10 =	vadd.s32 s29, v0;
	v4 =	vmax.f32 v4, $1.175494350e-38  }
0x1de: {  	v7 =	vshrl.u32 v2, $0x13;
	v8 =	vshll.u32 v2, $0xD;
	v9 =	vshrl.u32 v48, $0x13  }
0x1df: {  	v13 =	vshll.u32 v48, $0xD;
	v51 =	vshrl.u32 v49, $0x13;
	v52 =	vshll.u32 v49, $0xD  }
0x1e0: {  	v14 =	vshrl.u32 v10, $0x13;
	v54 =	vshll.u32 v10, $0xD;
	v7 =	vor.u32 v7, v8  }
0x1e1: {  	v9 =	vor.u32 v9, v13;
	v55 =	vor.u32 v14, v54;
	v7 =	vxor.u32 v2, v7  }
0x1e2: {  	v9 =	vxor.u32 v48, v9;
	v11 =	vshrl.u32 v7, $0x11;
	v12 =	vshll.u32 v7, $0xF  }
0x1e3: {  	v2 =	vadd.s32 v2, v7;
	v59 =	vshrl.u32 v9, $0x11;
	v60 =	vshll.u32 v9, $0xF  }
0x1e4: {  	v6 =	vadd.s32 v48, v9;
	v50 =	vor.u32 v11, v12;
	v11 =	vor.u32 v51, v52  }
0x1e5: {  	v12 =	vxor.u32 v10, v55;
	v13 =	vor.u32 v59, v60;
	v7 =	vxor.u32 v50, v2  }
0x1e6: {  	v11 =	vxor.u32 v49, v11;
	v13 =	vxor.u32 v13, v6;
	v15 =	vshrl.u32 v7, $0x6  }
0x1e7: {  	v16 =	vshll.u32 v7, $0x1A;
	v2 =	vadd.s32 v2, v7;
	v61 =	vshrl.u32 v11, $0x11  }
0x1e8: {  	v63 =	vshll.u32 v11, $0xF;
	v8 =	vadd.s32 v49, v11;
	v53 =	vor.u32 v15, v16  }
0x1e9: {  	v31 =	vshrl.u32 v13, $0x6;
	v35 =	vshll.u32 v13, $0x1A;
	v7 =	vxor.u32 v53, v2  }
0x1ea: {  	v6 =	vadd.s32 v6, v13;
	v56 =	vshrl.u32 v7, $0x1A;
	v57 =	vshll.u32 v7, $0x6  }
0x1eb: {  	v11 =	vor.u32 v31, v35;
	v2 =	vadd.s32 v2, v7;
	v58 =	vor.u32 v56, v57  }
0x1ec: {  	v21 =	vshrl.u32 v12, $0x11;
	v47 =	vxor.u32 v11, v6;
	v7 =	vxor.u32 v58, v2  }
0x1ed: {  	v10 =	vadd.s32 v10, v12;
	v52 =	vshrl.u32 v47, $0x1A;
	v7 =	vadd.s32 $0x1BD11BF1, v7  }
0x1ee: {  	v53 =	vshll.u32 v47, $0x6;
	v6 =	vadd.s32 v6, v47;
	v62 =	vshrl.u32 v7, $0xF  }
0x1ef: {  	v17 =	vshll.u32 v7, $0x11;
	v2 =	vadd.s32 v7, v2;
	v7 =	vor.u32 v61, v63  }
0x1f0: {  	v16 =	vor.u32 v62, v17;
	v18 =	vadd.s32 $0x2A, v2;
	v2 =	vshll.u32 v12, $0xF  }
0x1f1: {  	v7 =	vxor.u32 v7, v8;
	v12 =	vor.u32 v52, v53;
	v22 =	vxor.u32 v16, v18  }
0x1f2: {  	v23 =	vor.u32 v21, v2;
	v2 =	vadd.f32 $1.175494350e-38, v5;
	v37 =	vshrl.u32 v7, $0x6  }
0x1f3: {  	v38 =	vshll.u32 v7, $0x1A;
	v7 =	vadd.s32 v8, v7;
	v19 =	vxor.u32 v12, v6  }
0x1f4: {  	v16 =	vshrl.u32 v22, $0x3;
	v24 =	vshll.u32 v22, $0x1D;
	v25 =	vadd.s32 v18, v22  }
0x1f5: {  	v32 =	vxor.u32 v23, v10;
	v14 =	vor.u32 v37, v38;
	v11 =	vadd.s32 $0x1BD11BF1, v19  }
0x1f6: {  	v26 =	vor.u32 v16, v24;
	v39 =	vshrl.u32 v32, $0x6;
	v41 =	vshll.u32 v32, $0x1A  }
0x1f7: {  	v46 =	vadd.s32 v10, v32;
	v48 =	vxor.u32 v14, v7;
	v6 =	vadd.s32 v11, v6  }
0x1f8: {  	v27 =	vxor.u32 v26, v25;
	v42 =	vor.u32 v39, v41;
	v54 =	vshrl.u32 v48, $0x1A  }
0x1f9: {  	v57 =	vshll.u32 v48, $0x6;
	v28 =	vshrl.u32 v27, $0x10;
	v29 =	vshll.u32 v27, $0x10  }
0x1fa: {  	v7 =	vadd.s32 v7, v48;
	v5 =	vadd.s32 v25, v27;
	v30 =	vor.u32 v28, v29  }
0x1fb: {  	v26 =	vshrl.u32 v11, $0xF;
	v11 =	vshll.u32 v11, $0x11;
	v9 =	vxor.u32 v30, v5  }
0x1fc: {  	v6 =	vadd.s32 $0x2A, v6;
	v33 =	vshrl.u32 v9, $0x8;
	v34 =	vshll.u32 v9, $0x18  }
0x1fd: {  	v13 =	vxor.u32 v42, v46;
	v5 =	vadd.s32 v5, v9;
	v36 =	vor.u32 v33, v34  }
0x1fe: {  	v11 =	vor.u32 v26, v11;
	v58 =	vshrl.u32 v13, $0x1A;
	v9 =	vxor.u32 v36, v5  }
0x1ff: {  	v60 =	vshll.u32 v13, $0x6;
	v11 =	vxor.u32 v11, v6;
	v9 =	vadd.s32 $0x2, v9  }
0x200: {  	v5 =	vadd.s32 v9, v5;
	v40 =	vshrl.u32 v9, $0x13;
	v9 =	vshll.u32 v9, $0xD  }
0x201: {  	v61 =	vor.u32 v58, v60;
	v9 =	vor.u32 v40, v9;
	v5 =	vadd.s32 $0x1BD11BF0, v5  }
0x202: {  	v39 =	vshrl.u32 v11, $0x3;
	v6 =	vadd.s32 v6, v11;
	v9 =	vxor.u32 v9, v5  }
0x203: {  	v40 =	vshll.u32 v11, $0x1D;
	v43 =	vshrl.u32 v9, $0x11;
	v44 =	vshll.u32 v9, $0xF  }
0x204: {  	v5 =	vadd.s32 v5, v9;
	v9 =	vadd.s32 v46, v13;
	v13 =	vor.u32 v39, v40  }
0x205: {  	v45 =	vor.u32 v43, v44;
	v22 =	vxor.u32 v61, v9;
	v47 =	vxor.u32 v13, v6  }
0x206: {  	v8 =	vxor.u32 v45, v5;
	v12 =	vadd.s32 $0x1BD11BF1, v22;
	v13 =	vshll.u32 v47, $0x10  }
0x207: {  	v6 =	vadd.s32 v6, v47;
	v49 =	vshrl.u32 v8, $0x6;
	v50 =	vshll.u32 v8, $0x1A  }
0x208: {  	v5 =	vadd.s32 v5, v8;
	v9 =	vadd.s32 v12, v9;
	v31 =	vshrl.u32 v12, $0xF  }
0x209: {  	v12 =	vshll.u32 v12, $0x11;
	v51 =	vor.u32 v49, v50;
	v9 =	vadd.s32 $0x2A, v9  }
0x20a: {  	v12 =	vor.u32 v31, v12;
	v49 =	vshrl.u32 v47, $0x10;
	v8 =	vxor.u32 v51, v5  }
0x20b: {  	v12 =	vxor.u32 v12, v9;
	v55 =	vshrl.u32 v8, $0x1A;
	v56 =	vshll.u32 v8, $0x6  }
0x20c: {  	v5 =	vadd.s32 v5, v8;
	v8 =	vor.u32 v54, v57;
	v45 =	vshrl.u32 v12, $0x3  }
0x20d: {  	v46 =	vshll.u32 v12, $0x1D;
	v16 =	vor.u32 v55, v56;
	v8 =	vxor.u32 v8, v7  }
0x20e: {  	v9 =	vadd.s32 v9, v12;
	v59 =	vxor.u32 v16, v5;
	v8 =	vadd.s32 $0x1BD11BF1, v8  }
0x20f: {  	v12 =	vor.u32 v49, v13;
	v14 =	vadd.s32 $0x2D, v59;
	v7 =	vadd.s32 v8, v7  }
0x210: {  	v30 =	vshrl.u32 v8, $0xF;
	v62 =	vshrl.u32 v14, $0xF;
	v63 =	vshll.u32 v14, $0x11  }
0x211: {  	v8 =	vshll.u32 v8, $0x11;
	v5 =	vadd.s32 v5, v14;
	v17 =	vor.u32 v62, v63  }
0x212: {  	v7 =	vadd.s32 $0x2A, v7;
	v8 =	vor.u32 v30, v8;
	v18 =	vxor.u32 v17, v5  }
0x213: {  	v8 =	vxor.u32 v8, v7;
	v20 =	vshrl.u32 v18, $0x3;
	v14 =	vshll.u32 v18, $0x1D  }
0x214: {  	v41 =	vshrl.u32 v8, $0x3;
	v5 =	vadd.s32 v5, v18;
	v21 =	vor.u32 v20, v14  }
0x215: {  	v44 =	vshll.u32 v8, $0x1D;
	v14 =	vor.u32 v45, v46;
	v10 =	vxor.u32 v21, v5  }
0x216: {  	v48 =	vxor.u32 v14, v9;
	v23 =	vshrl.u32 v10, $0x10;
	v24 =	vshll.u32 v10, $0x10  }
0x217: {  	v5 =	vadd.s32 v5, v10;
	v52 =	vshrl.u32 v48, $0x10;
	v54 =	vshll.u32 v48, $0x10  }
0x218: {  	v9 =	vadd.s32 v9, v48;
	v25 =	vor.u32 v23, v24;
	v55 =	vor.u32 v52, v54  }
0x219: {  	v7 =	vadd.s32 v7, v8;
	v10 =	vxor.u32 v25, v5;
	v8 =	vxor.u32 v55, v9  }
0x21a: {  	v27 =	vshrl.u32 v10, $0x8;
	v28 =	vshll.u32 v10, $0x18;
	v5 =	vadd.s32 v5, v10  }
0x21b: {  	v61 =	vshrl.u32 v8, $0x8;
	v62 =	vshll.u32 v8, $0x18;
	v29 =	vor.u32 v27, v28  }
0x21c: {  	v8 =	vadd.s32 v9, v8;
	v13 =	vor.u32 v61, v62;
	v10 =	vxor.u32 v29, v5  }
0x21d: {  	v12 =	vxor.u32 v12, v6;
	v19 =	vxor.u32 v13, v8;
	v10 =	vadd.s32 $0x1BD11BF4, v10  }
0x21e: {  	v56 =	vshrl.u32 v12, $0x8;
	v11 =	vadd.s32 $0x2, v19;
	v5 =	vadd.s32 v10, v5  }
0x21f: {  	v32 =	vshrl.u32 v10, $0x13;
	v10 =	vshll.u32 v10, $0xD;
	v8 =	vadd.s32 v11, v8  }
0x220: {  	v22 =	vshrl.u32 v11, $0x13;
	v11 =	vshll.u32 v11, $0xD;
	v5 =	vadd.s32 $0x2A, v5  }
0x221: {  	v10 =	vor.u32 v32, v10;
	v8 =	vadd.s32 $0x1BD11BF0, v8;
	v11 =	vor.u32 v22, v11  }
0x222: {  	v58 =	vshll.u32 v12, $0x18;
	v10 =	vxor.u32 v10, v5;
	v11 =	vxor.u32 v11, v8  }
0x223: {  	v33 =	vshrl.u32 v10, $0x11;
	v34 =	vshll.u32 v10, $0xF;
	v5 =	vadd.s32 v5, v10  }
0x224: {  	v27 =	vshrl.u32 v11, $0x11;
	v28 =	vshll.u32 v11, $0xF;
	v35 =	vor.u32 v33, v34  }
0x225: {  	v8 =	vadd.s32 v8, v11;
	v13 =	vor.u32 v27, v28;
	v10 =	vxor.u32 v35, v5  }
0x226: {  	v11 =	vxor.u32 v13, v8;
	v36 =	vshrl.u32 v10, $0x6;
	v37 =	vshll.u32 v10, $0x1A  }
0x227: {  	v5 =	vadd.s32 v5, v10;
	v34 =	vshrl.u32 v11, $0x6;
	v35 =	vshll.u32 v11, $0x1A  }
0x228: {  	v8 =	vadd.s32 v8, v11;
	v38 =	vor.u32 v36, v37;
	v13 =	vor.u32 v34, v35  }
0x229: {  	v6 =	vadd.s32 v6, v12;
	v10 =	vxor.u32 v38, v5;
	v39 =	vxor.u32 v13, v8  }
0x22a: {  	v42 =	vshrl.u32 v10, $0x1A;
	v43 =	vshll.u32 v10, $0x6;
	v5 =	vadd.s32 v5, v10  }
0x22b: {  	v10 =	vor.u32 v41, v44;
	v44 =	vshll.u32 v39, $0x6;
	v8 =	vadd.s32 v8, v39  }
0x22c: {  	v16 =	vor.u32 v42, v43;
	v10 =	vxor.u32 v10, v7;
	v43 =	vshrl.u32 v39, $0x1A  }
0x22d: {  	v16 =	vxor.u32 v16, v5;
	v5 =	vadd.s32 $0x1BD11BF0, v5;
	v50 =	vshrl.u32 v10, $0x10  }
0x22e: {  	v51 =	vshll.u32 v10, $0x10;
	v7 =	vadd.s32 v7, v10;
	v10 =	vor.u32 v56, v58  }
0x22f: {  	v13 =	vor.u32 v43, v44;
	v16 =	vadd.s32 $0x5, v16;
	v53 =	vor.u32 v50, v51  }
0x230: {  	v10 =	vxor.u32 v10, v6;
	v46 =	vxor.u32 v13, v8;
	v5 =	vxor.u32 v5, v16  }
0x231: {  	v57 =	vxor.u32 v53, v7;
	v17 =	vadd.s32 $0x2, v10;
	v11 =	vadd.s32 $0x2D, v46  }
0x232: {  	v5 =	vshrl.u32 v5, $0x9;
	v59 =	vshrl.u32 v57, $0x8;
	v60 =	vshll.u32 v57, $0x18  }
0x233: {  	v7 =	vadd.s32 v7, v57;
	v6 =	vadd.s32 v17, v6;
	v20 =	vshrl.u32 v17, $0x13  }
0x234: {  	v9 =	vshll.u32 v17, $0xD;
	v51 =	vshrl.u32 v11, $0xF;
	v52 =	vshll.u32 v11, $0x11  }
0x235: {  	v8 =	vadd.s32 v8, v11;
	v5 =	vor.u32 $0x3F800000, v5;
	v63 =	vor.u32 v59, v60  }
0x236: {  	v6 =	vadd.s32 $0x1BD11BF0, v6;
	v9 =	vor.u32 v20, v9;
	v13 =	vor.u32 v51, v52  }
0x237: {  	v5 =	vadd.f32 $-1.000000000e+00, v5;
	v18 =	vxor.u32 v63, v7;
	v9 =	vxor.u32 v9, v6  }
0x238: {  	v11 =	vxor.u32 v13, v8;
	v10 =	vadd.s32 $0x2, v18;
	v23 =	vshrl.u32 v9, $0x11  }
0x239: {  	v24 =	vshll.u32 v9, $0xF;
	v6 =	vadd.s32 v6, v9;
	v58 =	vshrl.u32 v11, $0x3  }
0x23a: {  	v59 =	vshll.u32 v11, $0x1D;
	v8 =	vadd.s32 v8, v11;
	v5 =	vadd.f32 $1.175494350e-38, v5  }
0x23b: {  	v7 =	vadd.s32 v10, v7;
	v21 =	vshrl.u32 v10, $0x13;
	v10 =	vshll.u32 v10, $0xD  }
0x23c: {  	v12 =	vor.u32 v23, v24;
	v13 =	vor.u32 v58, v59;
	v7 =	vadd.s32 $0x1BD11BF0, v7  }
0x23d: {  	v10 =	vor.u32 v21, v10;
	v12 =	vxor.u32 v12, v6;
	v63 =	vxor.u32 v13, v8  }
0x23e: {  	v10 =	vxor.u32 v10, v7;
	v30 =	vshrl.u32 v12, $0x6;
	v31 =	vshll.u32 v12, $0x1A  }
0x23f: {  	v6 =	vadd.s32 v6, v12;
	v22 =	vshrl.u32 v63, $0x10;
	v25 =	vshrl.u32 v10, $0x11  }
0x240: {  	v26 =	vshll.u32 v10, $0xF;
	v7 =	vadd.s32 v7, v10;
	v10 =	vor.u32 v30, v31  }
0x241: {  	v23 =	vshll.u32 v63, $0x10;
	v29 =	vor.u32 v25, v26;
	v10 =	vxor.u32 v10, v6  }
0x242: {  	v9 =	vxor.u32 v29, v7;
	v37 =	vshrl.u32 v10, $0x1A;
	v40 =	vshll.u32 v10, $0x6  }
0x243: {  	v6 =	vadd.s32 v6, v10;
	v32 =	vshrl.u32 v9, $0x6;
	v33 =	vshll.u32 v9, $0x1A  }
0x244: {  	v7 =	vadd.s32 v7, v9;
	v9 =	vor.u32 v37, v40;
	v36 =	vor.u32 v32, v33  }
0x245: {  	v8 =	vadd.s32 v8, v63;
	v9 =	vxor.u32 v9, v6;
	v38 =	vxor.u32 v36, v7  }
0x246: {  	v9 =	vadd.s32 $0x2D, v9;
	v41 =	vshrl.u32 v38, $0x1A;
	v42 =	vshll.u32 v38, $0x6  }
0x247: {  	v7 =	vadd.s32 v7, v38;
	v47 =	vshrl.u32 v9, $0xF;
	v48 =	vshll.u32 v9, $0x11  }
0x248: {  	v6 =	vadd.s32 v6, v9;
	v45 =	vor.u32 v41, v42;
	v12 =	vor.u32 v47, v48  }
0x249: {  	v13 =	vor.u32 v22, v23;
	v10 =	vxor.u32 v45, v7;
	v12 =	vxor.u32 v12, v6  }
0x24a: {  	v10 =	vadd.s32 $0x2D, v10;
	v54 =	vshrl.u32 v12, $0x3;
	v55 =	vshll.u32 v12, $0x1D  }
0x24b: {  	v6 =	vadd.s32 v6, v12;
	v12 =	vxor.u32 v13, v8;
	v49 =	vshrl.u32 v10, $0xF  }
0x24c: {  	v50 =	vshll.u32 v10, $0x11;
	v7 =	vadd.s32 v7, v10;
	v10 =	vor.u32 v54, v55  }
0x24d: {  	v29 =	vshrl.u32 v12, $0x8;
	v30 =	vshll.u32 v12, $0x18;
	v8 =	vadd.s32 v8, v12  }
0x24e: {  	v53 =	vor.u32 v49, v50;
	v10 =	vxor.u32 v10, v6;
	v13 =	vor.u32 v29, v30  }
0x24f: {  	v9 =	vxor.u32 v53, v7;
	v61 =	vshrl.u32 v10, $0x10;
	v19 =	vshll.u32 v10, $0x10  }
0x250: {  	v6 =	vadd.s32 v6, v10;
	v56 =	vshrl.u32 v9, $0x3;
	v57 =	vshll.u32 v9, $0x1D  }
0x251: {  	v7 =	vadd.s32 v7, v9;
	v9 =	vor.u32 v61, v19;
	v60 =	vor.u32 v56, v57  }
0x252: {  	v33 =	vxor.u32 v13, v8;
	v9 =	vxor.u32 v9, v6;
	v62 =	vxor.u32 v60, v7  }
0x253: {  	v25 =	vshrl.u32 v9, $0x8;
	v26 =	vshll.u32 v9, $0x18;
	v6 =	vadd.s32 v6, v9  }
0x254: {  	v20 =	vshrl.u32 v62, $0x10;
	v21 =	vshll.u32 v62, $0x10;
	v11 =	vor.u32 v25, v26  }
0x255: {  	v7 =	vadd.s32 v7, v62;
	v24 =	vor.u32 v20, v21;
	v11 =	vxor.u32 v11, v6  }
0x256: {  	v10 =	vxor.u32 v24, v7;
	v32 =	vadd.s32 $0x1BD11BF4, v11;
	v11 =	vadd.s32 $0x1BD11BF4, v33  }
0x257: {  	v27 =	vshrl.u32 v10, $0x8;
	v28 =	vshll.u32 v10, $0x18;
	v7 =	vadd.s32 v7, v10  }
0x258: {  	v6 =	vadd.s32 v32, v6;
	v34 =	vshrl.u32 v32, $0x13;
	v10 =	vshll.u32 v32, $0xD  }
0x259: {  	v8 =	vadd.s32 v11, v8;
	v36 =	vshrl.u32 v11, $0x13;
	v11 =	vshll.u32 v11, $0xD  }
0x25a: {  	v31 =	vor.u32 v27, v28;
	v6 =	vadd.s32 $0x2A, v6;
	v10 =	vor.u32 v34, v10  }
0x25b: {  	v8 =	vadd.s32 $0x2A, v8;
	v11 =	vor.u32 v36, v11;
	v9 =	vxor.u32 v31, v7  }
0x25c: {  	v10 =	vxor.u32 v10, v6;
	v11 =	vxor.u32 v11, v8;
	v9 =	vadd.s32 $0x1BD11BF4, v9  }
0x25d: {  	v37 =	vshrl.u32 v10, $0x11;
	v38 =	vshll.u32 v10, $0xF;
	v41 =	vshrl.u32 v11, $0x11  }
0x25e: {  	v42 =	vshll.u32 v11, $0xF;
	v6 =	vadd.s32 v6, v10;
	v8 =	vadd.s32 v8, v11  }
0x25f: {  	v7 =	vadd.s32 v9, v7;
	v35 =	vshrl.u32 v9, $0x13;
	v9 =	vshll.u32 v9, $0xD  }
0x260: {  	v12 =	vor.u32 v37, v38;
	v13 =	vor.u32 v41, v42;
	v7 =	vadd.s32 $0x2A, v7  }
0x261: {  	v9 =	vor.u32 v35, v9;
	v12 =	vxor.u32 v12, v6;
	v11 =	vxor.u32 v13, v8  }
0x262: {  	v9 =	vxor.u32 v9, v7;
	v44 =	vshrl.u32 v12, $0x6;
	v45 =	vshll.u32 v12, $0x1A  }
0x263: {  	v48 =	vshrl.u32 v11, $0x6;
	v49 =	vshll.u32 v11, $0x1A;
	v6 =	vadd.s32 v6, v12  }
0x264: {  	v8 =	vadd.s32 v8, v11;
	v39 =	vshrl.u32 v9, $0x11;
	v40 =	vshll.u32 v9, $0xF  }
0x265: {  	v7 =	vadd.s32 v7, v9;
	v9 =	vor.u32 v44, v45;
	v13 =	vor.u32 v48, v49  }
0x266: {  	v43 =	vor.u32 v39, v40;
	v9 =	vxor.u32 v9, v6;
	v53 =	vxor.u32 v13, v8  }
0x267: {  	v10 =	vxor.u32 v43, v7;
	v51 =	vshrl.u32 v9, $0x1A;
	v54 =	vshll.u32 v9, $0x6  }
0x268: {  	v57 =	vshrl.u32 v53, $0x1A;
	v58 =	vshll.u32 v53, $0x6;
	v6 =	vadd.s32 v6, v9  }
0x269: {  	v8 =	vadd.s32 v8, v53;
	v46 =	vshrl.u32 v10, $0x6;
	v47 =	vshll.u32 v10, $0x1A  }
0x26a: {  	v7 =	vadd.s32 v7, v10;
	v10 =	vor.u32 v51, v54;
	v50 =	vor.u32 v46, v47  }
0x26b: {  	v13 =	vor.u32 v57, v58;
	v10 =	vxor.u32 v10, v6;
	v52 =	vxor.u32 v50, v7  }
0x26c: {  	v60 =	vxor.u32 v13, v8;
	v55 =	vshrl.u32 v52, $0x1A;
	v56 =	vshll.u32 v52, $0x6  }
0x26d: {  	v6 =	vadd.s32 $0x1BD11BF0, v6;
	v7 =	vadd.s32 v7, v52;
	v59 =	vor.u32 v55, v56  }
0x26e: {  	v8 =	vadd.s32 $0x1BD11BF0, v8;
	v10 =	vadd.s32 $0x5, v10;
	v9 =	vxor.u32 v59, v7  }
0x26f: {  	v6 =	vxor.u32 v6, v10;
	v7 =	vadd.s32 $0x1BD11BF0, v7;
	v9 =	vadd.s32 $0x5, v9  }
0x270: {  	v11 =	vadd.s32 $0x5, v60;
	v6 =	vshrl.u32 v6, $0x9;
	v7 =	vxor.u32 v7, v9  }
0x271: {  	v8 =	vxor.u32 v8, v11;
	v6 =	vor.u32 $0x3F800000, v6;
	v7 =	vshrl.u32 v7, $0x9  }
0x272: {  	[tilespmem:s14+$0x0] =	vst v3;
	v3 =	vshrl.u32 v8, $0x9;
	v6 =	vadd.f32 $-1.000000000e+00, v6;
	v7 =	vor.u32 $0x3F800000, v7  }
0x273: {  	s30 =	sadd.s32 $0x40, s12;
	[tilespmem:s12+$0xFFFFFFE0] =	vst v4;
	v61 =	vmax.f32 v5, $1.175494350e-38;
	v3 =	vor.u32 $0x3F800000, v3;
	v62 =	vadd.f32 $-1.000000000e+00, v7  }
0x274: {  	v1 =	vmax.f32 v1, $1.175494350e-38;
	[tilespmem:s30+$0x10] =	vst v61;
	v3 =	vadd.f32 $-1.000000000e+00, v3;
	v63 =	vadd.f32 $1.175494350e-38, v6  }
0x275: {  	[tilespmem:s12+$0xFFFFFFF0] =	vst v1;
	v1 =	vmax.f32 v2, $1.175494350e-38;
	v2 =	vadd.f32 $1.175494350e-38, v62  }
0x276: {  	[tilespmem:s12+$0x0] =	vst v1;
	v3 =	vadd.f32 $1.175494350e-38, v3;
	v1 =	vmax.f32 v63, $1.175494350e-38  }
0x277: {  	s11 =	sadd.s32 $0x1, s11;
	[tilespmem:s30+$0xFFFFFFE0] =	vst v1;
	v1 =	vmax.f32 v2, $1.175494350e-38  }
0x278: {  	p0 =	sne.s32 s11, $0x20;
	[tilespmem:s30+$0xFFFFFFF0] =	vst v1;
	v1 =	vmax.f32 v3, $1.175494350e-38  }
.Ltmp1:
0x279: {  	s31 =	sadd.s32 s13, s3;
	[tilespmem:s30+$0x0] =	vst v1;
	(pc) =	sbr.rel @p0 .LBB2_2-.Ltmp1, $4  }
0x27a: {  	[hbm4b:s31+s6] =	stream.strided.scatter [tilespmem:s2], [sflag:$0x1], $0x2000, s7, s6, $0x38;
	[tilespmem:$0x2000] =	vst v63  }
0x27b: {  	_ =	swait.ge [sflag:s8], $0x2000  }
0x27c: {  	[sflag:s8] =	ssyncset.done $0x0  }
0x27d: {  	s10 =	sadd.s32 $0x2000, s10;
	[sflag:s8] =	ssyncadd.s32 $0xFFFFE000  }
0x27e: {  	s9 =	sadd.s32 $0x1, s9  }
0x27f: {  	p0 =	sne.s32 s9, s4  }
.Ltmp2:
0x280: {  	_ = 	snop;
	(pc) =	sbr.rel @p0 .LBB2_1-.Ltmp2, $1  }
0x281: {  	_ =	sdelay $0x3  }
0x282: {  	_ =	sfence.sel $0x180000  }
0x283: {  	[bflag:$0x0] =	sbarrier.arrive $0xFFFF  }
0x284: {  	p0 =	sne.s32 s1, $0x0;
	_ =	strace $0x90000047  }
0x285: {  	s0 =	sadd.s32 @!p0 $0x100000, s0;
	[bflag:$0x2] =	sbarrier.arrive $0xFFFF  }
0x286: {  	[sflag:s0] =	ssyncadd.tile.s32 @!p0 $0x1;
	_ =	shalt  }
.Lfunc_end2:
_tile_overlayer_lowered:
.L_overlay_start_2:
0x287: {  	(tag) =	ssettag $0x2  }
0x288: {  	s0 =	rddreg [dreg:$0x0];
	s2 =	stileid.u32  }
0x289: {  	s1 =	rddreg [dreg:$0x1];
	p0 =	sne.s32 s2, $0x0  }
0x28a: {  	s3 =	rddreg [dreg:$0x2];
	[bflag:$0x3] =	sbarrier.arrive $0xFFFF;
	s2 =	simm.s32 @!p0 $0x1C01  }
0x28b: {  	[timem:s3], [sflag:s2] =	dma.local @!p0 [hbm:s0], s1  }
0x28c: {  	s0 =	simm.s32 @!p0 $0x1  }
0x28d: {  	_ =	swait.ge @!p0 [sflag:s0], s1  }
0x28e: {  	s1 =	ssub.s32 @!p0 $0x0, s1;
	[sflag:s0] =	ssyncset.done @!p0 $0x0  }
0x28f: {  	[sflag:s0] =	ssyncadd.s32 @!p0 s1  }
0x290: {  	[bflag:$0x3] =	sbarrier.arrive $0xFFFF  }
0x291: {  	_ =	shalt  }

</sc_bundles>
